<compile_context>
chip_gen: v7x
topology: tpu7x:2x2x1
jax: 0.10.2.dev20260603
libtpu: 0.0.44.dev20260713+nightly
codegen_flags: <defaults>
</compile_context>

<pallas_src>
import functools

import jax
import jax.numpy as jnp
from jax import lax
from jax.experimental import pallas as pl
from jax.experimental.pallas import tpu as pltpu, tpu_sc as plsc

_PAD_C = 16
_ROW_BLK = 8192


def _proj_body(inv_l, e_ref, wt_ref, b_ref, o_ref):
    _, r8 = e_ref.shape
    c, e = wt_ref.shape
    w = wt_ref[...].T * inv_l
    w_pad = jnp.concatenate(
        [w, jnp.zeros((e, _PAD_C - c), jnp.float32)], axis=1)
    w_tiled = jnp.tile(w_pad, (1, 128 // _PAD_C))
    b = b_ref[...] * inv_l
    b_pad = jnp.concatenate(
        [b, jnp.zeros((1, _PAD_C - c), jnp.float32)], axis=1)
    b_tiled = jnp.tile(b_pad, (1, 128 // _PAD_C))

    q = lax.dot_general(
        e_ref[...], w_tiled,
        (((0,), (0,)), ((), ())),
        preferred_element_type=jnp.float32,
    )
    i0 = lax.broadcasted_iota(jnp.int32, q.shape, 0)
    i1 = lax.broadcasted_iota(jnp.int32, q.shape, 1)
    qm = jnp.where((i0 % 8) == (i1 // _PAD_C), q, 0.0)
    o_ref[...] = qm.reshape(r8 // 8, 8, 128).sum(axis=1) + b_tiled


def _project_table(emb_t, fc_w_t, fc_b_row, inv_l):
    e, v = emb_t.shape
    c = fc_w_t.shape[0]
    grid = (v + _ROW_BLK - 1) // _ROW_BLK
    return pl.pallas_call(
        functools.partial(_proj_body, inv_l),
        grid=(grid,),
        in_specs=[
            pl.BlockSpec((e, _ROW_BLK), lambda i: (0, i)),
            pl.BlockSpec((c, e), lambda i: (0, 0)),
            pl.BlockSpec((1, c), lambda i: (0, 0)),
        ],
        out_specs=pl.BlockSpec((_ROW_BLK // 8, 128), lambda i: (i, 0)),
        out_shape=jax.ShapeDtypeStruct((v // 8, 128), jnp.float32),
    )(emb_t, fc_w_t, fc_b_row)


def _make_sc_pool(n_batch, seq_len, n_workers):
    per_w_tok = n_batch * seq_len // n_workers
    per_w_b = n_batch // n_workers
    chunk = 2 * seq_len
    n_chunks = per_w_tok // chunk
    n_groups = 4
    mesh = plsc.VectorSubcoreMesh(core_axis_name="c", subcore_axis_name="s")

    @functools.partial(
        pl.kernel,
        out_type=jax.ShapeDtypeStruct((n_batch, _PAD_C), jnp.float32),
        mesh=mesh,
        scratch_types=[
            pltpu.VMEM((n_chunks, chunk), jnp.int32),
            pltpu.VMEM((per_w_tok, _PAD_C), jnp.float32),
            pltpu.VMEM((per_w_b, _PAD_C), jnp.float32),
            pltpu.SemaphoreType.DMA,
            pltpu.SemaphoreType.DMA,
            pltpu.SemaphoreType.DMA,
            pltpu.SemaphoreType.DMA,
        ],
        compiler_params=pltpu.CompilerParams(use_tc_tiling_on_sc=False),
    )
    def sc_pool(idx_hbm, p_hbm, out_hbm, idx_v, rows_v, out_v, *sems):
        nc = mesh.num_cores
        wid = lax.axis_index("s") * nc + lax.axis_index("c")
        g_chunks = n_chunks // n_groups
        g_rows = per_w_b // n_groups

        pltpu.sync_copy(idx_hbm.at[wid], idx_v)

        def fire(g, sem):
            def body(j, _):
                k = g * g_chunks + j
                pltpu.async_copy(
                    p_hbm.at[idx_v.at[k]],
                    rows_v.at[pl.ds(k * chunk, chunk)],
                    sem,
                )
                return _
            lax.fori_loop(0, g_chunks, body, None)

        def drain(g, sem):
            def body(j, _):
                k = g * g_chunks + j
                pltpu.make_async_copy(
                    p_hbm.at[idx_v.at[k]],
                    rows_v.at[pl.ds(k * chunk, chunk)],
                    sem,
                ).wait()
                return _
            lax.fori_loop(0, g_chunks, body, None)

        def pool(g):
            def pool_one(r, _):
                b = g * g_rows + r
                base = b * seq_len
                acc0 = rows_v[base]
                acc1 = rows_v[base + 1]
                for t in range(2, seq_len, 2):
                    acc0 = acc0 + rows_v[base + t]
                    acc1 = acc1 + rows_v[base + t + 1]
                out_v[b] = acc0 + acc1
                return _
            lax.fori_loop(0, g_rows, pool_one, None)

        for g in range(n_groups):
            fire(g, sems[g])
        for g in range(n_groups):
            drain(g, sems[g])
            pool(g)

        pltpu.sync_copy(out_v, out_hbm.at[pl.ds(wid * per_w_b, per_w_b)])

    return sc_pool


def kernel(text, emb_table, fc_w, fc_b):
    n_batch, seq_len = text.shape
    v, e = emb_table.shape
    c = fc_w.shape[1]
    info = plsc.get_sparse_core_info()
    n_workers = info.num_cores * info.num_subcores

    inv_l = 1.0 / seq_len
    proj = _project_table(emb_table.T, fc_w.T, fc_b[None, :], inv_l)
    proj16 = proj.reshape(v, _PAD_C)

    idx = text.astype(jnp.int32).reshape(n_workers, -1, 2 * seq_len)
    pooled = _make_sc_pool(n_batch, seq_len, n_workers)(idx, proj16)
    return pooled[:, :c]

# --- scband reference (transcript-rebuilt; emitter-appended) ---
"""Pipeline reference for scband-text-classification-model-61546881351998 (READ-ONLY COPY).

The authoritative reference and input builder live on the scoring server;
editing this copy changes nothing except your own understanding.
"""

import jax, jax.numpy as jnp
import numpy as np

VOCAB = 100000
EMBED = 64
NUM_CLASS = 4
B = 4096
L = 50

def setup_inputs(seed: int = 0) -> dict:
    key = jax.random.key(seed)
    k1, k2, k3, k4 = jax.random.split(key, 4)
    text = jax.random.randint(k1, (B, L), 0, VOCAB, dtype=jnp.int64 if jax.config.jax_enable_x64 else jnp.int32)
    emb_table = jax.random.normal(k2, (VOCAB, EMBED), dtype=jnp.float32) * 0.02
    fc_w = jax.random.normal(k3, (EMBED, NUM_CLASS), dtype=jnp.float32) * (1.0 / np.sqrt(EMBED))
    fc_b = jax.random.normal(k4, (NUM_CLASS,), dtype=jnp.float32) * 0.01
    return {"text": text, "emb_table": emb_table, "fc_w": fc_w, "fc_b": fc_b}

def reference(text, emb_table, fc_w, fc_b):
    # embedding lookup: [B, L, EMBED]
    embedded = jnp.take(emb_table, text, axis=0)
    # mean pool over sequence dim
    pooled = jnp.mean(embedded, axis=1)
    # linear projection to num_class
    logits = pooled @ fc_w + fc_b
    return logits

if __name__ == "__main__":
    import jax
    _d = setup_inputs()
    print(jax.jit(kernel)(*tuple(_d.values())))

</pallas_src>

<mosaic_0001>
#map = affine_map<(d0, d1) -> (0, 0, 0)>
#map1 = affine_map<(d0, d1) -> (0, 0)>
module attributes {stable_mosaic.version = 14 : i64} {
  func.func @sc_pool(%arg0: i32, %arg1: i32, %arg2: memref<32x64x100xi32, #tpu.memory_space<hbm>>, %arg3: memref<100000x16xf32, #tpu.memory_space<hbm>>, %arg4: memref<4096x16xf32, #tpu.memory_space<hbm>>, %arg5: memref<64x100xi32, #tpu.memory_space<vmem>>, %arg6: memref<6400x16xf32, #tpu.memory_space<vmem>>, %arg7: memref<128x16xf32, #tpu.memory_space<vmem>>, %arg8: memref<!tpu.dma_semaphore, #tpu.memory_space<semaphore_mem>>, %arg9: memref<!tpu.dma_semaphore, #tpu.memory_space<semaphore_mem>>, %arg10: memref<!tpu.dma_semaphore, #tpu.memory_space<semaphore_mem>>, %arg11: memref<!tpu.dma_semaphore, #tpu.memory_space<semaphore_mem>>) attributes {dimension_semantics = [#tpu.dimension_semantics<core_parallel>, #tpu.dimension_semantics<subcore_parallel>], iteration_bounds = array<i64: 2, 16>, scalar_prefetch = 0 : i64, scratch_operands = 7 : i64, tpu.core_type = #tpu.core_type<sc_vector_subcore>, window_params = [{transform_indices = #map}, {transform_indices = #map1}, {transform_indices = #map1}]} {
    %mul3A = arith.constant 2 : i32
    %mul3A_0 = arith.muli %arg1, %mul3A : i32
    %add3A = arith.addi %mul3A_0, %arg0 : i32
    "tpu.region"() ({
      %run_scoped3A = tpu.sem_alloc : memref<!tpu.dma_semaphore, #tpu.memory_space<semaphore_mem>>
      %dma_start3A = arith.constant 0 : i32
      %dma_start3A_62 = arith.constant 0 : i32
      %dma_start3A_63 = tpu.memref_slice %arg2[%add3A, %dma_start3A, %dma_start3A_62] : memref<32x64x100xi32, #tpu.memory_space<hbm>> -> memref<1x64x100xi32, #tpu.memory_space<hbm>>
      %dma_start3A_64 = tpu.memref_squeeze %dma_start3A_63 : memref<1x64x100xi32, #tpu.memory_space<hbm>> -> memref<64x100xi32, #tpu.memory_space<hbm>>
      %dma_start3A_65 = arith.constant 0 : i32
      %dma_start3A_66 = arith.constant 0 : i32
      %dma_start3A_67 = tpu.memref_slice %arg2[%add3A, %dma_start3A_65, %dma_start3A_66] : memref<32x64x100xi32, #tpu.memory_space<hbm>> -> memref<1x64x100xi32, #tpu.memory_space<hbm>>
      %dma_start3A_68 = tpu.memref_squeeze %dma_start3A_67 : memref<1x64x100xi32, #tpu.memory_space<hbm>> -> memref<64x100xi32, #tpu.memory_space<hbm>>
      tpu.enqueue_dma source(%dma_start3A_68 : memref<64x100xi32, #tpu.memory_space<hbm>>) target(%arg5 : memref<64x100xi32, #tpu.memory_space<vmem>>) target_semaphore(%run_scoped3A : memref<!tpu.dma_semaphore, #tpu.memory_space<semaphore_mem>>)
      %dma_wait3A = arith.constant 0 : i32
      %dma_wait3A_69 = arith.constant 0 : i32
      %dma_wait3A_70 = tpu.memref_slice %arg2[%add3A, %dma_wait3A, %dma_wait3A_69] : memref<32x64x100xi32, #tpu.memory_space<hbm>> -> memref<1x64x100xi32, #tpu.memory_space<hbm>>
      %dma_wait3A_71 = tpu.memref_squeeze %dma_wait3A_70 : memref<1x64x100xi32, #tpu.memory_space<hbm>> -> memref<64x100xi32, #tpu.memory_space<hbm>>
      %dma_wait3A_72 = arith.constant 0 : i32
      %dma_wait3A_73 = arith.constant 0 : i32
      %dma_wait3A_74 = tpu.memref_slice %arg2[%add3A, %dma_wait3A_72, %dma_wait3A_73] : memref<32x64x100xi32, #tpu.memory_space<hbm>> -> memref<1x64x100xi32, #tpu.memory_space<hbm>>
      %dma_wait3A_75 = tpu.memref_squeeze %dma_wait3A_74 : memref<1x64x100xi32, #tpu.memory_space<hbm>> -> memref<64x100xi32, #tpu.memory_space<hbm>>
      tpu.wait_dma2 semaphore(%run_scoped3A : memref<!tpu.dma_semaphore, #tpu.memory_space<semaphore_mem>>) src(%dma_wait3A_75 : memref<64x100xi32, #tpu.memory_space<hbm>>) dst(%arg5 : memref<64x100xi32, #tpu.memory_space<vmem>>)
      tpu.yield
    }) : () -> ()
    %scan3A = arith.constant 0 : i32
    %scan3A_1 = arith.constant 16 : i32
    %scan3A_2 = arith.addi %scan3A, %scan3A_1 : i32
    %scan3A_3 = arith.constant 1 : i32
    scf.for %scan3A_62 = %scan3A to %scan3A_2 step %scan3A_3  : i32 {
      %add3A_63 = arith.constant 0 : i32
      %add3A_64 = arith.addi %add3A_63, %scan3A_62 : i32
      %mul3A_65 = arith.constant 100 : i32
      %mul3A_66 = arith.muli %add3A_64, %mul3A_65 : i32
      %dma_start3A = arith.constant 0 : i32
      %dma_start3A_67 = tpu.memref_slice %arg6[%mul3A_66, %dma_start3A] : memref<6400x16xf32, #tpu.memory_space<vmem>> -> memref<100x16xf32, #tpu.memory_space<vmem>>
      %dma_start3A_68 = arith.constant 0 : i32
      %dma_start3A_69 = tpu.memref_slice %arg5[%add3A_64, %dma_start3A_68] : memref<64x100xi32, #tpu.memory_space<vmem>> -> memref<1x100xi32, #tpu.memory_space<vmem>>
      %dma_start3A_70 = tpu.memref_squeeze %dma_start3A_69 : memref<1x100xi32, #tpu.memory_space<vmem>> -> memref<100xi32, #tpu.memory_space<vmem>>
      %dma_start3A_71 = arith.constant 0 : i32
      %dma_start3A_72 = arith.constant 0 : i32
      %dma_start3A_73 = tpu.memref_slice %arg3[%dma_start3A_71, %dma_start3A_72] : memref<100000x16xf32, #tpu.memory_space<hbm>> -> memref<100000x16xf32, #tpu.memory_space<hbm>>
      tpu.enqueue_indirect_dma source(%dma_start3A_73 : memref<100000x16xf32, #tpu.memory_space<hbm>>) target(%dma_start3A_67 : memref<100x16xf32, #tpu.memory_space<vmem>>) offsets(%dma_start3A_70 : memref<100xi32, #tpu.memory_space<vmem>>) semaphore(%arg8 : memref<!tpu.dma_semaphore, #tpu.memory_space<semaphore_mem>>)
    }
    %scan3A_4 = arith.constant 16 : i32
    %scan3A_5 = arith.constant 0 : i32
    %scan3A_6 = arith.constant 16 : i32
    %scan3A_7 = arith.addi %scan3A_5, %scan3A_6 : i32
    %scan3A_8 = arith.constant 1 : i32
    scf.for %scan3A_62 = %scan3A_5 to %scan3A_7 step %scan3A_8  : i32 {
      %add3A_63 = arith.constant 16 : i32
      %add3A_64 = arith.addi %add3A_63, %scan3A_62 : i32
      %mul3A_65 = arith.constant 100 : i32
      %mul3A_66 = arith.muli %add3A_64, %mul3A_65 : i32
      %dma_start3A = arith.constant 0 : i32
      %dma_start3A_67 = tpu.memref_slice %arg6[%mul3A_66, %dma_start3A] : memref<6400x16xf32, #tpu.memory_space<vmem>> -> memref<100x16xf32, #tpu.memory_space<vmem>>
      %dma_start3A_68 = arith.constant 0 : i32
      %dma_start3A_69 = tpu.memref_slice %arg5[%add3A_64, %dma_start3A_68] : memref<64x100xi32, #tpu.memory_space<vmem>> -> memref<1x100xi32, #tpu.memory_space<vmem>>
      %dma_start3A_70 = tpu.memref_squeeze %dma_start3A_69 : memref<1x100xi32, #tpu.memory_space<vmem>> -> memref<100xi32, #tpu.memory_space<vmem>>
      %dma_start3A_71 = arith.constant 0 : i32
      %dma_start3A_72 = arith.constant 0 : i32
      %dma_start3A_73 = tpu.memref_slice %arg3[%dma_start3A_71, %dma_start3A_72] : memref<100000x16xf32, #tpu.memory_space<hbm>> -> memref<100000x16xf32, #tpu.memory_space<hbm>>
      tpu.enqueue_indirect_dma source(%dma_start3A_73 : memref<100000x16xf32, #tpu.memory_space<hbm>>) target(%dma_start3A_67 : memref<100x16xf32, #tpu.memory_space<vmem>>) offsets(%dma_start3A_70 : memref<100xi32, #tpu.memory_space<vmem>>) semaphore(%arg9 : memref<!tpu.dma_semaphore, #tpu.memory_space<semaphore_mem>>)
    }
    %scan3A_9 = arith.constant 16 : i32
    %scan3A_10 = arith.constant 0 : i32
    %scan3A_11 = arith.constant 16 : i32
    %scan3A_12 = arith.addi %scan3A_10, %scan3A_11 : i32
    %scan3A_13 = arith.constant 1 : i32
    scf.for %scan3A_62 = %scan3A_10 to %scan3A_12 step %scan3A_13  : i32 {
      %add3A_63 = arith.constant 32 : i32
      %add3A_64 = arith.addi %add3A_63, %scan3A_62 : i32
      %mul3A_65 = arith.constant 100 : i32
      %mul3A_66 = arith.muli %add3A_64, %mul3A_65 : i32
      %dma_start3A = arith.constant 0 : i32
      %dma_start3A_67 = tpu.memref_slice %arg6[%mul3A_66, %dma_start3A] : memref<6400x16xf32, #tpu.memory_space<vmem>> -> memref<100x16xf32, #tpu.memory_space<vmem>>
      %dma_start3A_68 = arith.constant 0 : i32
      %dma_start3A_69 = tpu.memref_slice %arg5[%add3A_64, %dma_start3A_68] : memref<64x100xi32, #tpu.memory_space<vmem>> -> memref<1x100xi32, #tpu.memory_space<vmem>>
      %dma_start3A_70 = tpu.memref_squeeze %dma_start3A_69 : memref<1x100xi32, #tpu.memory_space<vmem>> -> memref<100xi32, #tpu.memory_space<vmem>>
      %dma_start3A_71 = arith.constant 0 : i32
      %dma_start3A_72 = arith.constant 0 : i32
      %dma_start3A_73 = tpu.memref_slice %arg3[%dma_start3A_71, %dma_start3A_72] : memref<100000x16xf32, #tpu.memory_space<hbm>> -> memref<100000x16xf32, #tpu.memory_space<hbm>>
      tpu.enqueue_indirect_dma source(%dma_start3A_73 : memref<100000x16xf32, #tpu.memory_space<hbm>>) target(%dma_start3A_67 : memref<100x16xf32, #tpu.memory_space<vmem>>) offsets(%dma_start3A_70 : memref<100xi32, #tpu.memory_space<vmem>>) semaphore(%arg10 : memref<!tpu.dma_semaphore, #tpu.memory_space<semaphore_mem>>)
    }
    %scan3A_14 = arith.constant 16 : i32
    %scan3A_15 = arith.constant 0 : i32
    %scan3A_16 = arith.constant 16 : i32
    %scan3A_17 = arith.addi %scan3A_15, %scan3A_16 : i32
    %scan3A_18 = arith.constant 1 : i32
    scf.for %scan3A_62 = %scan3A_15 to %scan3A_17 step %scan3A_18  : i32 {
      %add3A_63 = arith.constant 48 : i32
      %add3A_64 = arith.addi %add3A_63, %scan3A_62 : i32
      %mul3A_65 = arith.constant 100 : i32
      %mul3A_66 = arith.muli %add3A_64, %mul3A_65 : i32
      %dma_start3A = arith.constant 0 : i32
      %dma_start3A_67 = tpu.memref_slice %arg6[%mul3A_66, %dma_start3A] : memref<6400x16xf32, #tpu.memory_space<vmem>> -> memref<100x16xf32, #tpu.memory_space<vmem>>
      %dma_start3A_68 = arith.constant 0 : i32
      %dma_start3A_69 = tpu.memref_slice %arg5[%add3A_64, %dma_start3A_68] : memref<64x100xi32, #tpu.memory_space<vmem>> -> memref<1x100xi32, #tpu.memory_space<vmem>>
      %dma_start3A_70 = tpu.memref_squeeze %dma_start3A_69 : memref<1x100xi32, #tpu.memory_space<vmem>> -> memref<100xi32, #tpu.memory_space<vmem>>
      %dma_start3A_71 = arith.constant 0 : i32
      %dma_start3A_72 = arith.constant 0 : i32
      %dma_start3A_73 = tpu.memref_slice %arg3[%dma_start3A_71, %dma_start3A_72] : memref<100000x16xf32, #tpu.memory_space<hbm>> -> memref<100000x16xf32, #tpu.memory_space<hbm>>
      tpu.enqueue_indirect_dma source(%dma_start3A_73 : memref<100000x16xf32, #tpu.memory_space<hbm>>) target(%dma_start3A_67 : memref<100x16xf32, #tpu.memory_space<vmem>>) offsets(%dma_start3A_70 : memref<100xi32, #tpu.memory_space<vmem>>) semaphore(%arg11 : memref<!tpu.dma_semaphore, #tpu.memory_space<semaphore_mem>>)
    }
    %scan3A_19 = arith.constant 16 : i32
    %scan3A_20 = arith.constant 0 : i32
    %scan3A_21 = arith.constant 16 : i32
    %scan3A_22 = arith.addi %scan3A_20, %scan3A_21 : i32
    %scan3A_23 = arith.constant 1 : i32
    scf.for %scan3A_62 = %scan3A_20 to %scan3A_22 step %scan3A_23  : i32 {
      %add3A_63 = arith.constant 0 : i32
      %add3A_64 = arith.addi %add3A_63, %scan3A_62 : i32
      %mul3A_65 = arith.constant 100 : i32
      %mul3A_66 = arith.muli %add3A_64, %mul3A_65 : i32
      %dma_wait3A = arith.constant 0 : i32
      %dma_wait3A_67 = tpu.memref_slice %arg6[%mul3A_66, %dma_wait3A] : memref<6400x16xf32, #tpu.memory_space<vmem>> -> memref<100x16xf32, #tpu.memory_space<vmem>>
      %dma_wait3A_68 = arith.constant 0 : i32
      %dma_wait3A_69 = tpu.memref_slice %arg5[%add3A_64, %dma_wait3A_68] : memref<64x100xi32, #tpu.memory_space<vmem>> -> memref<1x100xi32, #tpu.memory_space<vmem>>
      %dma_wait3A_70 = tpu.memref_squeeze %dma_wait3A_69 : memref<1x100xi32, #tpu.memory_space<vmem>> -> memref<100xi32, #tpu.memory_space<vmem>>
      %dma_wait3A_71 = arith.constant 0 : i32
      %dma_wait3A_72 = arith.constant 0 : i32
      %dma_wait3A_73 = tpu.memref_slice %arg3[%dma_wait3A_71, %dma_wait3A_72] : memref<100000x16xf32, #tpu.memory_space<hbm>> -> memref<100000x16xf32, #tpu.memory_space<hbm>>
      tpu.wait_indirect_dma semaphore(%arg8 : memref<!tpu.dma_semaphore, #tpu.memory_space<semaphore_mem>>) src(%dma_wait3A_73 : memref<100000x16xf32, #tpu.memory_space<hbm>>) dst(%dma_wait3A_67 : memref<100x16xf32, #tpu.memory_space<vmem>>)
    }
    %scan3A_24 = arith.constant 16 : i32
    %scan3A_25 = arith.constant 0 : i32
    %scan3A_26 = arith.constant 32 : i32
    %scan3A_27 = arith.addi %scan3A_25, %scan3A_26 : i32
    %scan3A_28 = arith.constant 1 : i32
    scf.for %scan3A_62 = %scan3A_25 to %scan3A_27 step %scan3A_28  : i32 {
      %add3A_63 = arith.constant 0 : i32
      %add3A_64 = arith.addi %add3A_63, %scan3A_62 : i32
      %mul3A_65 = arith.constant 50 : i32
      %mul3A_66 = arith.muli %add3A_64, %mul3A_65 : i32
      %get3A = arith.index_cast %mul3A_66 : i32 to index
      %get3A_67 = arith.constant 0 : index
      %get3A_68 = tpu.vector_load %arg6[%get3A, %get3A_67] {strides = array<i32>} : memref<6400x16xf32, #tpu.memory_space<vmem>>, vector<1x16xf32>,
      %get3A_69 = vector.shape_cast %get3A_68 : vector<1x16xf32> to vector<16xf32>
      %add3A_70 = arith.constant 1 : i32
      %add3A_71 = arith.addi %mul3A_66, %add3A_70 : i32
      %get3A_72 = arith.index_cast %add3A_71 : i32 to index
      %get3A_73 = arith.constant 0 : index
      %get3A_74 = tpu.vector_load %arg6[%get3A_72, %get3A_73] {strides = array<i32>} : memref<6400x16xf32, #tpu.memory_space<vmem>>, vector<1x16xf32>,
      %get3A_75 = vector.shape_cast %get3A_74 : vector<1x16xf32> to vector<16xf32>
      %add3A_76 = arith.constant 2 : i32
      %add3A_77 = arith.addi %mul3A_66, %add3A_76 : i32
      %get3A_78 = arith.index_cast %add3A_77 : i32 to index
      %get3A_79 = arith.constant 0 : index
      %get3A_80 = tpu.vector_load %arg6[%get3A_78, %get3A_79] {strides = array<i32>} : memref<6400x16xf32, #tpu.memory_space<vmem>>, vector<1x16xf32>,
      %get3A_81 = vector.shape_cast %get3A_80 : vector<1x16xf32> to vector<16xf32>
      %add3A_82 = arith.addf %get3A_69, %get3A_81 : vector<16xf32>
      %add3A_83 = arith.constant 2 : i32
      %add3A_84 = arith.addi %mul3A_66, %add3A_83 : i32
      %add3A_85 = arith.constant 1 : i32
      %add3A_86 = arith.addi %add3A_84, %add3A_85 : i32
      %get3A_87 = arith.index_cast %add3A_86 : i32 to index
      %get3A_88 = arith.constant 0 : index
      %get3A_89 = tpu.vector_load %arg6[%get3A_87, %get3A_88] {strides = array<i32>} : memref<6400x16xf32, #tpu.memory_space<vmem>>, vector<1x16xf32>,
      %get3A_90 = vector.shape_cast %get3A_89 : vector<1x16xf32> to vector<16xf32>
      %add3A_91 = arith.addf %get3A_75, %get3A_90 : vector<16xf32>
      %add3A_92 = arith.constant 4 : i32
      %add3A_93 = arith.addi %mul3A_66, %add3A_92 : i32
      %get3A_94 = arith.index_cast %add3A_93 : i32 to index
      %get3A_95 = arith.constant 0 : index
      %get3A_96 = tpu.vector_load %arg6[%get3A_94, %get3A_95] {strides = array<i32>} : memref<6400x16xf32, #tpu.memory_space<vmem>>, vector<1x16xf32>,
      %get3A_97 = vector.shape_cast %get3A_96 : vector<1x16xf32> to vector<16xf32>
      %add3A_98 = arith.addf %add3A_82, %get3A_97 : vector<16xf32>
      %add3A_99 = arith.constant 4 : i32
      %add3A_100 = arith.addi %mul3A_66, %add3A_99 : i32
      %add3A_101 = arith.constant 1 : i32
      %add3A_102 = arith.addi %add3A_100, %add3A_101 : i32
      %get3A_103 = arith.index_cast %add3A_102 : i32 to index
      %get3A_104 = arith.constant 0 : index
      %get3A_105 = tpu.vector_load %arg6[%get3A_103, %get3A_104] {strides = array<i32>} : memref<6400x16xf32, #tpu.memory_space<vmem>>, vector<1x16xf32>,
      %get3A_106 = vector.shape_cast %get3A_105 : vector<1x16xf32> to vector<16xf32>
      %add3A_107 = arith.addf %add3A_91, %get3A_106 : vector<16xf32>
      %add3A_108 = arith.constant 6 : i32
      %add3A_109 = arith.addi %mul3A_66, %add3A_108 : i32
      %get3A_110 = arith.index_cast %add3A_109 : i32 to index
      %get3A_111 = arith.constant 0 : index
      %get3A_112 = tpu.vector_load %arg6[%get3A_110, %get3A_111] {strides = array<i32>} : memref<6400x16xf32, #tpu.memory_space<vmem>>, vector<1x16xf32>,
      %get3A_113 = vector.shape_cast %get3A_112 : vector<1x16xf32> to vector<16xf32>
      %add3A_114 = arith.addf %add3A_98, %get3A_113 : vector<16xf32>
      %add3A_115 = arith.constant 6 : i32
      %add3A_116 = arith.addi %mul3A_66, %add3A_115 : i32
      %add3A_117 = arith.constant 1 : i32
      %add3A_118 = arith.addi %add3A_116, %add3A_117 : i32
      %get3A_119 = arith.index_cast %add3A_118 : i32 to index
      %get3A_120 = arith.constant 0 : index
      %get3A_121 = tpu.vector_load %arg6[%get3A_119, %get3A_120] {strides = array<i32>} : memref<6400x16xf32, #tpu.memory_space<vmem>>, vector<1x16xf32>,
      %get3A_122 = vector.shape_cast %get3A_121 : vector<1x16xf32> to vector<16xf32>
      %add3A_123 = arith.addf %add3A_107, %get3A_122 : vector<16xf32>
      %add3A_124 = arith.constant 8 : i32
      %add3A_125 = arith.addi %mul3A_66, %add3A_124 : i32
      %get3A_126 = arith.index_cast %add3A_125 : i32 to index
      %get3A_127 = arith.constant 0 : index
      %get3A_128 = tpu.vector_load %arg6[%get3A_126, %get3A_127] {strides = array<i32>} : memref<6400x16xf32, #tpu.memory_space<vmem>>, vector<1x16xf32>,
      %get3A_129 = vector.shape_cast %get3A_128 : vector<1x16xf32> to vector<16xf32>
      %add3A_130 = arith.addf %add3A_114, %get3A_129 : vector<16xf32>
      %add3A_131 = arith.constant 8 : i32
      %add3A_132 = arith.addi %mul3A_66, %add3A_131 : i32
      %add3A_133 = arith.constant 1 : i32
      %add3A_134 = arith.addi %add3A_132, %add3A_133 : i32
      %get3A_135 = arith.index_cast %add3A_134 : i32 to index
      %get3A_136 = arith.constant 0 : index
      %get3A_137 = tpu.vector_load %arg6[%get3A_135, %get3A_136] {strides = array<i32>} : memref<6400x16xf32, #tpu.memory_space<vmem>>, vector<1x16xf32>,
      %get3A_138 = vector.shape_cast %get3A_137 : vector<1x16xf32> to vector<16xf32>
      %add3A_139 = arith.addf %add3A_123, %get3A_138 : vector<16xf32>
      %add3A_140 = arith.constant 10 : i32
      %add3A_141 = arith.addi %mul3A_66, %add3A_140 : i32
      %get3A_142 = arith.index_cast %add3A_141 : i32 to index
      %get3A_143 = arith.constant 0 : index
      %get3A_144 = tpu.vector_load %arg6[%get3A_142, %get3A_143] {strides = array<i32>} : memref<6400x16xf32, #tpu.memory_space<vmem>>, vector<1x16xf32>,
      %get3A_145 = vector.shape_cast %get3A_144 : vector<1x16xf32> to vector<16xf32>
      %add3A_146 = arith.addf %add3A_130, %get3A_145 : vector<16xf32>
      %add3A_147 = arith.constant 10 : i32
      %add3A_148 = arith.addi %mul3A_66, %add3A_147 : i32
      %add3A_149 = arith.constant 1 : i32
      %add3A_150 = arith.addi %add3A_148, %add3A_149 : i32
      %get3A_151 = arith.index_cast %add3A_150 : i32 to index
      %get3A_152 = arith.constant 0 : index
      %get3A_153 = tpu.vector_load %arg6[%get3A_151, %get3A_152] {strides = array<i32>} : memref<6400x16xf32, #tpu.memory_space<vmem>>, vector<1x16xf32>,
      %get3A_154 = vector.shape_cast %get3A_153 : vector<1x16xf32> to vector<16xf32>
      %add3A_155 = arith.addf %add3A_139, %get3A_154 : vector<16xf32>
      %add3A_156 = arith.constant 12 : i32
      %add3A_157 = arith.addi %mul3A_66, %add3A_156 : i32
      %get3A_158 = arith.index_cast %add3A_157 : i32 to index
      %get3A_159 = arith.constant 0 : index
      %get3A_160 = tpu.vector_load %arg6[%get3A_158, %get3A_159] {strides = array<i32>} : memref<6400x16xf32, #tpu.memory_space<vmem>>, vector<1x16xf32>,
      %get3A_161 = vector.shape_cast %get3A_160 : vector<1x16xf32> to vector<16xf32>
      %add3A_162 = arith.addf %add3A_146, %get3A_161 : vector<16xf32>
      %add3A_163 = arith.constant 12 : i32
      %add3A_164 = arith.addi %mul3A_66, %add3A_163 : i32
      %add3A_165 = arith.constant 1 : i32
      %add3A_166 = arith.addi %add3A_164, %add3A_165 : i32
      %get3A_167 = arith.index_cast %add3A_166 : i32 to index
      %get3A_168 = arith.constant 0 : index
      %get3A_169 = tpu.vector_load %arg6[%get3A_167, %get3A_168] {strides = array<i32>} : memref<6400x16xf32, #tpu.memory_space<vmem>>, vector<1x16xf32>,
      %get3A_170 = vector.shape_cast %get3A_169 : vector<1x16xf32> to vector<16xf32>
      %add3A_171 = arith.addf %add3A_155, %get3A_170 : vector<16xf32>
      %add3A_172 = arith.constant 14 : i32
      %add3A_173 = arith.addi %mul3A_66, %add3A_172 : i32
      %get3A_174 = arith.index_cast %add3A_173 : i32 to index
      %get3A_175 = arith.constant 0 : index
      %get3A_176 = tpu.vector_load %arg6[%get3A_174, %get3A_175] {strides = array<i32>} : memref<6400x16xf32, #tpu.memory_space<vmem>>, vector<1x16xf32>,
      %get3A_177 = vector.shape_cast %get3A_176 : vector<1x16xf32> to vector<16xf32>
      %add3A_178 = arith.addf %add3A_162, %get3A_177 : vector<16xf32>
      %add3A_179 = arith.constant 14 : i32
      %add3A_180 = arith.addi %mul3A_66, %add3A_179 : i32
      %add3A_181 = arith.constant 1 : i32
      %add3A_182 = arith.addi %add3A_180, %add3A_181 : i32
      %get3A_183 = arith.index_cast %add3A_182 : i32 to index
      %get3A_184 = arith.constant 0 : index
      %get3A_185 = tpu.vector_load %arg6[%get3A_183, %get3A_184] {strides = array<i32>} : memref<6400x16xf32, #tpu.memory_space<vmem>>, vector<1x16xf32>,
      %get3A_186 = vector.shape_cast %get3A_185 : vector<1x16xf32> to vector<16xf32>
      %add3A_187 = arith.addf %add3A_171, %get3A_186 : vector<16xf32>
      %add3A_188 = arith.constant 16 : i32
      %add3A_189 = arith.addi %mul3A_66, %add3A_188 : i32
      %get3A_190 = arith.index_cast %add3A_189 : i32 to index
      %get3A_191 = arith.constant 0 : index
      %get3A_192 = tpu.vector_load %arg6[%get3A_190, %get3A_191] {strides = array<i32>} : memref<6400x16xf32, #tpu.memory_space<vmem>>, vector<1x16xf32>,
      %get3A_193 = vector.shape_cast %get3A_192 : vector<1x16xf32> to vector<16xf32>
      %add3A_194 = arith.addf %add3A_178, %get3A_193 : vector<16xf32>
      %add3A_195 = arith.constant 16 : i32
      %add3A_196 = arith.addi %mul3A_66, %add3A_195 : i32
      %add3A_197 = arith.constant 1 : i32
      %add3A_198 = arith.addi %add3A_196, %add3A_197 : i32
      %get3A_199 = arith.index_cast %add3A_198 : i32 to index
      %get3A_200 = arith.constant 0 : index
      %get3A_201 = tpu.vector_load %arg6[%get3A_199, %get3A_200] {strides = array<i32>} : memref<6400x16xf32, #tpu.memory_space<vmem>>, vector<1x16xf32>,
      %get3A_202 = vector.shape_cast %get3A_201 : vector<1x16xf32> to vector<16xf32>
      %add3A_203 = arith.addf %add3A_187, %get3A_202 : vector<16xf32>
      %add3A_204 = arith.constant 18 : i32
      %add3A_205 = arith.addi %mul3A_66, %add3A_204 : i32
      %get3A_206 = arith.index_cast %add3A_205 : i32 to index
      %get3A_207 = arith.constant 0 : index
      %get3A_208 = tpu.vector_load %arg6[%get3A_206, %get3A_207] {strides = array<i32>} : memref<6400x16xf32, #tpu.memory_space<vmem>>, vector<1x16xf32>,
      %get3A_209 = vector.shape_cast %get3A_208 : vector<1x16xf32> to vector<16xf32>
      %add3A_210 = arith.addf %add3A_194, %get3A_209 : vector<16xf32>
      %add3A_211 = arith.constant 18 : i32
      %add3A_212 = arith.addi %mul3A_66, %add3A_211 : i32
      %add3A_213 = arith.constant 1 : i32
      %add3A_214 = arith.addi %add3A_212, %add3A_213 : i32
      %get3A_215 = arith.index_cast %add3A_214 : i32 to index
      %get3A_216 = arith.constant 0 : index
      %get3A_217 = tpu.vector_load %arg6[%get3A_215, %get3A_216] {strides = array<i32>} : memref<6400x16xf32, #tpu.memory_space<vmem>>, vector<1x16xf32>,
      %get3A_218 = vector.shape_cast %get3A_217 : vector<1x16xf32> to vector<16xf32>
      %add3A_219 = arith.addf %add3A_203, %get3A_218 : vector<16xf32>
      %add3A_220 = arith.constant 20 : i32
      %add3A_221 = arith.addi %mul3A_66, %add3A_220 : i32
      %get3A_222 = arith.index_cast %add3A_221 : i32 to index
      %get3A_223 = arith.constant 0 : index
      %get3A_224 = tpu.vector_load %arg6[%get3A_222, %get3A_223] {strides = array<i32>} : memref<6400x16xf32, #tpu.memory_space<vmem>>, vector<1x16xf32>,
      %get3A_225 = vector.shape_cast %get3A_224 : vector<1x16xf32> to vector<16xf32>
      %add3A_226 = arith.addf %add3A_210, %get3A_225 : vector<16xf32>
      %add3A_227 = arith.constant 20 : i32
      %add3A_228 = arith.addi %mul3A_66, %add3A_227 : i32
      %add3A_229 = arith.constant 1 : i32
      %add3A_230 = arith.addi %add3A_228, %add3A_229 : i32
      %get3A_231 = arith.index_cast %add3A_230 : i32 to index
      %get3A_232 = arith.constant 0 : index
      %get3A_233 = tpu.vector_load %arg6[%get3A_231, %get3A_232] {strides = array<i32>} : memref<6400x16xf32, #tpu.memory_space<vmem>>, vector<1x16xf32>,
      %get3A_234 = vector.shape_cast %get3A_233 : vector<1x16xf32> to vector<16xf32>
      %add3A_235 = arith.addf %add3A_219, %get3A_234 : vector<16xf32>
      %add3A_236 = arith.constant 22 : i32
      %add3A_237 = arith.addi %mul3A_66, %add3A_236 : i32
      %get3A_238 = arith.index_cast %add3A_237 : i32 to index
      %get3A_239 = arith.constant 0 : index
      %get3A_240 = tpu.vector_load %arg6[%get3A_238, %get3A_239] {strides = array<i32>} : memref<6400x16xf32, #tpu.memory_space<vmem>>, vector<1x16xf32>,
      %get3A_241 = vector.shape_cast %get3A_240 : vector<1x16xf32> to vector<16xf32>
      %add3A_242 = arith.addf %add3A_226, %get3A_241 : vector<16xf32>
      %add3A_243 = arith.constant 22 : i32
      %add3A_244 = arith.addi %mul3A_66, %add3A_243 : i32
      %add3A_245 = arith.constant 1 : i32
      %add3A_246 = arith.addi %add3A_244, %add3A_245 : i32
      %get3A_247 = arith.index_cast %add3A_246 : i32 to index
      %get3A_248 = arith.constant 0 : index
      %get3A_249 = tpu.vector_load %arg6[%get3A_247, %get3A_248] {strides = array<i32>} : memref<6400x16xf32, #tpu.memory_space<vmem>>, vector<1x16xf32>,
      %get3A_250 = vector.shape_cast %get3A_249 : vector<1x16xf32> to vector<16xf32>
      %add3A_251 = arith.addf %add3A_235, %get3A_250 : vector<16xf32>
      %add3A_252 = arith.constant 24 : i32
      %add3A_253 = arith.addi %mul3A_66, %add3A_252 : i32
      %get3A_254 = arith.index_cast %add3A_253 : i32 to index
      %get3A_255 = arith.constant 0 : index
      %get3A_256 = tpu.vector_load %arg6[%get3A_254, %get3A_255] {strides = array<i32>} : memref<6400x16xf32, #tpu.memory_space<vmem>>, vector<1x16xf32>,
      %get3A_257 = vector.shape_cast %get3A_256 : vector<1x16xf32> to vector<16xf32>
      %add3A_258 = arith.addf %add3A_242, %get3A_257 : vector<16xf32>
      %add3A_259 = arith.constant 24 : i32
      %add3A_260 = arith.addi %mul3A_66, %add3A_259 : i32
      %add3A_261 = arith.constant 1 : i32
      %add3A_262 = arith.addi %add3A_260, %add3A_261 : i32
      %get3A_263 = arith.index_cast %add3A_262 : i32 to index
      %get3A_264 = arith.constant 0 : index
      %get3A_265 = tpu.vector_load %arg6[%get3A_263, %get3A_264] {strides = array<i32>} : memref<6400x16xf32, #tpu.memory_space<vmem>>, vector<1x16xf32>,
      %get3A_266 = vector.shape_cast %get3A_265 : vector<1x16xf32> to vector<16xf32>
      %add3A_267 = arith.addf %add3A_251, %get3A_266 : vector<16xf32>
      %add3A_268 = arith.constant 26 : i32
      %add3A_269 = arith.addi %mul3A_66, %add3A_268 : i32
      %get3A_270 = arith.index_cast %add3A_269 : i32 to index
      %get3A_271 = arith.constant 0 : index
      %get3A_272 = tpu.vector_load %arg6[%get3A_270, %get3A_271] {strides = array<i32>} : memref<6400x16xf32, #tpu.memory_space<vmem>>, vector<1x16xf32>,
      %get3A_273 = vector.shape_cast %get3A_272 : vector<1x16xf32> to vector<16xf32>
      %add3A_274 = arith.addf %add3A_258, %get3A_273 : vector<16xf32>
      %add3A_275 = arith.constant 26 : i32
      %add3A_276 = arith.addi %mul3A_66, %add3A_275 : i32
      %add3A_277 = arith.constant 1 : i32
      %add3A_278 = arith.addi %add3A_276, %add3A_277 : i32
      %get3A_279 = arith.index_cast %add3A_278 : i32 to index
      %get3A_280 = arith.constant 0 : index
      %get3A_281 = tpu.vector_load %arg6[%get3A_279, %get3A_280] {strides = array<i32>} : memref<6400x16xf32, #tpu.memory_space<vmem>>, vector<1x16xf32>,
      %get3A_282 = vector.shape_cast %get3A_281 : vector<1x16xf32> to vector<16xf32>
      %add3A_283 = arith.addf %add3A_267, %get3A_282 : vector<16xf32>
      %add3A_284 = arith.constant 28 : i32
      %add3A_285 = arith.addi %mul3A_66, %add3A_284 : i32
      %get3A_286 = arith.index_cast %add3A_285 : i32 to index
      %get3A_287 = arith.constant 0 : index
      %get3A_288 = tpu.vector_load %arg6[%get3A_286, %get3A_287] {strides = array<i32>} : memref<6400x16xf32, #tpu.memory_space<vmem>>, vector<1x16xf32>,
      %get3A_289 = vector.shape_cast %get3A_288 : vector<1x16xf32> to vector<16xf32>
      %add3A_290 = arith.addf %add3A_274, %get3A_289 : vector<16xf32>
      %add3A_291 = arith.constant 28 : i32
      %add3A_292 = arith.addi %mul3A_66, %add3A_291 : i32
      %add3A_293 = arith.constant 1 : i32
      %add3A_294 = arith.addi %add3A_292, %add3A_293 : i32
      %get3A_295 = arith.index_cast %add3A_294 : i32 to index
      %get3A_296 = arith.constant 0 : index
      %get3A_297 = tpu.vector_load %arg6[%get3A_295, %get3A_296] {strides = array<i32>} : memref<6400x16xf32, #tpu.memory_space<vmem>>, vector<1x16xf32>,
      %get3A_298 = vector.shape_cast %get3A_297 : vector<1x16xf32> to vector<16xf32>
      %add3A_299 = arith.addf %add3A_283, %get3A_298 : vector<16xf32>
      %add3A_300 = arith.constant 30 : i32
      %add3A_301 = arith.addi %mul3A_66, %add3A_300 : i32
      %get3A_302 = arith.index_cast %add3A_301 : i32 to index
      %get3A_303 = arith.constant 0 : index
      %get3A_304 = tpu.vector_load %arg6[%get3A_302, %get3A_303] {strides = array<i32>} : memref<6400x16xf32, #tpu.memory_space<vmem>>, vector<1x16xf32>,
      %get3A_305 = vector.shape_cast %get3A_304 : vector<1x16xf32> to vector<16xf32>
      %add3A_306 = arith.addf %add3A_290, %get3A_305 : vector<16xf32>
      %add3A_307 = arith.constant 30 : i32
      %add3A_308 = arith.addi %mul3A_66, %add3A_307 : i32
      %add3A_309 = arith.constant 1 : i32
      %add3A_310 = arith.addi %add3A_308, %add3A_309 : i32
      %get3A_311 = arith.index_cast %add3A_310 : i32 to index
      %get3A_312 = arith.constant 0 : index
      %get3A_313 = tpu.vector_load %arg6[%get3A_311, %get3A_312] {strides = array<i32>} : memref<6400x16xf32, #tpu.memory_space<vmem>>, vector<1x16xf32>,
      %get3A_314 = vector.shape_cast %get3A_313 : vector<1x16xf32> to vector<16xf32>
      %add3A_315 = arith.addf %add3A_299, %get3A_314 : vector<16xf32>
      %add3A_316 = arith.constant 32 : i32
      %add3A_317 = arith.addi %mul3A_66, %add3A_316 : i32
      %get3A_318 = arith.index_cast %add3A_317 : i32 to index
      %get3A_319 = arith.constant 0 : index
      %get3A_320 = tpu.vector_load %arg6[%get3A_318, %get3A_319] {strides = array<i32>} : memref<6400x16xf32, #tpu.memory_space<vmem>>, vector<1x16xf32>,
      %get3A_321 = vector.shape_cast %get3A_320 : vector<1x16xf32> to vector<16xf32>
      %add3A_322 = arith.addf %add3A_306, %get3A_321 : vector<16xf32>
      %add3A_323 = arith.constant 32 : i32
      %add3A_324 = arith.addi %mul3A_66, %add3A_323 : i32
      %add3A_325 = arith.constant 1 : i32
      %add3A_326 = arith.addi %add3A_324, %add3A_325 : i32
      %get3A_327 = arith.index_cast %add3A_326 : i32 to index
      %get3A_328 = arith.constant 0 : index
      %get3A_329 = tpu.vector_load %arg6[%get3A_327, %get3A_328] {strides = array<i32>} : memref<6400x16xf32, #tpu.memory_space<vmem>>, vector<1x16xf32>,
      %get3A_330 = vector.shape_cast %get3A_329 : vector<1x16xf32> to vector<16xf32>
      %add3A_331 = arith.addf %add3A_315, %get3A_330 : vector<16xf32>
      %add3A_332 = arith.constant 34 : i32
      %add3A_333 = arith.addi %mul3A_66, %add3A_332 : i32
      %get3A_334 = arith.index_cast %add3A_333 : i32 to index
      %get3A_335 = arith.constant 0 : index
      %get3A_336 = tpu.vector_load %arg6[%get3A_334, %get3A_335] {strides = array<i32>} : memref<6400x16xf32, #tpu.memory_space<vmem>>, vector<1x16xf32>,
      %get3A_337 = vector.shape_cast %get3A_336 : vector<1x16xf32> to vector<16xf32>
      %add3A_338 = arith.addf %add3A_322, %get3A_337 : vector<16xf32>
      %add3A_339 = arith.constant 34 : i32
      %add3A_340 = arith.addi %mul3A_66, %add3A_339 : i32
      %add3A_341 = arith.constant 1 : i32
      %add3A_342 = arith.addi %add3A_340, %add3A_341 : i32
      %get3A_343 = arith.index_cast %add3A_342 : i32 to index
      %get3A_344 = arith.constant 0 : index
      %get3A_345 = tpu.vector_load %arg6[%get3A_343, %get3A_344] {strides = array<i32>} : memref<6400x16xf32, #tpu.memory_space<vmem>>, vector<1x16xf32>,
      %get3A_346 = vector.shape_cast %get3A_345 : vector<1x16xf32> to vector<16xf32>
      %add3A_347 = arith.addf %add3A_331, %get3A_346 : vector<16xf32>
      %add3A_348 = arith.constant 36 : i32
      %add3A_349 = arith.addi %mul3A_66, %add3A_348 : i32
      %get3A_350 = arith.index_cast %add3A_349 : i32 to index
      %get3A_351 = arith.constant 0 : index
      %get3A_352 = tpu.vector_load %arg6[%get3A_350, %get3A_351] {strides = array<i32>} : memref<6400x16xf32, #tpu.memory_space<vmem>>, vector<1x16xf32>,
      %get3A_353 = vector.shape_cast %get3A_352 : vector<1x16xf32> to vector<16xf32>
      %add3A_354 = arith.addf %add3A_338, %get3A_353 : vector<16xf32>
      %add3A_355 = arith.constant 36 : i32
      %add3A_356 = arith.addi %mul3A_66, %add3A_355 : i32
      %add3A_357 = arith.constant 1 : i32
      %add3A_358 = arith.addi %add3A_356, %add3A_357 : i32
      %get3A_359 = arith.index_cast %add3A_358 : i32 to index
      %get3A_360 = arith.constant 0 : index
      %get3A_361 = tpu.vector_load %arg6[%get3A_359, %get3A_360] {strides = array<i32>} : memref<6400x16xf32, #tpu.memory_space<vmem>>, vector<1x16xf32>,
      %get3A_362 = vector.shape_cast %get3A_361 : vector<1x16xf32> to vector<16xf32>
      %add3A_363 = arith.addf %add3A_347, %get3A_362 : vector<16xf32>
      %add3A_364 = arith.constant 38 : i32
      %add3A_365 = arith.addi %mul3A_66, %add3A_364 : i32
      %get3A_366 = arith.index_cast %add3A_365 : i32 to index
      %get3A_367 = arith.constant 0 : index
      %get3A_368 = tpu.vector_load %arg6[%get3A_366, %get3A_367] {strides = array<i32>} : memref<6400x16xf32, #tpu.memory_space<vmem>>, vector<1x16xf32>,
      %get3A_369 = vector.shape_cast %get3A_368 : vector<1x16xf32> to vector<16xf32>
      %add3A_370 = arith.addf %add3A_354, %get3A_369 : vector<16xf32>
      %add3A_371 = arith.constant 38 : i32
      %add3A_372 = arith.addi %mul3A_66, %add3A_371 : i32
      %add3A_373 = arith.constant 1 : i32
      %add3A_374 = arith.addi %add3A_372, %add3A_373 : i32
      %get3A_375 = arith.index_cast %add3A_374 : i32 to index
      %get3A_376 = arith.constant 0 : index
      %get3A_377 = tpu.vector_load %arg6[%get3A_375, %get3A_376] {strides = array<i32>} : memref<6400x16xf32, #tpu.memory_space<vmem>>, vector<1x16xf32>,
      %get3A_378 = vector.shape_cast %get3A_377 : vector<1x16xf32> to vector<16xf32>
      %add3A_379 = arith.addf %add3A_363, %get3A_378 : vector<16xf32>
      %add3A_380 = arith.constant 40 : i32
      %add3A_381 = arith.addi %mul3A_66, %add3A_380 : i32
      %get3A_382 = arith.index_cast %add3A_381 : i32 to index
      %get3A_383 = arith.constant 0 : index
      %get3A_384 = tpu.vector_load %arg6[%get3A_382, %get3A_383] {strides = array<i32>} : memref<6400x16xf32, #tpu.memory_space<vmem>>, vector<1x16xf32>,
      %get3A_385 = vector.shape_cast %get3A_384 : vector<1x16xf32> to vector<16xf32>
      %add3A_386 = arith.addf %add3A_370, %get3A_385 : vector<16xf32>
      %add3A_387 = arith.constant 40 : i32
      %add3A_388 = arith.addi %mul3A_66, %add3A_387 : i32
      %add3A_389 = arith.constant 1 : i32
      %add3A_390 = arith.addi %add3A_388, %add3A_389 : i32
      %get3A_391 = arith.index_cast %add3A_390 : i32 to index
      %get3A_392 = arith.constant 0 : index
      %get3A_393 = tpu.vector_load %arg6[%get3A_391, %get3A_392] {strides = array<i32>} : memref<6400x16xf32, #tpu.memory_space<vmem>>, vector<1x16xf32>,
      %get3A_394 = vector.shape_cast %get3A_393 : vector<1x16xf32> to vector<16xf32>
      %add3A_395 = arith.addf %add3A_379, %get3A_394 : vector<16xf32>
      %add3A_396 = arith.constant 42 : i32
      %add3A_397 = arith.addi %mul3A_66, %add3A_396 : i32
      %get3A_398 = arith.index_cast %add3A_397 : i32 to index
      %get3A_399 = arith.constant 0 : index
      %get3A_400 = tpu.vector_load %arg6[%get3A_398, %get3A_399] {strides = array<i32>} : memref<6400x16xf32, #tpu.memory_space<vmem>>, vector<1x16xf32>,
      %get3A_401 = vector.shape_cast %get3A_400 : vector<1x16xf32> to vector<16xf32>
      %add3A_402 = arith.addf %add3A_386, %get3A_401 : vector<16xf32>
      %add3A_403 = arith.constant 42 : i32
      %add3A_404 = arith.addi %mul3A_66, %add3A_403 : i32
      %add3A_405 = arith.constant 1 : i32
      %add3A_406 = arith.addi %add3A_404, %add3A_405 : i32
      %get3A_407 = arith.index_cast %add3A_406 : i32 to index
      %get3A_408 = arith.constant 0 : index
      %get3A_409 = tpu.vector_load %arg6[%get3A_407, %get3A_408] {strides = array<i32>} : memref<6400x16xf32, #tpu.memory_space<vmem>>, vector<1x16xf32>,
      %get3A_410 = vector.shape_cast %get3A_409 : vector<1x16xf32> to vector<16xf32>
      %add3A_411 = arith.addf %add3A_395, %get3A_410 : vector<16xf32>
      %add3A_412 = arith.constant 44 : i32
      %add3A_413 = arith.addi %mul3A_66, %add3A_412 : i32
      %get3A_414 = arith.index_cast %add3A_413 : i32 to index
      %get3A_415 = arith.constant 0 : index
      %get3A_416 = tpu.vector_load %arg6[%get3A_414, %get3A_415] {strides = array<i32>} : memref<6400x16xf32, #tpu.memory_space<vmem>>, vector<1x16xf32>,
      %get3A_417 = vector.shape_cast %get3A_416 : vector<1x16xf32> to vector<16xf32>
      %add3A_418 = arith.addf %add3A_402, %get3A_417 : vector<16xf32>
      %add3A_419 = arith.constant 44 : i32
      %add3A_420 = arith.addi %mul3A_66, %add3A_419 : i32
      %add3A_421 = arith.constant 1 : i32
      %add3A_422 = arith.addi %add3A_420, %add3A_421 : i32
      %get3A_423 = arith.index_cast %add3A_422 : i32 to index
      %get3A_424 = arith.constant 0 : index
      %get3A_425 = tpu.vector_load %arg6[%get3A_423, %get3A_424] {strides = array<i32>} : memref<6400x16xf32, #tpu.memory_space<vmem>>, vector<1x16xf32>,
      %get3A_426 = vector.shape_cast %get3A_425 : vector<1x16xf32> to vector<16xf32>
      %add3A_427 = arith.addf %add3A_411, %get3A_426 : vector<16xf32>
      %add3A_428 = arith.constant 46 : i32
      %add3A_429 = arith.addi %mul3A_66, %add3A_428 : i32
      %get3A_430 = arith.index_cast %add3A_429 : i32 to index
      %get3A_431 = arith.constant 0 : index
      %get3A_432 = tpu.vector_load %arg6[%get3A_430, %get3A_431] {strides = array<i32>} : memref<6400x16xf32, #tpu.memory_space<vmem>>, vector<1x16xf32>,
      %get3A_433 = vector.shape_cast %get3A_432 : vector<1x16xf32> to vector<16xf32>
      %add3A_434 = arith.addf %add3A_418, %get3A_433 : vector<16xf32>
      %add3A_435 = arith.constant 46 : i32
      %add3A_436 = arith.addi %mul3A_66, %add3A_435 : i32
      %add3A_437 = arith.constant 1 : i32
      %add3A_438 = arith.addi %add3A_436, %add3A_437 : i32
      %get3A_439 = arith.index_cast %add3A_438 : i32 to index
      %get3A_440 = arith.constant 0 : index
      %get3A_441 = tpu.vector_load %arg6[%get3A_439, %get3A_440] {strides = array<i32>} : memref<6400x16xf32, #tpu.memory_space<vmem>>, vector<1x16xf32>,
      %get3A_442 = vector.shape_cast %get3A_441 : vector<1x16xf32> to vector<16xf32>
      %add3A_443 = arith.addf %add3A_427, %get3A_442 : vector<16xf32>
      %add3A_444 = arith.constant 48 : i32
      %add3A_445 = arith.addi %mul3A_66, %add3A_444 : i32
      %get3A_446 = arith.index_cast %add3A_445 : i32 to index
      %get3A_447 = arith.constant 0 : index
      %get3A_448 = tpu.vector_load %arg6[%get3A_446, %get3A_447] {strides = array<i32>} : memref<6400x16xf32, #tpu.memory_space<vmem>>, vector<1x16xf32>,
      %get3A_449 = vector.shape_cast %get3A_448 : vector<1x16xf32> to vector<16xf32>
      %add3A_450 = arith.addf %add3A_434, %get3A_449 : vector<16xf32>
      %add3A_451 = arith.constant 48 : i32
      %add3A_452 = arith.addi %mul3A_66, %add3A_451 : i32
      %add3A_453 = arith.constant 1 : i32
      %add3A_454 = arith.addi %add3A_452, %add3A_453 : i32
      %get3A_455 = arith.index_cast %add3A_454 : i32 to index
      %get3A_456 = arith.constant 0 : index
      %get3A_457 = tpu.vector_load %arg6[%get3A_455, %get3A_456] {strides = array<i32>} : memref<6400x16xf32, #tpu.memory_space<vmem>>, vector<1x16xf32>,
      %get3A_458 = vector.shape_cast %get3A_457 : vector<1x16xf32> to vector<16xf32>
      %add3A_459 = arith.addf %add3A_443, %get3A_458 : vector<16xf32>
      %add3A_460 = arith.addf %add3A_450, %add3A_459 : vector<16xf32>
      %swap3A = arith.index_cast %add3A_64 : i32 to index
      %swap3A_461 = arith.constant 0 : index
      %swap3A_462 = tpu.vector_load %arg7[%swap3A, %swap3A_461] {strides = array<i32>} : memref<128x16xf32, #tpu.memory_space<vmem>>, vector<1x16xf32>,
      %swap3A_463 = vector.shape_cast %swap3A_462 : vector<1x16xf32> to vector<16xf32>
      %swap3A_464 = vector.shape_cast %add3A_460 : vector<16xf32> to vector<1x16xf32>
      tpu.vector_store %arg7[%swap3A, %swap3A_461], %swap3A_464 {strides = array<i32>} : memref<128x16xf32, #tpu.memory_space<vmem>>, vector<1x16xf32>,
    }
    %scan3A_29 = arith.constant 32 : i32
    %scan3A_30 = arith.constant 0 : i32
    %scan3A_31 = arith.constant 16 : i32
    %scan3A_32 = arith.addi %scan3A_30, %scan3A_31 : i32
    %scan3A_33 = arith.constant 1 : i32
    scf.for %scan3A_62 = %scan3A_30 to %scan3A_32 step %scan3A_33  : i32 {
      %add3A_63 = arith.constant 16 : i32
      %add3A_64 = arith.addi %add3A_63, %scan3A_62 : i32
      %mul3A_65 = arith.constant 100 : i32
      %mul3A_66 = arith.muli %add3A_64, %mul3A_65 : i32
      %dma_wait3A = arith.constant 0 : i32
      %dma_wait3A_67 = tpu.memref_slice %arg6[%mul3A_66, %dma_wait3A] : memref<6400x16xf32, #tpu.memory_space<vmem>> -> memref<100x16xf32, #tpu.memory_space<vmem>>
      %dma_wait3A_68 = arith.constant 0 : i32
      %dma_wait3A_69 = tpu.memref_slice %arg5[%add3A_64, %dma_wait3A_68] : memref<64x100xi32, #tpu.memory_space<vmem>> -> memref<1x100xi32, #tpu.memory_space<vmem>>
      %dma_wait3A_70 = tpu.memref_squeeze %dma_wait3A_69 : memref<1x100xi32, #tpu.memory_space<vmem>> -> memref<100xi32, #tpu.memory_space<vmem>>
      %dma_wait3A_71 = arith.constant 0 : i32
      %dma_wait3A_72 = arith.constant 0 : i32
      %dma_wait3A_73 = tpu.memref_slice %arg3[%dma_wait3A_71, %dma_wait3A_72] : memref<100000x16xf32, #tpu.memory_space<hbm>> -> memref<100000x16xf32, #tpu.memory_space<hbm>>
      tpu.wait_indirect_dma semaphore(%arg9 : memref<!tpu.dma_semaphore, #tpu.memory_space<semaphore_mem>>) src(%dma_wait3A_73 : memref<100000x16xf32, #tpu.memory_space<hbm>>) dst(%dma_wait3A_67 : memref<100x16xf32, #tpu.memory_space<vmem>>)
    }
    %scan3A_34 = arith.constant 16 : i32
    %scan3A_35 = arith.constant 0 : i32
    %scan3A_36 = arith.constant 32 : i32
    %scan3A_37 = arith.addi %scan3A_35, %scan3A_36 : i32
    %scan3A_38 = arith.constant 1 : i32
    scf.for %scan3A_62 = %scan3A_35 to %scan3A_37 step %scan3A_38  : i32 {
      %add3A_63 = arith.constant 32 : i32
      %add3A_64 = arith.addi %add3A_63, %scan3A_62 : i32
      %mul3A_65 = arith.constant 50 : i32
      %mul3A_66 = arith.muli %add3A_64, %mul3A_65 : i32
      %get3A = arith.index_cast %mul3A_66 : i32 to index
      %get3A_67 = arith.constant 0 : index
      %get3A_68 = tpu.vector_load %arg6[%get3A, %get3A_67] {strides = array<i32>} : memref<6400x16xf32, #tpu.memory_space<vmem>>, vector<1x16xf32>,
      %get3A_69 = vector.shape_cast %get3A_68 : vector<1x16xf32> to vector<16xf32>
      %add3A_70 = arith.constant 1 : i32
      %add3A_71 = arith.addi %mul3A_66, %add3A_70 : i32
      %get3A_72 = arith.index_cast %add3A_71 : i32 to index
      %get3A_73 = arith.constant 0 : index
      %get3A_74 = tpu.vector_load %arg6[%get3A_72, %get3A_73] {strides = array<i32>} : memref<6400x16xf32, #tpu.memory_space<vmem>>, vector<1x16xf32>,
      %get3A_75 = vector.shape_cast %get3A_74 : vector<1x16xf32> to vector<16xf32>
      %add3A_76 = arith.constant 2 : i32
      %add3A_77 = arith.addi %mul3A_66, %add3A_76 : i32
      %get3A_78 = arith.index_cast %add3A_77 : i32 to index
      %get3A_79 = arith.constant 0 : index
      %get3A_80 = tpu.vector_load %arg6[%get3A_78, %get3A_79] {strides = array<i32>} : memref<6400x16xf32, #tpu.memory_space<vmem>>, vector<1x16xf32>,
      %get3A_81 = vector.shape_cast %get3A_80 : vector<1x16xf32> to vector<16xf32>
      %add3A_82 = arith.addf %get3A_69, %get3A_81 : vector<16xf32>
      %add3A_83 = arith.constant 2 : i32
      %add3A_84 = arith.addi %mul3A_66, %add3A_83 : i32
      %add3A_85 = arith.constant 1 : i32
      %add3A_86 = arith.addi %add3A_84, %add3A_85 : i32
      %get3A_87 = arith.index_cast %add3A_86 : i32 to index
      %get3A_88 = arith.constant 0 : index
      %get3A_89 = tpu.vector_load %arg6[%get3A_87, %get3A_88] {strides = array<i32>} : memref<6400x16xf32, #tpu.memory_space<vmem>>, vector<1x16xf32>,
      %get3A_90 = vector.shape_cast %get3A_89 : vector<1x16xf32> to vector<16xf32>
      %add3A_91 = arith.addf %get3A_75, %get3A_90 : vector<16xf32>
      %add3A_92 = arith.constant 4 : i32
      %add3A_93 = arith.addi %mul3A_66, %add3A_92 : i32
      %get3A_94 = arith.index_cast %add3A_93 : i32 to index
      %get3A_95 = arith.constant 0 : index
      %get3A_96 = tpu.vector_load %arg6[%get3A_94, %get3A_95] {strides = array<i32>} : memref<6400x16xf32, #tpu.memory_space<vmem>>, vector<1x16xf32>,
      %get3A_97 = vector.shape_cast %get3A_96 : vector<1x16xf32> to vector<16xf32>
      %add3A_98 = arith.addf %add3A_82, %get3A_97 : vector<16xf32>
      %add3A_99 = arith.constant 4 : i32
      %add3A_100 = arith.addi %mul3A_66, %add3A_99 : i32
      %add3A_101 = arith.constant 1 : i32
      %add3A_102 = arith.addi %add3A_100, %add3A_101 : i32
      %get3A_103 = arith.index_cast %add3A_102 : i32 to index
      %get3A_104 = arith.constant 0 : index
      %get3A_105 = tpu.vector_load %arg6[%get3A_103, %get3A_104] {strides = array<i32>} : memref<6400x16xf32, #tpu.memory_space<vmem>>, vector<1x16xf32>,
      %get3A_106 = vector.shape_cast %get3A_105 : vector<1x16xf32> to vector<16xf32>
      %add3A_107 = arith.addf %add3A_91, %get3A_106 : vector<16xf32>
      %add3A_108 = arith.constant 6 : i32
      %add3A_109 = arith.addi %mul3A_66, %add3A_108 : i32
      %get3A_110 = arith.index_cast %add3A_109 : i32 to index
      %get3A_111 = arith.constant 0 : index
      %get3A_112 = tpu.vector_load %arg6[%get3A_110, %get3A_111] {strides = array<i32>} : memref<6400x16xf32, #tpu.memory_space<vmem>>, vector<1x16xf32>,
      %get3A_113 = vector.shape_cast %get3A_112 : vector<1x16xf32> to vector<16xf32>
      %add3A_114 = arith.addf %add3A_98, %get3A_113 : vector<16xf32>
      %add3A_115 = arith.constant 6 : i32
      %add3A_116 = arith.addi %mul3A_66, %add3A_115 : i32
      %add3A_117 = arith.constant 1 : i32
      %add3A_118 = arith.addi %add3A_116, %add3A_117 : i32
      %get3A_119 = arith.index_cast %add3A_118 : i32 to index
      %get3A_120 = arith.constant 0 : index
      %get3A_121 = tpu.vector_load %arg6[%get3A_119, %get3A_120] {strides = array<i32>} : memref<6400x16xf32, #tpu.memory_space<vmem>>, vector<1x16xf32>,
      %get3A_122 = vector.shape_cast %get3A_121 : vector<1x16xf32> to vector<16xf32>
      %add3A_123 = arith.addf %add3A_107, %get3A_122 : vector<16xf32>
      %add3A_124 = arith.constant 8 : i32
      %add3A_125 = arith.addi %mul3A_66, %add3A_124 : i32
      %get3A_126 = arith.index_cast %add3A_125 : i32 to index
      %get3A_127 = arith.constant 0 : index
      %get3A_128 = tpu.vector_load %arg6[%get3A_126, %get3A_127] {strides = array<i32>} : memref<6400x16xf32, #tpu.memory_space<vmem>>, vector<1x16xf32>,
      %get3A_129 = vector.shape_cast %get3A_128 : vector<1x16xf32> to vector<16xf32>
      %add3A_130 = arith.addf %add3A_114, %get3A_129 : vector<16xf32>
      %add3A_131 = arith.constant 8 : i32
      %add3A_132 = arith.addi %mul3A_66, %add3A_131 : i32
      %add3A_133 = arith.constant 1 : i32
      %add3A_134 = arith.addi %add3A_132, %add3A_133 : i32
      %get3A_135 = arith.index_cast %add3A_134 : i32 to index
      %get3A_136 = arith.constant 0 : index
      %get3A_137 = tpu.vector_load %arg6[%get3A_135, %get3A_136] {strides = array<i32>} : memref<6400x16xf32, #tpu.memory_space<vmem>>, vector<1x16xf32>,
      %get3A_138 = vector.shape_cast %get3A_137 : vector<1x16xf32> to vector<16xf32>
      %add3A_139 = arith.addf %add3A_123, %get3A_138 : vector<16xf32>
      %add3A_140 = arith.constant 10 : i32
      %add3A_141 = arith.addi %mul3A_66, %add3A_140 : i32
      %get3A_142 = arith.index_cast %add3A_141 : i32 to index
      %get3A_143 = arith.constant 0 : index
      %get3A_144 = tpu.vector_load %arg6[%get3A_142, %get3A_143] {strides = array<i32>} : memref<6400x16xf32, #tpu.memory_space<vmem>>, vector<1x16xf32>,
      %get3A_145 = vector.shape_cast %get3A_144 : vector<1x16xf32> to vector<16xf32>
      %add3A_146 = arith.addf %add3A_130, %get3A_145 : vector<16xf32>
      %add3A_147 = arith.constant 10 : i32
      %add3A_148 = arith.addi %mul3A_66, %add3A_147 : i32
      %add3A_149 = arith.constant 1 : i32
      %add3A_150 = arith.addi %add3A_148, %add3A_149 : i32
      %get3A_151 = arith.index_cast %add3A_150 : i32 to index
      %get3A_152 = arith.constant 0 : index
      %get3A_153 = tpu.vector_load %arg6[%get3A_151, %get3A_152] {strides = array<i32>} : memref<6400x16xf32, #tpu.memory_space<vmem>>, vector<1x16xf32>,
      %get3A_154 = vector.shape_cast %get3A_153 : vector<1x16xf32> to vector<16xf32>
      %add3A_155 = arith.addf %add3A_139, %get3A_154 : vector<16xf32>
      %add3A_156 = arith.constant 12 : i32
      %add3A_157 = arith.addi %mul3A_66, %add3A_156 : i32
      %get3A_158 = arith.index_cast %add3A_157 : i32 to index
      %get3A_159 = arith.constant 0 : index
      %get3A_160 = tpu.vector_load %arg6[%get3A_158, %get3A_159] {strides = array<i32>} : memref<6400x16xf32, #tpu.memory_space<vmem>>, vector<1x16xf32>,
      %get3A_161 = vector.shape_cast %get3A_160 : vector<1x16xf32> to vector<16xf32>
      %add3A_162 = arith.addf %add3A_146, %get3A_161 : vector<16xf32>
      %add3A_163 = arith.constant 12 : i32
      %add3A_164 = arith.addi %mul3A_66, %add3A_163 : i32
      %add3A_165 = arith.constant 1 : i32
      %add3A_166 = arith.addi %add3A_164, %add3A_165 : i32
      %get3A_167 = arith.index_cast %add3A_166 : i32 to index
      %get3A_168 = arith.constant 0 : index
      %get3A_169 = tpu.vector_load %arg6[%get3A_167, %get3A_168] {strides = array<i32>} : memref<6400x16xf32, #tpu.memory_space<vmem>>, vector<1x16xf32>,
      %get3A_170 = vector.shape_cast %get3A_169 : vector<1x16xf32> to vector<16xf32>
      %add3A_171 = arith.addf %add3A_155, %get3A_170 : vector<16xf32>
      %add3A_172 = arith.constant 14 : i32
      %add3A_173 = arith.addi %mul3A_66, %add3A_172 : i32
      %get3A_174 = arith.index_cast %add3A_173 : i32 to index
      %get3A_175 = arith.constant 0 : index
      %get3A_176 = tpu.vector_load %arg6[%get3A_174, %get3A_175] {strides = array<i32>} : memref<6400x16xf32, #tpu.memory_space<vmem>>, vector<1x16xf32>,
      %get3A_177 = vector.shape_cast %get3A_176 : vector<1x16xf32> to vector<16xf32>
      %add3A_178 = arith.addf %add3A_162, %get3A_177 : vector<16xf32>
      %add3A_179 = arith.constant 14 : i32
      %add3A_180 = arith.addi %mul3A_66, %add3A_179 : i32
      %add3A_181 = arith.constant 1 : i32
      %add3A_182 = arith.addi %add3A_180, %add3A_181 : i32
      %get3A_183 = arith.index_cast %add3A_182 : i32 to index
      %get3A_184 = arith.constant 0 : index
      %get3A_185 = tpu.vector_load %arg6[%get3A_183, %get3A_184] {strides = array<i32>} : memref<6400x16xf32, #tpu.memory_space<vmem>>, vector<1x16xf32>,
      %get3A_186 = vector.shape_cast %get3A_185 : vector<1x16xf32> to vector<16xf32>
      %add3A_187 = arith.addf %add3A_171, %get3A_186 : vector<16xf32>
      %add3A_188 = arith.constant 16 : i32
      %add3A_189 = arith.addi %mul3A_66, %add3A_188 : i32
      %get3A_190 = arith.index_cast %add3A_189 : i32 to index
      %get3A_191 = arith.constant 0 : index
      %get3A_192 = tpu.vector_load %arg6[%get3A_190, %get3A_191] {strides = array<i32>} : memref<6400x16xf32, #tpu.memory_space<vmem>>, vector<1x16xf32>,
      %get3A_193 = vector.shape_cast %get3A_192 : vector<1x16xf32> to vector<16xf32>
      %add3A_194 = arith.addf %add3A_178, %get3A_193 : vector<16xf32>
      %add3A_195 = arith.constant 16 : i32
      %add3A_196 = arith.addi %mul3A_66, %add3A_195 : i32
      %add3A_197 = arith.constant 1 : i32
      %add3A_198 = arith.addi %add3A_196, %add3A_197 : i32
      %get3A_199 = arith.index_cast %add3A_198 : i32 to index
      %get3A_200 = arith.constant 0 : index
      %get3A_201 = tpu.vector_load %arg6[%get3A_199, %get3A_200] {strides = array<i32>} : memref<6400x16xf32, #tpu.memory_space<vmem>>, vector<1x16xf32>,
      %get3A_202 = vector.shape_cast %get3A_201 : vector<1x16xf32> to vector<16xf32>
      %add3A_203 = arith.addf %add3A_187, %get3A_202 : vector<16xf32>
      %add3A_204 = arith.constant 18 : i32
      %add3A_205 = arith.addi %mul3A_66, %add3A_204 : i32
      %get3A_206 = arith.index_cast %add3A_205 : i32 to index
      %get3A_207 = arith.constant 0 : index
      %get3A_208 = tpu.vector_load %arg6[%get3A_206, %get3A_207] {strides = array<i32>} : memref<6400x16xf32, #tpu.memory_space<vmem>>, vector<1x16xf32>,
      %get3A_209 = vector.shape_cast %get3A_208 : vector<1x16xf32> to vector<16xf32>
      %add3A_210 = arith.addf %add3A_194, %get3A_209 : vector<16xf32>
      %add3A_211 = arith.constant 18 : i32
      %add3A_212 = arith.addi %mul3A_66, %add3A_211 : i32
      %add3A_213 = arith.constant 1 : i32
      %add3A_214 = arith.addi %add3A_212, %add3A_213 : i32
      %get3A_215 = arith.index_cast %add3A_214 : i32 to index
      %get3A_216 = arith.constant 0 : index
      %get3A_217 = tpu.vector_load %arg6[%get3A_215, %get3A_216] {strides = array<i32>} : memref<6400x16xf32, #tpu.memory_space<vmem>>, vector<1x16xf32>,
      %get3A_218 = vector.shape_cast %get3A_217 : vector<1x16xf32> to vector<16xf32>
      %add3A_219 = arith.addf %add3A_203, %get3A_218 : vector<16xf32>
      %add3A_220 = arith.constant 20 : i32
      %add3A_221 = arith.addi %mul3A_66, %add3A_220 : i32
      %get3A_222 = arith.index_cast %add3A_221 : i32 to index
      %get3A_223 = arith.constant 0 : index
      %get3A_224 = tpu.vector_load %arg6[%get3A_222, %get3A_223] {strides = array<i32>} : memref<6400x16xf32, #tpu.memory_space<vmem>>, vector<1x16xf32>,
      %get3A_225 = vector.shape_cast %get3A_224 : vector<1x16xf32> to vector<16xf32>
      %add3A_226 = arith.addf %add3A_210, %get3A_225 : vector<16xf32>
      %add3A_227 = arith.constant 20 : i32
      %add3A_228 = arith.addi %mul3A_66, %add3A_227 : i32
      %add3A_229 = arith.constant 1 : i32
      %add3A_230 = arith.addi %add3A_228, %add3A_229 : i32
      %get3A_231 = arith.index_cast %add3A_230 : i32 to index
      %get3A_232 = arith.constant 0 : index
      %get3A_233 = tpu.vector_load %arg6[%get3A_231, %get3A_232] {strides = array<i32>} : memref<6400x16xf32, #tpu.memory_space<vmem>>, vector<1x16xf32>,
      %get3A_234 = vector.shape_cast %get3A_233 : vector<1x16xf32> to vector<16xf32>
      %add3A_235 = arith.addf %add3A_219, %get3A_234 : vector<16xf32>
      %add3A_236 = arith.constant 22 : i32
      %add3A_237 = arith.addi %mul3A_66, %add3A_236 : i32
      %get3A_238 = arith.index_cast %add3A_237 : i32 to index
      %get3A_239 = arith.constant 0 : index
      %get3A_240 = tpu.vector_load %arg6[%get3A_238, %get3A_239] {strides = array<i32>} : memref<6400x16xf32, #tpu.memory_space<vmem>>, vector<1x16xf32>,
      %get3A_241 = vector.shape_cast %get3A_240 : vector<1x16xf32> to vector<16xf32>
      %add3A_242 = arith.addf %add3A_226, %get3A_241 : vector<16xf32>
      %add3A_243 = arith.constant 22 : i32
      %add3A_244 = arith.addi %mul3A_66, %add3A_243 : i32
      %add3A_245 = arith.constant 1 : i32
      %add3A_246 = arith.addi %add3A_244, %add3A_245 : i32
      %get3A_247 = arith.index_cast %add3A_246 : i32 to index
      %get3A_248 = arith.constant 0 : index
      %get3A_249 = tpu.vector_load %arg6[%get3A_247, %get3A_248] {strides = array<i32>} : memref<6400x16xf32, #tpu.memory_space<vmem>>, vector<1x16xf32>,
      %get3A_250 = vector.shape_cast %get3A_249 : vector<1x16xf32> to vector<16xf32>
      %add3A_251 = arith.addf %add3A_235, %get3A_250 : vector<16xf32>
      %add3A_252 = arith.constant 24 : i32
      %add3A_253 = arith.addi %mul3A_66, %add3A_252 : i32
      %get3A_254 = arith.index_cast %add3A_253 : i32 to index
      %get3A_255 = arith.constant 0 : index
      %get3A_256 = tpu.vector_load %arg6[%get3A_254, %get3A_255] {strides = array<i32>} : memref<6400x16xf32, #tpu.memory_space<vmem>>, vector<1x16xf32>,
      %get3A_257 = vector.shape_cast %get3A_256 : vector<1x16xf32> to vector<16xf32>
      %add3A_258 = arith.addf %add3A_242, %get3A_257 : vector<16xf32>
      %add3A_259 = arith.constant 24 : i32
      %add3A_260 = arith.addi %mul3A_66, %add3A_259 : i32
      %add3A_261 = arith.constant 1 : i32
      %add3A_262 = arith.addi %add3A_260, %add3A_261 : i32
      %get3A_263 = arith.index_cast %add3A_262 : i32 to index
      %get3A_264 = arith.constant 0 : index
      %get3A_265 = tpu.vector_load %arg6[%get3A_263, %get3A_264] {strides = array<i32>} : memref<6400x16xf32, #tpu.memory_space<vmem>>, vector<1x16xf32>,
      %get3A_266 = vector.shape_cast %get3A_265 : vector<1x16xf32> to vector<16xf32>
      %add3A_267 = arith.addf %add3A_251, %get3A_266 : vector<16xf32>
      %add3A_268 = arith.constant 26 : i32
      %add3A_269 = arith.addi %mul3A_66, %add3A_268 : i32
      %get3A_270 = arith.index_cast %add3A_269 : i32 to index
      %get3A_271 = arith.constant 0 : index
      %get3A_272 = tpu.vector_load %arg6[%get3A_270, %get3A_271] {strides = array<i32>} : memref<6400x16xf32, #tpu.memory_space<vmem>>, vector<1x16xf32>,
      %get3A_273 = vector.shape_cast %get3A_272 : vector<1x16xf32> to vector<16xf32>
      %add3A_274 = arith.addf %add3A_258, %get3A_273 : vector<16xf32>
      %add3A_275 = arith.constant 26 : i32
      %add3A_276 = arith.addi %mul3A_66, %add3A_275 : i32
      %add3A_277 = arith.constant 1 : i32
      %add3A_278 = arith.addi %add3A_276, %add3A_277 : i32
      %get3A_279 = arith.index_cast %add3A_278 : i32 to index
      %get3A_280 = arith.constant 0 : index
      %get3A_281 = tpu.vector_load %arg6[%get3A_279, %get3A_280] {strides = array<i32>} : memref<6400x16xf32, #tpu.memory_space<vmem>>, vector<1x16xf32>,
      %get3A_282 = vector.shape_cast %get3A_281 : vector<1x16xf32> to vector<16xf32>
      %add3A_283 = arith.addf %add3A_267, %get3A_282 : vector<16xf32>
      %add3A_284 = arith.constant 28 : i32
      %add3A_285 = arith.addi %mul3A_66, %add3A_284 : i32
      %get3A_286 = arith.index_cast %add3A_285 : i32 to index
      %get3A_287 = arith.constant 0 : index
      %get3A_288 = tpu.vector_load %arg6[%get3A_286, %get3A_287] {strides = array<i32>} : memref<6400x16xf32, #tpu.memory_space<vmem>>, vector<1x16xf32>,
      %get3A_289 = vector.shape_cast %get3A_288 : vector<1x16xf32> to vector<16xf32>
      %add3A_290 = arith.addf %add3A_274, %get3A_289 : vector<16xf32>
      %add3A_291 = arith.constant 28 : i32
      %add3A_292 = arith.addi %mul3A_66, %add3A_291 : i32
      %add3A_293 = arith.constant 1 : i32
      %add3A_294 = arith.addi %add3A_292, %add3A_293 : i32
      %get3A_295 = arith.index_cast %add3A_294 : i32 to index
      %get3A_296 = arith.constant 0 : index
      %get3A_297 = tpu.vector_load %arg6[%get3A_295, %get3A_296] {strides = array<i32>} : memref<6400x16xf32, #tpu.memory_space<vmem>>, vector<1x16xf32>,
      %get3A_298 = vector.shape_cast %get3A_297 : vector<1x16xf32> to vector<16xf32>
      %add3A_299 = arith.addf %add3A_283, %get3A_298 : vector<16xf32>
      %add3A_300 = arith.constant 30 : i32
      %add3A_301 = arith.addi %mul3A_66, %add3A_300 : i32
      %get3A_302 = arith.index_cast %add3A_301 : i32 to index
      %get3A_303 = arith.constant 0 : index
      %get3A_304 = tpu.vector_load %arg6[%get3A_302, %get3A_303] {strides = array<i32>} : memref<6400x16xf32, #tpu.memory_space<vmem>>, vector<1x16xf32>,
      %get3A_305 = vector.shape_cast %get3A_304 : vector<1x16xf32> to vector<16xf32>
      %add3A_306 = arith.addf %add3A_290, %get3A_305 : vector<16xf32>
      %add3A_307 = arith.constant 30 : i32
      %add3A_308 = arith.addi %mul3A_66, %add3A_307 : i32
      %add3A_309 = arith.constant 1 : i32
      %add3A_310 = arith.addi %add3A_308, %add3A_309 : i32
      %get3A_311 = arith.index_cast %add3A_310 : i32 to index
      %get3A_312 = arith.constant 0 : index
      %get3A_313 = tpu.vector_load %arg6[%get3A_311, %get3A_312] {strides = array<i32>} : memref<6400x16xf32, #tpu.memory_space<vmem>>, vector<1x16xf32>,
      %get3A_314 = vector.shape_cast %get3A_313 : vector<1x16xf32> to vector<16xf32>
      %add3A_315 = arith.addf %add3A_299, %get3A_314 : vector<16xf32>
      %add3A_316 = arith.constant 32 : i32
      %add3A_317 = arith.addi %mul3A_66, %add3A_316 : i32
      %get3A_318 = arith.index_cast %add3A_317 : i32 to index
      %get3A_319 = arith.constant 0 : index
      %get3A_320 = tpu.vector_load %arg6[%get3A_318, %get3A_319] {strides = array<i32>} : memref<6400x16xf32, #tpu.memory_space<vmem>>, vector<1x16xf32>,
      %get3A_321 = vector.shape_cast %get3A_320 : vector<1x16xf32> to vector<16xf32>
      %add3A_322 = arith.addf %add3A_306, %get3A_321 : vector<16xf32>
      %add3A_323 = arith.constant 32 : i32
      %add3A_324 = arith.addi %mul3A_66, %add3A_323 : i32
      %add3A_325 = arith.constant 1 : i32
      %add3A_326 = arith.addi %add3A_324, %add3A_325 : i32
      %get3A_327 = arith.index_cast %add3A_326 : i32 to index
      %get3A_328 = arith.constant 0 : index
      %get3A_329 = tpu.vector_load %arg6[%get3A_327, %get3A_328] {strides = array<i32>} : memref<6400x16xf32, #tpu.memory_space<vmem>>, vector<1x16xf32>,
      %get3A_330 = vector.shape_cast %get3A_329 : vector<1x16xf32> to vector<16xf32>
      %add3A_331 = arith.addf %add3A_315, %get3A_330 : vector<16xf32>
      %add3A_332 = arith.constant 34 : i32
      %add3A_333 = arith.addi %mul3A_66, %add3A_332 : i32
      %get3A_334 = arith.index_cast %add3A_333 : i32 to index
      %get3A_335 = arith.constant 0 : index
      %get3A_336 = tpu.vector_load %arg6[%get3A_334, %get3A_335] {strides = array<i32>} : memref<6400x16xf32, #tpu.memory_space<vmem>>, vector<1x16xf32>,
      %get3A_337 = vector.shape_cast %get3A_336 : vector<1x16xf32> to vector<16xf32>
      %add3A_338 = arith.addf %add3A_322, %get3A_337 : vector<16xf32>
      %add3A_339 = arith.constant 34 : i32
      %add3A_340 = arith.addi %mul3A_66, %add3A_339 : i32
      %add3A_341 = arith.constant 1 : i32
      %add3A_342 = arith.addi %add3A_340, %add3A_341 : i32
      %get3A_343 = arith.index_cast %add3A_342 : i32 to index
      %get3A_344 = arith.constant 0 : index
      %get3A_345 = tpu.vector_load %arg6[%get3A_343, %get3A_344] {strides = array<i32>} : memref<6400x16xf32, #tpu.memory_space<vmem>>, vector<1x16xf32>,
      %get3A_346 = vector.shape_cast %get3A_345 : vector<1x16xf32> to vector<16xf32>
      %add3A_347 = arith.addf %add3A_331, %get3A_346 : vector<16xf32>
      %add3A_348 = arith.constant 36 : i32
      %add3A_349 = arith.addi %mul3A_66, %add3A_348 : i32
      %get3A_350 = arith.index_cast %add3A_349 : i32 to index
      %get3A_351 = arith.constant 0 : index
      %get3A_352 = tpu.vector_load %arg6[%get3A_350, %get3A_351] {strides = array<i32>} : memref<6400x16xf32, #tpu.memory_space<vmem>>, vector<1x16xf32>,
      %get3A_353 = vector.shape_cast %get3A_352 : vector<1x16xf32> to vector<16xf32>
      %add3A_354 = arith.addf %add3A_338, %get3A_353 : vector<16xf32>
      %add3A_355 = arith.constant 36 : i32
      %add3A_356 = arith.addi %mul3A_66, %add3A_355 : i32
      %add3A_357 = arith.constant 1 : i32
      %add3A_358 = arith.addi %add3A_356, %add3A_357 : i32
      %get3A_359 = arith.index_cast %add3A_358 : i32 to index
      %get3A_360 = arith.constant 0 : index
      %get3A_361 = tpu.vector_load %arg6[%get3A_359, %get3A_360] {strides = array<i32>} : memref<6400x16xf32, #tpu.memory_space<vmem>>, vector<1x16xf32>,
      %get3A_362 = vector.shape_cast %get3A_361 : vector<1x16xf32> to vector<16xf32>
      %add3A_363 = arith.addf %add3A_347, %get3A_362 : vector<16xf32>
      %add3A_364 = arith.constant 38 : i32
      %add3A_365 = arith.addi %mul3A_66, %add3A_364 : i32
      %get3A_366 = arith.index_cast %add3A_365 : i32 to index
      %get3A_367 = arith.constant 0 : index
      %get3A_368 = tpu.vector_load %arg6[%get3A_366, %get3A_367] {strides = array<i32>} : memref<6400x16xf32, #tpu.memory_space<vmem>>, vector<1x16xf32>,
      %get3A_369 = vector.shape_cast %get3A_368 : vector<1x16xf32> to vector<16xf32>
      %add3A_370 = arith.addf %add3A_354, %get3A_369 : vector<16xf32>
      %add3A_371 = arith.constant 38 : i32
      %add3A_372 = arith.addi %mul3A_66, %add3A_371 : i32
      %add3A_373 = arith.constant 1 : i32
      %add3A_374 = arith.addi %add3A_372, %add3A_373 : i32
      %get3A_375 = arith.index_cast %add3A_374 : i32 to index
      %get3A_376 = arith.constant 0 : index
      %get3A_377 = tpu.vector_load %arg6[%get3A_375, %get3A_376] {strides = array<i32>} : memref<6400x16xf32, #tpu.memory_space<vmem>>, vector<1x16xf32>,
      %get3A_378 = vector.shape_cast %get3A_377 : vector<1x16xf32> to vector<16xf32>
      %add3A_379 = arith.addf %add3A_363, %get3A_378 : vector<16xf32>
      %add3A_380 = arith.constant 40 : i32
      %add3A_381 = arith.addi %mul3A_66, %add3A_380 : i32
      %get3A_382 = arith.index_cast %add3A_381 : i32 to index
      %get3A_383 = arith.constant 0 : index
      %get3A_384 = tpu.vector_load %arg6[%get3A_382, %get3A_383] {strides = array<i32>} : memref<6400x16xf32, #tpu.memory_space<vmem>>, vector<1x16xf32>,
      %get3A_385 = vector.shape_cast %get3A_384 : vector<1x16xf32> to vector<16xf32>
      %add3A_386 = arith.addf %add3A_370, %get3A_385 : vector<16xf32>
      %add3A_387 = arith.constant 40 : i32
      %add3A_388 = arith.addi %mul3A_66, %add3A_387 : i32
      %add3A_389 = arith.constant 1 : i32
      %add3A_390 = arith.addi %add3A_388, %add3A_389 : i32
      %get3A_391 = arith.index_cast %add3A_390 : i32 to index
      %get3A_392 = arith.constant 0 : index
      %get3A_393 = tpu.vector_load %arg6[%get3A_391, %get3A_392] {strides = array<i32>} : memref<6400x16xf32, #tpu.memory_space<vmem>>, vector<1x16xf32>,
      %get3A_394 = vector.shape_cast %get3A_393 : vector<1x16xf32> to vector<16xf32>
      %add3A_395 = arith.addf %add3A_379, %get3A_394 : vector<16xf32>
      %add3A_396 = arith.constant 42 : i32
      %add3A_397 = arith.addi %mul3A_66, %add3A_396 : i32
      %get3A_398 = arith.index_cast %add3A_397 : i32 to index
      %get3A_399 = arith.constant 0 : index
      %get3A_400 = tpu.vector_load %arg6[%get3A_398, %get3A_399] {strides = array<i32>} : memref<6400x16xf32, #tpu.memory_space<vmem>>, vector<1x16xf32>,
      %get3A_401 = vector.shape_cast %get3A_400 : vector<1x16xf32> to vector<16xf32>
      %add3A_402 = arith.addf %add3A_386, %get3A_401 : vector<16xf32>
      %add3A_403 = arith.constant 42 : i32
      %add3A_404 = arith.addi %mul3A_66, %add3A_403 : i32
      %add3A_405 = arith.constant 1 : i32
      %add3A_406 = arith.addi %add3A_404, %add3A_405 : i32
      %get3A_407 = arith.index_cast %add3A_406 : i32 to index
      %get3A_408 = arith.constant 0 : index
      %get3A_409 = tpu.vector_load %arg6[%get3A_407, %get3A_408] {strides = array<i32>} : memref<6400x16xf32, #tpu.memory_space<vmem>>, vector<1x16xf32>,
      %get3A_410 = vector.shape_cast %get3A_409 : vector<1x16xf32> to vector<16xf32>
      %add3A_411 = arith.addf %add3A_395, %get3A_410 : vector<16xf32>
      %add3A_412 = arith.constant 44 : i32
      %add3A_413 = arith.addi %mul3A_66, %add3A_412 : i32
      %get3A_414 = arith.index_cast %add3A_413 : i32 to index
      %get3A_415 = arith.constant 0 : index
      %get3A_416 = tpu.vector_load %arg6[%get3A_414, %get3A_415] {strides = array<i32>} : memref<6400x16xf32, #tpu.memory_space<vmem>>, vector<1x16xf32>,
      %get3A_417 = vector.shape_cast %get3A_416 : vector<1x16xf32> to vector<16xf32>
      %add3A_418 = arith.addf %add3A_402, %get3A_417 : vector<16xf32>
      %add3A_419 = arith.constant 44 : i32
      %add3A_420 = arith.addi %mul3A_66, %add3A_419 : i32
      %add3A_421 = arith.constant 1 : i32
      %add3A_422 = arith.addi %add3A_420, %add3A_421 : i32
      %get3A_423 = arith.index_cast %add3A_422 : i32 to index
      %get3A_424 = arith.constant 0 : index
      %get3A_425 = tpu.vector_load %arg6[%get3A_423, %get3A_424] {strides = array<i32>} : memref<6400x16xf32, #tpu.memory_space<vmem>>, vector<1x16xf32>,
      %get3A_426 = vector.shape_cast %get3A_425 : vector<1x16xf32> to vector<16xf32>
      %add3A_427 = arith.addf %add3A_411, %get3A_426 : vector<16xf32>
      %add3A_428 = arith.constant 46 : i32
      %add3A_429 = arith.addi %mul3A_66, %add3A_428 : i32
      %get3A_430 = arith.index_cast %add3A_429 : i32 to index
      %get3A_431 = arith.constant 0 : index
      %get3A_432 = tpu.vector_load %arg6[%get3A_430, %get3A_431] {strides = array<i32>} : memref<6400x16xf32, #tpu.memory_space<vmem>>, vector<1x16xf32>,
      %get3A_433 = vector.shape_cast %get3A_432 : vector<1x16xf32> to vector<16xf32>
      %add3A_434 = arith.addf %add3A_418, %get3A_433 : vector<16xf32>
      %add3A_435 = arith.constant 46 : i32
      %add3A_436 = arith.addi %mul3A_66, %add3A_435 : i32
      %add3A_437 = arith.constant 1 : i32
      %add3A_438 = arith.addi %add3A_436, %add3A_437 : i32
      %get3A_439 = arith.index_cast %add3A_438 : i32 to index
      %get3A_440 = arith.constant 0 : index
      %get3A_441 = tpu.vector_load %arg6[%get3A_439, %get3A_440] {strides = array<i32>} : memref<6400x16xf32, #tpu.memory_space<vmem>>, vector<1x16xf32>,
      %get3A_442 = vector.shape_cast %get3A_441 : vector<1x16xf32> to vector<16xf32>
      %add3A_443 = arith.addf %add3A_427, %get3A_442 : vector<16xf32>
      %add3A_444 = arith.constant 48 : i32
      %add3A_445 = arith.addi %mul3A_66, %add3A_444 : i32
      %get3A_446 = arith.index_cast %add3A_445 : i32 to index
      %get3A_447 = arith.constant 0 : index
      %get3A_448 = tpu.vector_load %arg6[%get3A_446, %get3A_447] {strides = array<i32>} : memref<6400x16xf32, #tpu.memory_space<vmem>>, vector<1x16xf32>,
      %get3A_449 = vector.shape_cast %get3A_448 : vector<1x16xf32> to vector<16xf32>
      %add3A_450 = arith.addf %add3A_434, %get3A_449 : vector<16xf32>
      %add3A_451 = arith.constant 48 : i32
      %add3A_452 = arith.addi %mul3A_66, %add3A_451 : i32
      %add3A_453 = arith.constant 1 : i32
      %add3A_454 = arith.addi %add3A_452, %add3A_453 : i32
      %get3A_455 = arith.index_cast %add3A_454 : i32 to index
      %get3A_456 = arith.constant 0 : index
      %get3A_457 = tpu.vector_load %arg6[%get3A_455, %get3A_456] {strides = array<i32>} : memref<6400x16xf32, #tpu.memory_space<vmem>>, vector<1x16xf32>,
      %get3A_458 = vector.shape_cast %get3A_457 : vector<1x16xf32> to vector<16xf32>
      %add3A_459 = arith.addf %add3A_443, %get3A_458 : vector<16xf32>
      %add3A_460 = arith.addf %add3A_450, %add3A_459 : vector<16xf32>
      %swap3A = arith.index_cast %add3A_64 : i32 to index
      %swap3A_461 = arith.constant 0 : index
      %swap3A_462 = tpu.vector_load %arg7[%swap3A, %swap3A_461] {strides = array<i32>} : memref<128x16xf32, #tpu.memory_space<vmem>>, vector<1x16xf32>,
      %swap3A_463 = vector.shape_cast %swap3A_462 : vector<1x16xf32> to vector<16xf32>
      %swap3A_464 = vector.shape_cast %add3A_460 : vector<16xf32> to vector<1x16xf32>
      tpu.vector_store %arg7[%swap3A, %swap3A_461], %swap3A_464 {strides = array<i32>} : memref<128x16xf32, #tpu.memory_space<vmem>>, vector<1x16xf32>,
    }
    %scan3A_39 = arith.constant 32 : i32
    %scan3A_40 = arith.constant 0 : i32
    %scan3A_41 = arith.constant 16 : i32
    %scan3A_42 = arith.addi %scan3A_40, %scan3A_41 : i32
    %scan3A_43 = arith.constant 1 : i32
    scf.for %scan3A_62 = %scan3A_40 to %scan3A_42 step %scan3A_43  : i32 {
      %add3A_63 = arith.constant 32 : i32
      %add3A_64 = arith.addi %add3A_63, %scan3A_62 : i32
      %mul3A_65 = arith.constant 100 : i32
      %mul3A_66 = arith.muli %add3A_64, %mul3A_65 : i32
      %dma_wait3A = arith.constant 0 : i32
      %dma_wait3A_67 = tpu.memref_slice %arg6[%mul3A_66, %dma_wait3A] : memref<6400x16xf32, #tpu.memory_space<vmem>> -> memref<100x16xf32, #tpu.memory_space<vmem>>
      %dma_wait3A_68 = arith.constant 0 : i32
      %dma_wait3A_69 = tpu.memref_slice %arg5[%add3A_64, %dma_wait3A_68] : memref<64x100xi32, #tpu.memory_space<vmem>> -> memref<1x100xi32, #tpu.memory_space<vmem>>
      %dma_wait3A_70 = tpu.memref_squeeze %dma_wait3A_69 : memref<1x100xi32, #tpu.memory_space<vmem>> -> memref<100xi32, #tpu.memory_space<vmem>>
      %dma_wait3A_71 = arith.constant 0 : i32
      %dma_wait3A_72 = arith.constant 0 : i32
      %dma_wait3A_73 = tpu.memref_slice %arg3[%dma_wait3A_71, %dma_wait3A_72] : memref<100000x16xf32, #tpu.memory_space<hbm>> -> memref<100000x16xf32, #tpu.memory_space<hbm>>
      tpu.wait_indirect_dma semaphore(%arg10 : memref<!tpu.dma_semaphore, #tpu.memory_space<semaphore_mem>>) src(%dma_wait3A_73 : memref<100000x16xf32, #tpu.memory_space<hbm>>) dst(%dma_wait3A_67 : memref<100x16xf32, #tpu.memory_space<vmem>>)
    }
    %scan3A_44 = arith.constant 16 : i32
    %scan3A_45 = arith.constant 0 : i32
    %scan3A_46 = arith.constant 32 : i32
    %scan3A_47 = arith.addi %scan3A_45, %scan3A_46 : i32
    %scan3A_48 = arith.constant 1 : i32
    scf.for %scan3A_62 = %scan3A_45 to %scan3A_47 step %scan3A_48  : i32 {
      %add3A_63 = arith.constant 64 : i32
      %add3A_64 = arith.addi %add3A_63, %scan3A_62 : i32
      %mul3A_65 = arith.constant 50 : i32
      %mul3A_66 = arith.muli %add3A_64, %mul3A_65 : i32
      %get3A = arith.index_cast %mul3A_66 : i32 to index
      %get3A_67 = arith.constant 0 : index
      %get3A_68 = tpu.vector_load %arg6[%get3A, %get3A_67] {strides = array<i32>} : memref<6400x16xf32, #tpu.memory_space<vmem>>, vector<1x16xf32>,
      %get3A_69 = vector.shape_cast %get3A_68 : vector<1x16xf32> to vector<16xf32>
      %add3A_70 = arith.constant 1 : i32
      %add3A_71 = arith.addi %mul3A_66, %add3A_70 : i32
      %get3A_72 = arith.index_cast %add3A_71 : i32 to index
      %get3A_73 = arith.constant 0 : index
      %get3A_74 = tpu.vector_load %arg6[%get3A_72, %get3A_73] {strides = array<i32>} : memref<6400x16xf32, #tpu.memory_space<vmem>>, vector<1x16xf32>,
      %get3A_75 = vector.shape_cast %get3A_74 : vector<1x16xf32> to vector<16xf32>
      %add3A_76 = arith.constant 2 : i32
      %add3A_77 = arith.addi %mul3A_66, %add3A_76 : i32
      %get3A_78 = arith.index_cast %add3A_77 : i32 to index
      %get3A_79 = arith.constant 0 : index
      %get3A_80 = tpu.vector_load %arg6[%get3A_78, %get3A_79] {strides = array<i32>} : memref<6400x16xf32, #tpu.memory_space<vmem>>, vector<1x16xf32>,
      %get3A_81 = vector.shape_cast %get3A_80 : vector<1x16xf32> to vector<16xf32>
      %add3A_82 = arith.addf %get3A_69, %get3A_81 : vector<16xf32>
      %add3A_83 = arith.constant 2 : i32
      %add3A_84 = arith.addi %mul3A_66, %add3A_83 : i32
      %add3A_85 = arith.constant 1 : i32
      %add3A_86 = arith.addi %add3A_84, %add3A_85 : i32
      %get3A_87 = arith.index_cast %add3A_86 : i32 to index
      %get3A_88 = arith.constant 0 : index
      %get3A_89 = tpu.vector_load %arg6[%get3A_87, %get3A_88] {strides = array<i32>} : memref<6400x16xf32, #tpu.memory_space<vmem>>, vector<1x16xf32>,
      %get3A_90 = vector.shape_cast %get3A_89 : vector<1x16xf32> to vector<16xf32>
      %add3A_91 = arith.addf %get3A_75, %get3A_90 : vector<16xf32>
      %add3A_92 = arith.constant 4 : i32
      %add3A_93 = arith.addi %mul3A_66, %add3A_92 : i32
      %get3A_94 = arith.index_cast %add3A_93 : i32 to index
      %get3A_95 = arith.constant 0 : index
      %get3A_96 = tpu.vector_load %arg6[%get3A_94, %get3A_95] {strides = array<i32>} : memref<6400x16xf32, #tpu.memory_space<vmem>>, vector<1x16xf32>,
      %get3A_97 = vector.shape_cast %get3A_96 : vector<1x16xf32> to vector<16xf32>
      %add3A_98 = arith.addf %add3A_82, %get3A_97 : vector<16xf32>
      %add3A_99 = arith.constant 4 : i32
      %add3A_100 = arith.addi %mul3A_66, %add3A_99 : i32
      %add3A_101 = arith.constant 1 : i32
      %add3A_102 = arith.addi %add3A_100, %add3A_101 : i32
      %get3A_103 = arith.index_cast %add3A_102 : i32 to index
      %get3A_104 = arith.constant 0 : index
      %get3A_105 = tpu.vector_load %arg6[%get3A_103, %get3A_104] {strides = array<i32>} : memref<6400x16xf32, #tpu.memory_space<vmem>>, vector<1x16xf32>,
      %get3A_106 = vector.shape_cast %get3A_105 : vector<1x16xf32> to vector<16xf32>
      %add3A_107 = arith.addf %add3A_91, %get3A_106 : vector<16xf32>
      %add3A_108 = arith.constant 6 : i32
      %add3A_109 = arith.addi %mul3A_66, %add3A_108 : i32
      %get3A_110 = arith.index_cast %add3A_109 : i32 to index
      %get3A_111 = arith.constant 0 : index
      %get3A_112 = tpu.vector_load %arg6[%get3A_110, %get3A_111] {strides = array<i32>} : memref<6400x16xf32, #tpu.memory_space<vmem>>, vector<1x16xf32>,
      %get3A_113 = vector.shape_cast %get3A_112 : vector<1x16xf32> to vector<16xf32>
      %add3A_114 = arith.addf %add3A_98, %get3A_113 : vector<16xf32>
      %add3A_115 = arith.constant 6 : i32
      %add3A_116 = arith.addi %mul3A_66, %add3A_115 : i32
      %add3A_117 = arith.constant 1 : i32
      %add3A_118 = arith.addi %add3A_116, %add3A_117 : i32
      %get3A_119 = arith.index_cast %add3A_118 : i32 to index
      %get3A_120 = arith.constant 0 : index
      %get3A_121 = tpu.vector_load %arg6[%get3A_119, %get3A_120] {strides = array<i32>} : memref<6400x16xf32, #tpu.memory_space<vmem>>, vector<1x16xf32>,
      %get3A_122 = vector.shape_cast %get3A_121 : vector<1x16xf32> to vector<16xf32>
      %add3A_123 = arith.addf %add3A_107, %get3A_122 : vector<16xf32>
      %add3A_124 = arith.constant 8 : i32
      %add3A_125 = arith.addi %mul3A_66, %add3A_124 : i32
      %get3A_126 = arith.index_cast %add3A_125 : i32 to index
      %get3A_127 = arith.constant 0 : index
      %get3A_128 = tpu.vector_load %arg6[%get3A_126, %get3A_127] {strides = array<i32>} : memref<6400x16xf32, #tpu.memory_space<vmem>>, vector<1x16xf32>,
      %get3A_129 = vector.shape_cast %get3A_128 : vector<1x16xf32> to vector<16xf32>
      %add3A_130 = arith.addf %add3A_114, %get3A_129 : vector<16xf32>
      %add3A_131 = arith.constant 8 : i32
      %add3A_132 = arith.addi %mul3A_66, %add3A_131 : i32
      %add3A_133 = arith.constant 1 : i32
      %add3A_134 = arith.addi %add3A_132, %add3A_133 : i32
      %get3A_135 = arith.index_cast %add3A_134 : i32 to index
      %get3A_136 = arith.constant 0 : index
      %get3A_137 = tpu.vector_load %arg6[%get3A_135, %get3A_136] {strides = array<i32>} : memref<6400x16xf32, #tpu.memory_space<vmem>>, vector<1x16xf32>,
      %get3A_138 = vector.shape_cast %get3A_137 : vector<1x16xf32> to vector<16xf32>
      %add3A_139 = arith.addf %add3A_123, %get3A_138 : vector<16xf32>
      %add3A_140 = arith.constant 10 : i32
      %add3A_141 = arith.addi %mul3A_66, %add3A_140 : i32
      %get3A_142 = arith.index_cast %add3A_141 : i32 to index
      %get3A_143 = arith.constant 0 : index
      %get3A_144 = tpu.vector_load %arg6[%get3A_142, %get3A_143] {strides = array<i32>} : memref<6400x16xf32, #tpu.memory_space<vmem>>, vector<1x16xf32>,
      %get3A_145 = vector.shape_cast %get3A_144 : vector<1x16xf32> to vector<16xf32>
      %add3A_146 = arith.addf %add3A_130, %get3A_145 : vector<16xf32>
      %add3A_147 = arith.constant 10 : i32
      %add3A_148 = arith.addi %mul3A_66, %add3A_147 : i32
      %add3A_149 = arith.constant 1 : i32
      %add3A_150 = arith.addi %add3A_148, %add3A_149 : i32
      %get3A_151 = arith.index_cast %add3A_150 : i32 to index
      %get3A_152 = arith.constant 0 : index
      %get3A_153 = tpu.vector_load %arg6[%get3A_151, %get3A_152] {strides = array<i32>} : memref<6400x16xf32, #tpu.memory_space<vmem>>, vector<1x16xf32>,
      %get3A_154 = vector.shape_cast %get3A_153 : vector<1x16xf32> to vector<16xf32>
      %add3A_155 = arith.addf %add3A_139, %get3A_154 : vector<16xf32>
      %add3A_156 = arith.constant 12 : i32
      %add3A_157 = arith.addi %mul3A_66, %add3A_156 : i32
      %get3A_158 = arith.index_cast %add3A_157 : i32 to index
      %get3A_159 = arith.constant 0 : index
      %get3A_160 = tpu.vector_load %arg6[%get3A_158, %get3A_159] {strides = array<i32>} : memref<6400x16xf32, #tpu.memory_space<vmem>>, vector<1x16xf32>,
      %get3A_161 = vector.shape_cast %get3A_160 : vector<1x16xf32> to vector<16xf32>
      %add3A_162 = arith.addf %add3A_146, %get3A_161 : vector<16xf32>
      %add3A_163 = arith.constant 12 : i32
      %add3A_164 = arith.addi %mul3A_66, %add3A_163 : i32
      %add3A_165 = arith.constant 1 : i32
      %add3A_166 = arith.addi %add3A_164, %add3A_165 : i32
      %get3A_167 = arith.index_cast %add3A_166 : i32 to index
      %get3A_168 = arith.constant 0 : index
      %get3A_169 = tpu.vector_load %arg6[%get3A_167, %get3A_168] {strides = array<i32>} : memref<6400x16xf32, #tpu.memory_space<vmem>>, vector<1x16xf32>,
      %get3A_170 = vector.shape_cast %get3A_169 : vector<1x16xf32> to vector<16xf32>
      %add3A_171 = arith.addf %add3A_155, %get3A_170 : vector<16xf32>
      %add3A_172 = arith.constant 14 : i32
      %add3A_173 = arith.addi %mul3A_66, %add3A_172 : i32
      %get3A_174 = arith.index_cast %add3A_173 : i32 to index
      %get3A_175 = arith.constant 0 : index
      %get3A_176 = tpu.vector_load %arg6[%get3A_174, %get3A_175] {strides = array<i32>} : memref<6400x16xf32, #tpu.memory_space<vmem>>, vector<1x16xf32>,
      %get3A_177 = vector.shape_cast %get3A_176 : vector<1x16xf32> to vector<16xf32>
      %add3A_178 = arith.addf %add3A_162, %get3A_177 : vector<16xf32>
      %add3A_179 = arith.constant 14 : i32
      %add3A_180 = arith.addi %mul3A_66, %add3A_179 : i32
      %add3A_181 = arith.constant 1 : i32
      %add3A_182 = arith.addi %add3A_180, %add3A_181 : i32
      %get3A_183 = arith.index_cast %add3A_182 : i32 to index
      %get3A_184 = arith.constant 0 : index
      %get3A_185 = tpu.vector_load %arg6[%get3A_183, %get3A_184] {strides = array<i32>} : memref<6400x16xf32, #tpu.memory_space<vmem>>, vector<1x16xf32>,
      %get3A_186 = vector.shape_cast %get3A_185 : vector<1x16xf32> to vector<16xf32>
      %add3A_187 = arith.addf %add3A_171, %get3A_186 : vector<16xf32>
      %add3A_188 = arith.constant 16 : i32
      %add3A_189 = arith.addi %mul3A_66, %add3A_188 : i32
      %get3A_190 = arith.index_cast %add3A_189 : i32 to index
      %get3A_191 = arith.constant 0 : index
      %get3A_192 = tpu.vector_load %arg6[%get3A_190, %get3A_191] {strides = array<i32>} : memref<6400x16xf32, #tpu.memory_space<vmem>>, vector<1x16xf32>,
      %get3A_193 = vector.shape_cast %get3A_192 : vector<1x16xf32> to vector<16xf32>
      %add3A_194 = arith.addf %add3A_178, %get3A_193 : vector<16xf32>
      %add3A_195 = arith.constant 16 : i32
      %add3A_196 = arith.addi %mul3A_66, %add3A_195 : i32
      %add3A_197 = arith.constant 1 : i32
      %add3A_198 = arith.addi %add3A_196, %add3A_197 : i32
      %get3A_199 = arith.index_cast %add3A_198 : i32 to index
      %get3A_200 = arith.constant 0 : index
      %get3A_201 = tpu.vector_load %arg6[%get3A_199, %get3A_200] {strides = array<i32>} : memref<6400x16xf32, #tpu.memory_space<vmem>>, vector<1x16xf32>,
      %get3A_202 = vector.shape_cast %get3A_201 : vector<1x16xf32> to vector<16xf32>
      %add3A_203 = arith.addf %add3A_187, %get3A_202 : vector<16xf32>
      %add3A_204 = arith.constant 18 : i32
      %add3A_205 = arith.addi %mul3A_66, %add3A_204 : i32
      %get3A_206 = arith.index_cast %add3A_205 : i32 to index
      %get3A_207 = arith.constant 0 : index
      %get3A_208 = tpu.vector_load %arg6[%get3A_206, %get3A_207] {strides = array<i32>} : memref<6400x16xf32, #tpu.memory_space<vmem>>, vector<1x16xf32>,
      %get3A_209 = vector.shape_cast %get3A_208 : vector<1x16xf32> to vector<16xf32>
      %add3A_210 = arith.addf %add3A_194, %get3A_209 : vector<16xf32>
      %add3A_211 = arith.constant 18 : i32
      %add3A_212 = arith.addi %mul3A_66, %add3A_211 : i32
      %add3A_213 = arith.constant 1 : i32
      %add3A_214 = arith.addi %add3A_212, %add3A_213 : i32
      %get3A_215 = arith.index_cast %add3A_214 : i32 to index
      %get3A_216 = arith.constant 0 : index
      %get3A_217 = tpu.vector_load %arg6[%get3A_215, %get3A_216] {strides = array<i32>} : memref<6400x16xf32, #tpu.memory_space<vmem>>, vector<1x16xf32>,
      %get3A_218 = vector.shape_cast %get3A_217 : vector<1x16xf32> to vector<16xf32>
      %add3A_219 = arith.addf %add3A_203, %get3A_218 : vector<16xf32>
      %add3A_220 = arith.constant 20 : i32
      %add3A_221 = arith.addi %mul3A_66, %add3A_220 : i32
      %get3A_222 = arith.index_cast %add3A_221 : i32 to index
      %get3A_223 = arith.constant 0 : index
      %get3A_224 = tpu.vector_load %arg6[%get3A_222, %get3A_223] {strides = array<i32>} : memref<6400x16xf32, #tpu.memory_space<vmem>>, vector<1x16xf32>,
      %get3A_225 = vector.shape_cast %get3A_224 : vector<1x16xf32> to vector<16xf32>
      %add3A_226 = arith.addf %add3A_210, %get3A_225 : vector<16xf32>
      %add3A_227 = arith.constant 20 : i32
      %add3A_228 = arith.addi %mul3A_66, %add3A_227 : i32
      %add3A_229 = arith.constant 1 : i32
      %add3A_230 = arith.addi %add3A_228, %add3A_229 : i32
      %get3A_231 = arith.index_cast %add3A_230 : i32 to index
      %get3A_232 = arith.constant 0 : index
      %get3A_233 = tpu.vector_load %arg6[%get3A_231, %get3A_232] {strides = array<i32>} : memref<6400x16xf32, #tpu.memory_space<vmem>>, vector<1x16xf32>,
      %get3A_234 = vector.shape_cast %get3A_233 : vector<1x16xf32> to vector<16xf32>
      %add3A_235 = arith.addf %add3A_219, %get3A_234 : vector<16xf32>
      %add3A_236 = arith.constant 22 : i32
      %add3A_237 = arith.addi %mul3A_66, %add3A_236 : i32
      %get3A_238 = arith.index_cast %add3A_237 : i32 to index
      %get3A_239 = arith.constant 0 : index
      %get3A_240 = tpu.vector_load %arg6[%get3A_238, %get3A_239] {strides = array<i32>} : memref<6400x16xf32, #tpu.memory_space<vmem>>, vector<1x16xf32>,
      %get3A_241 = vector.shape_cast %get3A_240 : vector<1x16xf32> to vector<16xf32>
      %add3A_242 = arith.addf %add3A_226, %get3A_241 : vector<16xf32>
      %add3A_243 = arith.constant 22 : i32
      %add3A_244 = arith.addi %mul3A_66, %add3A_243 : i32
      %add3A_245 = arith.constant 1 : i32
      %add3A_246 = arith.addi %add3A_244, %add3A_245 : i32
      %get3A_247 = arith.index_cast %add3A_246 : i32 to index
      %get3A_248 = arith.constant 0 : index
      %get3A_249 = tpu.vector_load %arg6[%get3A_247, %get3A_248] {strides = array<i32>} : memref<6400x16xf32, #tpu.memory_space<vmem>>, vector<1x16xf32>,
      %get3A_250 = vector.shape_cast %get3A_249 : vector<1x16xf32> to vector<16xf32>
      %add3A_251 = arith.addf %add3A_235, %get3A_250 : vector<16xf32>
      %add3A_252 = arith.constant 24 : i32
      %add3A_253 = arith.addi %mul3A_66, %add3A_252 : i32
      %get3A_254 = arith.index_cast %add3A_253 : i32 to index
      %get3A_255 = arith.constant 0 : index
      %get3A_256 = tpu.vector_load %arg6[%get3A_254, %get3A_255] {strides = array<i32>} : memref<6400x16xf32, #tpu.memory_space<vmem>>, vector<1x16xf32>,
      %get3A_257 = vector.shape_cast %get3A_256 : vector<1x16xf32> to vector<16xf32>
      %add3A_258 = arith.addf %add3A_242, %get3A_257 : vector<16xf32>
      %add3A_259 = arith.constant 24 : i32
      %add3A_260 = arith.addi %mul3A_66, %add3A_259 : i32
      %add3A_261 = arith.constant 1 : i32
      %add3A_262 = arith.addi %add3A_260, %add3A_261 : i32
      %get3A_263 = arith.index_cast %add3A_262 : i32 to index
      %get3A_264 = arith.constant 0 : index
      %get3A_265 = tpu.vector_load %arg6[%get3A_263, %get3A_264] {strides = array<i32>} : memref<6400x16xf32, #tpu.memory_space<vmem>>, vector<1x16xf32>,
      %get3A_266 = vector.shape_cast %get3A_265 : vector<1x16xf32> to vector<16xf32>
      %add3A_267 = arith.addf %add3A_251, %get3A_266 : vector<16xf32>
      %add3A_268 = arith.constant 26 : i32
      %add3A_269 = arith.addi %mul3A_66, %add3A_268 : i32
      %get3A_270 = arith.index_cast %add3A_269 : i32 to index
      %get3A_271 = arith.constant 0 : index
      %get3A_272 = tpu.vector_load %arg6[%get3A_270, %get3A_271] {strides = array<i32>} : memref<6400x16xf32, #tpu.memory_space<vmem>>, vector<1x16xf32>,
      %get3A_273 = vector.shape_cast %get3A_272 : vector<1x16xf32> to vector<16xf32>
      %add3A_274 = arith.addf %add3A_258, %get3A_273 : vector<16xf32>
      %add3A_275 = arith.constant 26 : i32
      %add3A_276 = arith.addi %mul3A_66, %add3A_275 : i32
      %add3A_277 = arith.constant 1 : i32
      %add3A_278 = arith.addi %add3A_276, %add3A_277 : i32
      %get3A_279 = arith.index_cast %add3A_278 : i32 to index
      %get3A_280 = arith.constant 0 : index
      %get3A_281 = tpu.vector_load %arg6[%get3A_279, %get3A_280] {strides = array<i32>} : memref<6400x16xf32, #tpu.memory_space<vmem>>, vector<1x16xf32>,
      %get3A_282 = vector.shape_cast %get3A_281 : vector<1x16xf32> to vector<16xf32>
      %add3A_283 = arith.addf %add3A_267, %get3A_282 : vector<16xf32>
      %add3A_284 = arith.constant 28 : i32
      %add3A_285 = arith.addi %mul3A_66, %add3A_284 : i32
      %get3A_286 = arith.index_cast %add3A_285 : i32 to index
      %get3A_287 = arith.constant 0 : index
      %get3A_288 = tpu.vector_load %arg6[%get3A_286, %get3A_287] {strides = array<i32>} : memref<6400x16xf32, #tpu.memory_space<vmem>>, vector<1x16xf32>,
      %get3A_289 = vector.shape_cast %get3A_288 : vector<1x16xf32> to vector<16xf32>
      %add3A_290 = arith.addf %add3A_274, %get3A_289 : vector<16xf32>
      %add3A_291 = arith.constant 28 : i32
      %add3A_292 = arith.addi %mul3A_66, %add3A_291 : i32
      %add3A_293 = arith.constant 1 : i32
      %add3A_294 = arith.addi %add3A_292, %add3A_293 : i32
      %get3A_295 = arith.index_cast %add3A_294 : i32 to index
      %get3A_296 = arith.constant 0 : index
      %get3A_297 = tpu.vector_load %arg6[%get3A_295, %get3A_296] {strides = array<i32>} : memref<6400x16xf32, #tpu.memory_space<vmem>>, vector<1x16xf32>,
      %get3A_298 = vector.shape_cast %get3A_297 : vector<1x16xf32> to vector<16xf32>
      %add3A_299 = arith.addf %add3A_283, %get3A_298 : vector<16xf32>
      %add3A_300 = arith.constant 30 : i32
      %add3A_301 = arith.addi %mul3A_66, %add3A_300 : i32
      %get3A_302 = arith.index_cast %add3A_301 : i32 to index
      %get3A_303 = arith.constant 0 : index
      %get3A_304 = tpu.vector_load %arg6[%get3A_302, %get3A_303] {strides = array<i32>} : memref<6400x16xf32, #tpu.memory_space<vmem>>, vector<1x16xf32>,
      %get3A_305 = vector.shape_cast %get3A_304 : vector<1x16xf32> to vector<16xf32>
      %add3A_306 = arith.addf %add3A_290, %get3A_305 : vector<16xf32>
      %add3A_307 = arith.constant 30 : i32
      %add3A_308 = arith.addi %mul3A_66, %add3A_307 : i32
      %add3A_309 = arith.constant 1 : i32
      %add3A_310 = arith.addi %add3A_308, %add3A_309 : i32
      %get3A_311 = arith.index_cast %add3A_310 : i32 to index
      %get3A_312 = arith.constant 0 : index
      %get3A_313 = tpu.vector_load %arg6[%get3A_311, %get3A_312] {strides = array<i32>} : memref<6400x16xf32, #tpu.memory_space<vmem>>, vector<1x16xf32>,
      %get3A_314 = vector.shape_cast %get3A_313 : vector<1x16xf32> to vector<16xf32>
      %add3A_315 = arith.addf %add3A_299, %get3A_314 : vector<16xf32>
      %add3A_316 = arith.constant 32 : i32
      %add3A_317 = arith.addi %mul3A_66, %add3A_316 : i32
      %get3A_318 = arith.index_cast %add3A_317 : i32 to index
      %get3A_319 = arith.constant 0 : index
      %get3A_320 = tpu.vector_load %arg6[%get3A_318, %get3A_319] {strides = array<i32>} : memref<6400x16xf32, #tpu.memory_space<vmem>>, vector<1x16xf32>,
      %get3A_321 = vector.shape_cast %get3A_320 : vector<1x16xf32> to vector<16xf32>
      %add3A_322 = arith.addf %add3A_306, %get3A_321 : vector<16xf32>
      %add3A_323 = arith.constant 32 : i32
      %add3A_324 = arith.addi %mul3A_66, %add3A_323 : i32
      %add3A_325 = arith.constant 1 : i32
      %add3A_326 = arith.addi %add3A_324, %add3A_325 : i32
      %get3A_327 = arith.index_cast %add3A_326 : i32 to index
      %get3A_328 = arith.constant 0 : index
      %get3A_329 = tpu.vector_load %arg6[%get3A_327, %get3A_328] {strides = array<i32>} : memref<6400x16xf32, #tpu.memory_space<vmem>>, vector<1x16xf32>,
      %get3A_330 = vector.shape_cast %get3A_329 : vector<1x16xf32> to vector<16xf32>
      %add3A_331 = arith.addf %add3A_315, %get3A_330 : vector<16xf32>
      %add3A_332 = arith.constant 34 : i32
      %add3A_333 = arith.addi %mul3A_66, %add3A_332 : i32
      %get3A_334 = arith.index_cast %add3A_333 : i32 to index
      %get3A_335 = arith.constant 0 : index
      %get3A_336 = tpu.vector_load %arg6[%get3A_334, %get3A_335] {strides = array<i32>} : memref<6400x16xf32, #tpu.memory_space<vmem>>, vector<1x16xf32>,
      %get3A_337 = vector.shape_cast %get3A_336 : vector<1x16xf32> to vector<16xf32>
      %add3A_338 = arith.addf %add3A_322, %get3A_337 : vector<16xf32>
      %add3A_339 = arith.constant 34 : i32
      %add3A_340 = arith.addi %mul3A_66, %add3A_339 : i32
      %add3A_341 = arith.constant 1 : i32
      %add3A_342 = arith.addi %add3A_340, %add3A_341 : i32
      %get3A_343 = arith.index_cast %add3A_342 : i32 to index
      %get3A_344 = arith.constant 0 : index
      %get3A_345 = tpu.vector_load %arg6[%get3A_343, %get3A_344] {strides = array<i32>} : memref<6400x16xf32, #tpu.memory_space<vmem>>, vector<1x16xf32>,
      %get3A_346 = vector.shape_cast %get3A_345 : vector<1x16xf32> to vector<16xf32>
      %add3A_347 = arith.addf %add3A_331, %get3A_346 : vector<16xf32>
      %add3A_348 = arith.constant 36 : i32
      %add3A_349 = arith.addi %mul3A_66, %add3A_348 : i32
      %get3A_350 = arith.index_cast %add3A_349 : i32 to index
      %get3A_351 = arith.constant 0 : index
      %get3A_352 = tpu.vector_load %arg6[%get3A_350, %get3A_351] {strides = array<i32>} : memref<6400x16xf32, #tpu.memory_space<vmem>>, vector<1x16xf32>,
      %get3A_353 = vector.shape_cast %get3A_352 : vector<1x16xf32> to vector<16xf32>
      %add3A_354 = arith.addf %add3A_338, %get3A_353 : vector<16xf32>
      %add3A_355 = arith.constant 36 : i32
      %add3A_356 = arith.addi %mul3A_66, %add3A_355 : i32
      %add3A_357 = arith.constant 1 : i32
      %add3A_358 = arith.addi %add3A_356, %add3A_357 : i32
      %get3A_359 = arith.index_cast %add3A_358 : i32 to index
      %get3A_360 = arith.constant 0 : index
      %get3A_361 = tpu.vector_load %arg6[%get3A_359, %get3A_360] {strides = array<i32>} : memref<6400x16xf32, #tpu.memory_space<vmem>>, vector<1x16xf32>,
      %get3A_362 = vector.shape_cast %get3A_361 : vector<1x16xf32> to vector<16xf32>
      %add3A_363 = arith.addf %add3A_347, %get3A_362 : vector<16xf32>
      %add3A_364 = arith.constant 38 : i32
      %add3A_365 = arith.addi %mul3A_66, %add3A_364 : i32
      %get3A_366 = arith.index_cast %add3A_365 : i32 to index
      %get3A_367 = arith.constant 0 : index
      %get3A_368 = tpu.vector_load %arg6[%get3A_366, %get3A_367] {strides = array<i32>} : memref<6400x16xf32, #tpu.memory_space<vmem>>, vector<1x16xf32>,
      %get3A_369 = vector.shape_cast %get3A_368 : vector<1x16xf32> to vector<16xf32>
      %add3A_370 = arith.addf %add3A_354, %get3A_369 : vector<16xf32>
      %add3A_371 = arith.constant 38 : i32
      %add3A_372 = arith.addi %mul3A_66, %add3A_371 : i32
      %add3A_373 = arith.constant 1 : i32
      %add3A_374 = arith.addi %add3A_372, %add3A_373 : i32
      %get3A_375 = arith.index_cast %add3A_374 : i32 to index
      %get3A_376 = arith.constant 0 : index
      %get3A_377 = tpu.vector_load %arg6[%get3A_375, %get3A_376] {strides = array<i32>} : memref<6400x16xf32, #tpu.memory_space<vmem>>, vector<1x16xf32>,
      %get3A_378 = vector.shape_cast %get3A_377 : vector<1x16xf32> to vector<16xf32>
      %add3A_379 = arith.addf %add3A_363, %get3A_378 : vector<16xf32>
      %add3A_380 = arith.constant 40 : i32
      %add3A_381 = arith.addi %mul3A_66, %add3A_380 : i32
      %get3A_382 = arith.index_cast %add3A_381 : i32 to index
      %get3A_383 = arith.constant 0 : index
      %get3A_384 = tpu.vector_load %arg6[%get3A_382, %get3A_383] {strides = array<i32>} : memref<6400x16xf32, #tpu.memory_space<vmem>>, vector<1x16xf32>,
      %get3A_385 = vector.shape_cast %get3A_384 : vector<1x16xf32> to vector<16xf32>
      %add3A_386 = arith.addf %add3A_370, %get3A_385 : vector<16xf32>
      %add3A_387 = arith.constant 40 : i32
      %add3A_388 = arith.addi %mul3A_66, %add3A_387 : i32
      %add3A_389 = arith.constant 1 : i32
      %add3A_390 = arith.addi %add3A_388, %add3A_389 : i32
      %get3A_391 = arith.index_cast %add3A_390 : i32 to index
      %get3A_392 = arith.constant 0 : index
      %get3A_393 = tpu.vector_load %arg6[%get3A_391, %get3A_392] {strides = array<i32>} : memref<6400x16xf32, #tpu.memory_space<vmem>>, vector<1x16xf32>,
      %get3A_394 = vector.shape_cast %get3A_393 : vector<1x16xf32> to vector<16xf32>
      %add3A_395 = arith.addf %add3A_379, %get3A_394 : vector<16xf32>
      %add3A_396 = arith.constant 42 : i32
      %add3A_397 = arith.addi %mul3A_66, %add3A_396 : i32
      %get3A_398 = arith.index_cast %add3A_397 : i32 to index
      %get3A_399 = arith.constant 0 : index
      %get3A_400 = tpu.vector_load %arg6[%get3A_398, %get3A_399] {strides = array<i32>} : memref<6400x16xf32, #tpu.memory_space<vmem>>, vector<1x16xf32>,
      %get3A_401 = vector.shape_cast %get3A_400 : vector<1x16xf32> to vector<16xf32>
      %add3A_402 = arith.addf %add3A_386, %get3A_401 : vector<16xf32>
      %add3A_403 = arith.constant 42 : i32
      %add3A_404 = arith.addi %mul3A_66, %add3A_403 : i32
      %add3A_405 = arith.constant 1 : i32
      %add3A_406 = arith.addi %add3A_404, %add3A_405 : i32
      %get3A_407 = arith.index_cast %add3A_406 : i32 to index
      %get3A_408 = arith.constant 0 : index
      %get3A_409 = tpu.vector_load %arg6[%get3A_407, %get3A_408] {strides = array<i32>} : memref<6400x16xf32, #tpu.memory_space<vmem>>, vector<1x16xf32>,
      %get3A_410 = vector.shape_cast %get3A_409 : vector<1x16xf32> to vector<16xf32>
      %add3A_411 = arith.addf %add3A_395, %get3A_410 : vector<16xf32>
      %add3A_412 = arith.constant 44 : i32
      %add3A_413 = arith.addi %mul3A_66, %add3A_412 : i32
      %get3A_414 = arith.index_cast %add3A_413 : i32 to index
      %get3A_415 = arith.constant 0 : index
      %get3A_416 = tpu.vector_load %arg6[%get3A_414, %get3A_415] {strides = array<i32>} : memref<6400x16xf32, #tpu.memory_space<vmem>>, vector<1x16xf32>,
      %get3A_417 = vector.shape_cast %get3A_416 : vector<1x16xf32> to vector<16xf32>
      %add3A_418 = arith.addf %add3A_402, %get3A_417 : vector<16xf32>
      %add3A_419 = arith.constant 44 : i32
      %add3A_420 = arith.addi %mul3A_66, %add3A_419 : i32
      %add3A_421 = arith.constant 1 : i32
      %add3A_422 = arith.addi %add3A_420, %add3A_421 : i32
      %get3A_423 = arith.index_cast %add3A_422 : i32 to index
      %get3A_424 = arith.constant 0 : index
      %get3A_425 = tpu.vector_load %arg6[%get3A_423, %get3A_424] {strides = array<i32>} : memref<6400x16xf32, #tpu.memory_space<vmem>>, vector<1x16xf32>,
      %get3A_426 = vector.shape_cast %get3A_425 : vector<1x16xf32> to vector<16xf32>
      %add3A_427 = arith.addf %add3A_411, %get3A_426 : vector<16xf32>
      %add3A_428 = arith.constant 46 : i32
      %add3A_429 = arith.addi %mul3A_66, %add3A_428 : i32
      %get3A_430 = arith.index_cast %add3A_429 : i32 to index
      %get3A_431 = arith.constant 0 : index
      %get3A_432 = tpu.vector_load %arg6[%get3A_430, %get3A_431] {strides = array<i32>} : memref<6400x16xf32, #tpu.memory_space<vmem>>, vector<1x16xf32>,
      %get3A_433 = vector.shape_cast %get3A_432 : vector<1x16xf32> to vector<16xf32>
      %add3A_434 = arith.addf %add3A_418, %get3A_433 : vector<16xf32>
      %add3A_435 = arith.constant 46 : i32
      %add3A_436 = arith.addi %mul3A_66, %add3A_435 : i32
      %add3A_437 = arith.constant 1 : i32
      %add3A_438 = arith.addi %add3A_436, %add3A_437 : i32
      %get3A_439 = arith.index_cast %add3A_438 : i32 to index
      %get3A_440 = arith.constant 0 : index
      %get3A_441 = tpu.vector_load %arg6[%get3A_439, %get3A_440] {strides = array<i32>} : memref<6400x16xf32, #tpu.memory_space<vmem>>, vector<1x16xf32>,
      %get3A_442 = vector.shape_cast %get3A_441 : vector<1x16xf32> to vector<16xf32>
      %add3A_443 = arith.addf %add3A_427, %get3A_442 : vector<16xf32>
      %add3A_444 = arith.constant 48 : i32
      %add3A_445 = arith.addi %mul3A_66, %add3A_444 : i32
      %get3A_446 = arith.index_cast %add3A_445 : i32 to index
      %get3A_447 = arith.constant 0 : index
      %get3A_448 = tpu.vector_load %arg6[%get3A_446, %get3A_447] {strides = array<i32>} : memref<6400x16xf32, #tpu.memory_space<vmem>>, vector<1x16xf32>,
      %get3A_449 = vector.shape_cast %get3A_448 : vector<1x16xf32> to vector<16xf32>
      %add3A_450 = arith.addf %add3A_434, %get3A_449 : vector<16xf32>
      %add3A_451 = arith.constant 48 : i32
      %add3A_452 = arith.addi %mul3A_66, %add3A_451 : i32
      %add3A_453 = arith.constant 1 : i32
      %add3A_454 = arith.addi %add3A_452, %add3A_453 : i32
      %get3A_455 = arith.index_cast %add3A_454 : i32 to index
      %get3A_456 = arith.constant 0 : index
      %get3A_457 = tpu.vector_load %arg6[%get3A_455, %get3A_456] {strides = array<i32>} : memref<6400x16xf32, #tpu.memory_space<vmem>>, vector<1x16xf32>,
      %get3A_458 = vector.shape_cast %get3A_457 : vector<1x16xf32> to vector<16xf32>
      %add3A_459 = arith.addf %add3A_443, %get3A_458 : vector<16xf32>
      %add3A_460 = arith.addf %add3A_450, %add3A_459 : vector<16xf32>
      %swap3A = arith.index_cast %add3A_64 : i32 to index
      %swap3A_461 = arith.constant 0 : index
      %swap3A_462 = tpu.vector_load %arg7[%swap3A, %swap3A_461] {strides = array<i32>} : memref<128x16xf32, #tpu.memory_space<vmem>>, vector<1x16xf32>,
      %swap3A_463 = vector.shape_cast %swap3A_462 : vector<1x16xf32> to vector<16xf32>
      %swap3A_464 = vector.shape_cast %add3A_460 : vector<16xf32> to vector<1x16xf32>
      tpu.vector_store %arg7[%swap3A, %swap3A_461], %swap3A_464 {strides = array<i32>} : memref<128x16xf32, #tpu.memory_space<vmem>>, vector<1x16xf32>,
    }
    %scan3A_49 = arith.constant 32 : i32
    %scan3A_50 = arith.constant 0 : i32
    %scan3A_51 = arith.constant 16 : i32
    %scan3A_52 = arith.addi %scan3A_50, %scan3A_51 : i32
    %scan3A_53 = arith.constant 1 : i32
    scf.for %scan3A_62 = %scan3A_50 to %scan3A_52 step %scan3A_53  : i32 {
      %add3A_63 = arith.constant 48 : i32
      %add3A_64 = arith.addi %add3A_63, %scan3A_62 : i32
      %mul3A_65 = arith.constant 100 : i32
      %mul3A_66 = arith.muli %add3A_64, %mul3A_65 : i32
      %dma_wait3A = arith.constant 0 : i32
      %dma_wait3A_67 = tpu.memref_slice %arg6[%mul3A_66, %dma_wait3A] : memref<6400x16xf32, #tpu.memory_space<vmem>> -> memref<100x16xf32, #tpu.memory_space<vmem>>
      %dma_wait3A_68 = arith.constant 0 : i32
      %dma_wait3A_69 = tpu.memref_slice %arg5[%add3A_64, %dma_wait3A_68] : memref<64x100xi32, #tpu.memory_space<vmem>> -> memref<1x100xi32, #tpu.memory_space<vmem>>
      %dma_wait3A_70 = tpu.memref_squeeze %dma_wait3A_69 : memref<1x100xi32, #tpu.memory_space<vmem>> -> memref<100xi32, #tpu.memory_space<vmem>>
      %dma_wait3A_71 = arith.constant 0 : i32
      %dma_wait3A_72 = arith.constant 0 : i32
      %dma_wait3A_73 = tpu.memref_slice %arg3[%dma_wait3A_71, %dma_wait3A_72] : memref<100000x16xf32, #tpu.memory_space<hbm>> -> memref<100000x16xf32, #tpu.memory_space<hbm>>
      tpu.wait_indirect_dma semaphore(%arg11 : memref<!tpu.dma_semaphore, #tpu.memory_space<semaphore_mem>>) src(%dma_wait3A_73 : memref<100000x16xf32, #tpu.memory_space<hbm>>) dst(%dma_wait3A_67 : memref<100x16xf32, #tpu.memory_space<vmem>>)
    }
    %scan3A_54 = arith.constant 16 : i32
    %scan3A_55 = arith.constant 0 : i32
    %scan3A_56 = arith.constant 32 : i32
    %scan3A_57 = arith.addi %scan3A_55, %scan3A_56 : i32
    %scan3A_58 = arith.constant 1 : i32
    scf.for %scan3A_62 = %scan3A_55 to %scan3A_57 step %scan3A_58  : i32 {
      %add3A_63 = arith.constant 96 : i32
      %add3A_64 = arith.addi %add3A_63, %scan3A_62 : i32
      %mul3A_65 = arith.constant 50 : i32
      %mul3A_66 = arith.muli %add3A_64, %mul3A_65 : i32
      %get3A = arith.index_cast %mul3A_66 : i32 to index
      %get3A_67 = arith.constant 0 : index
      %get3A_68 = tpu.vector_load %arg6[%get3A, %get3A_67] {strides = array<i32>} : memref<6400x16xf32, #tpu.memory_space<vmem>>, vector<1x16xf32>,
      %get3A_69 = vector.shape_cast %get3A_68 : vector<1x16xf32> to vector<16xf32>
      %add3A_70 = arith.constant 1 : i32
      %add3A_71 = arith.addi %mul3A_66, %add3A_70 : i32
      %get3A_72 = arith.index_cast %add3A_71 : i32 to index
      %get3A_73 = arith.constant 0 : index
      %get3A_74 = tpu.vector_load %arg6[%get3A_72, %get3A_73] {strides = array<i32>} : memref<6400x16xf32, #tpu.memory_space<vmem>>, vector<1x16xf32>,
      %get3A_75 = vector.shape_cast %get3A_74 : vector<1x16xf32> to vector<16xf32>
      %add3A_76 = arith.constant 2 : i32
      %add3A_77 = arith.addi %mul3A_66, %add3A_76 : i32
      %get3A_78 = arith.index_cast %add3A_77 : i32 to index
      %get3A_79 = arith.constant 0 : index
      %get3A_80 = tpu.vector_load %arg6[%get3A_78, %get3A_79] {strides = array<i32>} : memref<6400x16xf32, #tpu.memory_space<vmem>>, vector<1x16xf32>,
      %get3A_81 = vector.shape_cast %get3A_80 : vector<1x16xf32> to vector<16xf32>
      %add3A_82 = arith.addf %get3A_69, %get3A_81 : vector<16xf32>
      %add3A_83 = arith.constant 2 : i32
      %add3A_84 = arith.addi %mul3A_66, %add3A_83 : i32
      %add3A_85 = arith.constant 1 : i32
      %add3A_86 = arith.addi %add3A_84, %add3A_85 : i32
      %get3A_87 = arith.index_cast %add3A_86 : i32 to index
      %get3A_88 = arith.constant 0 : index
      %get3A_89 = tpu.vector_load %arg6[%get3A_87, %get3A_88] {strides = array<i32>} : memref<6400x16xf32, #tpu.memory_space<vmem>>, vector<1x16xf32>,
      %get3A_90 = vector.shape_cast %get3A_89 : vector<1x16xf32> to vector<16xf32>
      %add3A_91 = arith.addf %get3A_75, %get3A_90 : vector<16xf32>
      %add3A_92 = arith.constant 4 : i32
      %add3A_93 = arith.addi %mul3A_66, %add3A_92 : i32
      %get3A_94 = arith.index_cast %add3A_93 : i32 to index
      %get3A_95 = arith.constant 0 : index
      %get3A_96 = tpu.vector_load %arg6[%get3A_94, %get3A_95] {strides = array<i32>} : memref<6400x16xf32, #tpu.memory_space<vmem>>, vector<1x16xf32>,
      %get3A_97 = vector.shape_cast %get3A_96 : vector<1x16xf32> to vector<16xf32>
      %add3A_98 = arith.addf %add3A_82, %get3A_97 : vector<16xf32>
      %add3A_99 = arith.constant 4 : i32
      %add3A_100 = arith.addi %mul3A_66, %add3A_99 : i32
      %add3A_101 = arith.constant 1 : i32
      %add3A_102 = arith.addi %add3A_100, %add3A_101 : i32
      %get3A_103 = arith.index_cast %add3A_102 : i32 to index
      %get3A_104 = arith.constant 0 : index
      %get3A_105 = tpu.vector_load %arg6[%get3A_103, %get3A_104] {strides = array<i32>} : memref<6400x16xf32, #tpu.memory_space<vmem>>, vector<1x16xf32>,
      %get3A_106 = vector.shape_cast %get3A_105 : vector<1x16xf32> to vector<16xf32>
      %add3A_107 = arith.addf %add3A_91, %get3A_106 : vector<16xf32>
      %add3A_108 = arith.constant 6 : i32
      %add3A_109 = arith.addi %mul3A_66, %add3A_108 : i32
      %get3A_110 = arith.index_cast %add3A_109 : i32 to index
      %get3A_111 = arith.constant 0 : index
      %get3A_112 = tpu.vector_load %arg6[%get3A_110, %get3A_111] {strides = array<i32>} : memref<6400x16xf32, #tpu.memory_space<vmem>>, vector<1x16xf32>,
      %get3A_113 = vector.shape_cast %get3A_112 : vector<1x16xf32> to vector<16xf32>
      %add3A_114 = arith.addf %add3A_98, %get3A_113 : vector<16xf32>
      %add3A_115 = arith.constant 6 : i32
      %add3A_116 = arith.addi %mul3A_66, %add3A_115 : i32
      %add3A_117 = arith.constant 1 : i32
      %add3A_118 = arith.addi %add3A_116, %add3A_117 : i32
      %get3A_119 = arith.index_cast %add3A_118 : i32 to index
      %get3A_120 = arith.constant 0 : index
      %get3A_121 = tpu.vector_load %arg6[%get3A_119, %get3A_120] {strides = array<i32>} : memref<6400x16xf32, #tpu.memory_space<vmem>>, vector<1x16xf32>,
      %get3A_122 = vector.shape_cast %get3A_121 : vector<1x16xf32> to vector<16xf32>
      %add3A_123 = arith.addf %add3A_107, %get3A_122 : vector<16xf32>
      %add3A_124 = arith.constant 8 : i32
      %add3A_125 = arith.addi %mul3A_66, %add3A_124 : i32
      %get3A_126 = arith.index_cast %add3A_125 : i32 to index
      %get3A_127 = arith.constant 0 : index
      %get3A_128 = tpu.vector_load %arg6[%get3A_126, %get3A_127] {strides = array<i32>} : memref<6400x16xf32, #tpu.memory_space<vmem>>, vector<1x16xf32>,
      %get3A_129 = vector.shape_cast %get3A_128 : vector<1x16xf32> to vector<16xf32>
      %add3A_130 = arith.addf %add3A_114, %get3A_129 : vector<16xf32>
      %add3A_131 = arith.constant 8 : i32
      %add3A_132 = arith.addi %mul3A_66, %add3A_131 : i32
      %add3A_133 = arith.constant 1 : i32
      %add3A_134 = arith.addi %add3A_132, %add3A_133 : i32
      %get3A_135 = arith.index_cast %add3A_134 : i32 to index
      %get3A_136 = arith.constant 0 : index
      %get3A_137 = tpu.vector_load %arg6[%get3A_135, %get3A_136] {strides = array<i32>} : memref<6400x16xf32, #tpu.memory_space<vmem>>, vector<1x16xf32>,
      %get3A_138 = vector.shape_cast %get3A_137 : vector<1x16xf32> to vector<16xf32>
      %add3A_139 = arith.addf %add3A_123, %get3A_138 : vector<16xf32>
      %add3A_140 = arith.constant 10 : i32
      %add3A_141 = arith.addi %mul3A_66, %add3A_140 : i32
      %get3A_142 = arith.index_cast %add3A_141 : i32 to index
      %get3A_143 = arith.constant 0 : index
      %get3A_144 = tpu.vector_load %arg6[%get3A_142, %get3A_143] {strides = array<i32>} : memref<6400x16xf32, #tpu.memory_space<vmem>>, vector<1x16xf32>,
      %get3A_145 = vector.shape_cast %get3A_144 : vector<1x16xf32> to vector<16xf32>
      %add3A_146 = arith.addf %add3A_130, %get3A_145 : vector<16xf32>
      %add3A_147 = arith.constant 10 : i32
      %add3A_148 = arith.addi %mul3A_66, %add3A_147 : i32
      %add3A_149 = arith.constant 1 : i32
      %add3A_150 = arith.addi %add3A_148, %add3A_149 : i32
      %get3A_151 = arith.index_cast %add3A_150 : i32 to index
      %get3A_152 = arith.constant 0 : index
      %get3A_153 = tpu.vector_load %arg6[%get3A_151, %get3A_152] {strides = array<i32>} : memref<6400x16xf32, #tpu.memory_space<vmem>>, vector<1x16xf32>,
      %get3A_154 = vector.shape_cast %get3A_153 : vector<1x16xf32> to vector<16xf32>
      %add3A_155 = arith.addf %add3A_139, %get3A_154 : vector<16xf32>
      %add3A_156 = arith.constant 12 : i32
      %add3A_157 = arith.addi %mul3A_66, %add3A_156 : i32
      %get3A_158 = arith.index_cast %add3A_157 : i32 to index
      %get3A_159 = arith.constant 0 : index
      %get3A_160 = tpu.vector_load %arg6[%get3A_158, %get3A_159] {strides = array<i32>} : memref<6400x16xf32, #tpu.memory_space<vmem>>, vector<1x16xf32>,
      %get3A_161 = vector.shape_cast %get3A_160 : vector<1x16xf32> to vector<16xf32>
      %add3A_162 = arith.addf %add3A_146, %get3A_161 : vector<16xf32>
      %add3A_163 = arith.constant 12 : i32
      %add3A_164 = arith.addi %mul3A_66, %add3A_163 : i32
      %add3A_165 = arith.constant 1 : i32
      %add3A_166 = arith.addi %add3A_164, %add3A_165 : i32
      %get3A_167 = arith.index_cast %add3A_166 : i32 to index
      %get3A_168 = arith.constant 0 : index
      %get3A_169 = tpu.vector_load %arg6[%get3A_167, %get3A_168] {strides = array<i32>} : memref<6400x16xf32, #tpu.memory_space<vmem>>, vector<1x16xf32>,
      %get3A_170 = vector.shape_cast %get3A_169 : vector<1x16xf32> to vector<16xf32>
      %add3A_171 = arith.addf %add3A_155, %get3A_170 : vector<16xf32>
      %add3A_172 = arith.constant 14 : i32
      %add3A_173 = arith.addi %mul3A_66, %add3A_172 : i32
      %get3A_174 = arith.index_cast %add3A_173 : i32 to index
      %get3A_175 = arith.constant 0 : index
      %get3A_176 = tpu.vector_load %arg6[%get3A_174, %get3A_175] {strides = array<i32>} : memref<6400x16xf32, #tpu.memory_space<vmem>>, vector<1x16xf32>,
      %get3A_177 = vector.shape_cast %get3A_176 : vector<1x16xf32> to vector<16xf32>
      %add3A_178 = arith.addf %add3A_162, %get3A_177 : vector<16xf32>
      %add3A_179 = arith.constant 14 : i32
      %add3A_180 = arith.addi %mul3A_66, %add3A_179 : i32
      %add3A_181 = arith.constant 1 : i32
      %add3A_182 = arith.addi %add3A_180, %add3A_181 : i32
      %get3A_183 = arith.index_cast %add3A_182 : i32 to index
      %get3A_184 = arith.constant 0 : index
      %get3A_185 = tpu.vector_load %arg6[%get3A_183, %get3A_184] {strides = array<i32>} : memref<6400x16xf32, #tpu.memory_space<vmem>>, vector<1x16xf32>,
      %get3A_186 = vector.shape_cast %get3A_185 : vector<1x16xf32> to vector<16xf32>
      %add3A_187 = arith.addf %add3A_171, %get3A_186 : vector<16xf32>
      %add3A_188 = arith.constant 16 : i32
      %add3A_189 = arith.addi %mul3A_66, %add3A_188 : i32
      %get3A_190 = arith.index_cast %add3A_189 : i32 to index
      %get3A_191 = arith.constant 0 : index
      %get3A_192 = tpu.vector_load %arg6[%get3A_190, %get3A_191] {strides = array<i32>} : memref<6400x16xf32, #tpu.memory_space<vmem>>, vector<1x16xf32>,
      %get3A_193 = vector.shape_cast %get3A_192 : vector<1x16xf32> to vector<16xf32>
      %add3A_194 = arith.addf %add3A_178, %get3A_193 : vector<16xf32>
      %add3A_195 = arith.constant 16 : i32
      %add3A_196 = arith.addi %mul3A_66, %add3A_195 : i32
      %add3A_197 = arith.constant 1 : i32
      %add3A_198 = arith.addi %add3A_196, %add3A_197 : i32
      %get3A_199 = arith.index_cast %add3A_198 : i32 to index
      %get3A_200 = arith.constant 0 : index
      %get3A_201 = tpu.vector_load %arg6[%get3A_199, %get3A_200] {strides = array<i32>} : memref<6400x16xf32, #tpu.memory_space<vmem>>, vector<1x16xf32>,
      %get3A_202 = vector.shape_cast %get3A_201 : vector<1x16xf32> to vector<16xf32>
      %add3A_203 = arith.addf %add3A_187, %get3A_202 : vector<16xf32>
      %add3A_204 = arith.constant 18 : i32
      %add3A_205 = arith.addi %mul3A_66, %add3A_204 : i32
      %get3A_206 = arith.index_cast %add3A_205 : i32 to index
      %get3A_207 = arith.constant 0 : index
      %get3A_208 = tpu.vector_load %arg6[%get3A_206, %get3A_207] {strides = array<i32>} : memref<6400x16xf32, #tpu.memory_space<vmem>>, vector<1x16xf32>,
      %get3A_209 = vector.shape_cast %get3A_208 : vector<1x16xf32> to vector<16xf32>
      %add3A_210 = arith.addf %add3A_194, %get3A_209 : vector<16xf32>
      %add3A_211 = arith.constant 18 : i32
      %add3A_212 = arith.addi %mul3A_66, %add3A_211 : i32
      %add3A_213 = arith.constant 1 : i32
      %add3A_214 = arith.addi %add3A_212, %add3A_213 : i32
      %get3A_215 = arith.index_cast %add3A_214 : i32 to index
      %get3A_216 = arith.constant 0 : index
      %get3A_217 = tpu.vector_load %arg6[%get3A_215, %get3A_216] {strides = array<i32>} : memref<6400x16xf32, #tpu.memory_space<vmem>>, vector<1x16xf32>,
      %get3A_218 = vector.shape_cast %get3A_217 : vector<1x16xf32> to vector<16xf32>
      %add3A_219 = arith.addf %add3A_203, %get3A_218 : vector<16xf32>
      %add3A_220 = arith.constant 20 : i32
      %add3A_221 = arith.addi %mul3A_66, %add3A_220 : i32
      %get3A_222 = arith.index_cast %add3A_221 : i32 to index
      %get3A_223 = arith.constant 0 : index
      %get3A_224 = tpu.vector_load %arg6[%get3A_222, %get3A_223] {strides = array<i32>} : memref<6400x16xf32, #tpu.memory_space<vmem>>, vector<1x16xf32>,
      %get3A_225 = vector.shape_cast %get3A_224 : vector<1x16xf32> to vector<16xf32>
      %add3A_226 = arith.addf %add3A_210, %get3A_225 : vector<16xf32>
      %add3A_227 = arith.constant 20 : i32
      %add3A_228 = arith.addi %mul3A_66, %add3A_227 : i32
      %add3A_229 = arith.constant 1 : i32
      %add3A_230 = arith.addi %add3A_228, %add3A_229 : i32
      %get3A_231 = arith.index_cast %add3A_230 : i32 to index
      %get3A_232 = arith.constant 0 : index
      %get3A_233 = tpu.vector_load %arg6[%get3A_231, %get3A_232] {strides = array<i32>} : memref<6400x16xf32, #tpu.memory_space<vmem>>, vector<1x16xf32>,
      %get3A_234 = vector.shape_cast %get3A_233 : vector<1x16xf32> to vector<16xf32>
      %add3A_235 = arith.addf %add3A_219, %get3A_234 : vector<16xf32>
      %add3A_236 = arith.constant 22 : i32
      %add3A_237 = arith.addi %mul3A_66, %add3A_236 : i32
      %get3A_238 = arith.index_cast %add3A_237 : i32 to index
      %get3A_239 = arith.constant 0 : index
      %get3A_240 = tpu.vector_load %arg6[%get3A_238, %get3A_239] {strides = array<i32>} : memref<6400x16xf32, #tpu.memory_space<vmem>>, vector<1x16xf32>,
      %get3A_241 = vector.shape_cast %get3A_240 : vector<1x16xf32> to vector<16xf32>
      %add3A_242 = arith.addf %add3A_226, %get3A_241 : vector<16xf32>
      %add3A_243 = arith.constant 22 : i32
      %add3A_244 = arith.addi %mul3A_66, %add3A_243 : i32
      %add3A_245 = arith.constant 1 : i32
      %add3A_246 = arith.addi %add3A_244, %add3A_245 : i32
      %get3A_247 = arith.index_cast %add3A_246 : i32 to index
      %get3A_248 = arith.constant 0 : index
      %get3A_249 = tpu.vector_load %arg6[%get3A_247, %get3A_248] {strides = array<i32>} : memref<6400x16xf32, #tpu.memory_space<vmem>>, vector<1x16xf32>,
      %get3A_250 = vector.shape_cast %get3A_249 : vector<1x16xf32> to vector<16xf32>
      %add3A_251 = arith.addf %add3A_235, %get3A_250 : vector<16xf32>
      %add3A_252 = arith.constant 24 : i32
      %add3A_253 = arith.addi %mul3A_66, %add3A_252 : i32
      %get3A_254 = arith.index_cast %add3A_253 : i32 to index
      %get3A_255 = arith.constant 0 : index
      %get3A_256 = tpu.vector_load %arg6[%get3A_254, %get3A_255] {strides = array<i32>} : memref<6400x16xf32, #tpu.memory_space<vmem>>, vector<1x16xf32>,
      %get3A_257 = vector.shape_cast %get3A_256 : vector<1x16xf32> to vector<16xf32>
      %add3A_258 = arith.addf %add3A_242, %get3A_257 : vector<16xf32>
      %add3A_259 = arith.constant 24 : i32
      %add3A_260 = arith.addi %mul3A_66, %add3A_259 : i32
      %add3A_261 = arith.constant 1 : i32
      %add3A_262 = arith.addi %add3A_260, %add3A_261 : i32
      %get3A_263 = arith.index_cast %add3A_262 : i32 to index
      %get3A_264 = arith.constant 0 : index
      %get3A_265 = tpu.vector_load %arg6[%get3A_263, %get3A_264] {strides = array<i32>} : memref<6400x16xf32, #tpu.memory_space<vmem>>, vector<1x16xf32>,
      %get3A_266 = vector.shape_cast %get3A_265 : vector<1x16xf32> to vector<16xf32>
      %add3A_267 = arith.addf %add3A_251, %get3A_266 : vector<16xf32>
      %add3A_268 = arith.constant 26 : i32
      %add3A_269 = arith.addi %mul3A_66, %add3A_268 : i32
      %get3A_270 = arith.index_cast %add3A_269 : i32 to index
      %get3A_271 = arith.constant 0 : index
      %get3A_272 = tpu.vector_load %arg6[%get3A_270, %get3A_271] {strides = array<i32>} : memref<6400x16xf32, #tpu.memory_space<vmem>>, vector<1x16xf32>,
      %get3A_273 = vector.shape_cast %get3A_272 : vector<1x16xf32> to vector<16xf32>
      %add3A_274 = arith.addf %add3A_258, %get3A_273 : vector<16xf32>
      %add3A_275 = arith.constant 26 : i32
      %add3A_276 = arith.addi %mul3A_66, %add3A_275 : i32
      %add3A_277 = arith.constant 1 : i32
      %add3A_278 = arith.addi %add3A_276, %add3A_277 : i32
      %get3A_279 = arith.index_cast %add3A_278 : i32 to index
      %get3A_280 = arith.constant 0 : index
      %get3A_281 = tpu.vector_load %arg6[%get3A_279, %get3A_280] {strides = array<i32>} : memref<6400x16xf32, #tpu.memory_space<vmem>>, vector<1x16xf32>,
      %get3A_282 = vector.shape_cast %get3A_281 : vector<1x16xf32> to vector<16xf32>
      %add3A_283 = arith.addf %add3A_267, %get3A_282 : vector<16xf32>
      %add3A_284 = arith.constant 28 : i32
      %add3A_285 = arith.addi %mul3A_66, %add3A_284 : i32
      %get3A_286 = arith.index_cast %add3A_285 : i32 to index
      %get3A_287 = arith.constant 0 : index
      %get3A_288 = tpu.vector_load %arg6[%get3A_286, %get3A_287] {strides = array<i32>} : memref<6400x16xf32, #tpu.memory_space<vmem>>, vector<1x16xf32>,
      %get3A_289 = vector.shape_cast %get3A_288 : vector<1x16xf32> to vector<16xf32>
      %add3A_290 = arith.addf %add3A_274, %get3A_289 : vector<16xf32>
      %add3A_291 = arith.constant 28 : i32
      %add3A_292 = arith.addi %mul3A_66, %add3A_291 : i32
      %add3A_293 = arith.constant 1 : i32
      %add3A_294 = arith.addi %add3A_292, %add3A_293 : i32
      %get3A_295 = arith.index_cast %add3A_294 : i32 to index
      %get3A_296 = arith.constant 0 : index
      %get3A_297 = tpu.vector_load %arg6[%get3A_295, %get3A_296] {strides = array<i32>} : memref<6400x16xf32, #tpu.memory_space<vmem>>, vector<1x16xf32>,
      %get3A_298 = vector.shape_cast %get3A_297 : vector<1x16xf32> to vector<16xf32>
      %add3A_299 = arith.addf %add3A_283, %get3A_298 : vector<16xf32>
      %add3A_300 = arith.constant 30 : i32
      %add3A_301 = arith.addi %mul3A_66, %add3A_300 : i32
      %get3A_302 = arith.index_cast %add3A_301 : i32 to index
      %get3A_303 = arith.constant 0 : index
      %get3A_304 = tpu.vector_load %arg6[%get3A_302, %get3A_303] {strides = array<i32>} : memref<6400x16xf32, #tpu.memory_space<vmem>>, vector<1x16xf32>,
      %get3A_305 = vector.shape_cast %get3A_304 : vector<1x16xf32> to vector<16xf32>
      %add3A_306 = arith.addf %add3A_290, %get3A_305 : vector<16xf32>
      %add3A_307 = arith.constant 30 : i32
      %add3A_308 = arith.addi %mul3A_66, %add3A_307 : i32
      %add3A_309 = arith.constant 1 : i32
      %add3A_310 = arith.addi %add3A_308, %add3A_309 : i32
      %get3A_311 = arith.index_cast %add3A_310 : i32 to index
      %get3A_312 = arith.constant 0 : index
      %get3A_313 = tpu.vector_load %arg6[%get3A_311, %get3A_312] {strides = array<i32>} : memref<6400x16xf32, #tpu.memory_space<vmem>>, vector<1x16xf32>,
      %get3A_314 = vector.shape_cast %get3A_313 : vector<1x16xf32> to vector<16xf32>
      %add3A_315 = arith.addf %add3A_299, %get3A_314 : vector<16xf32>
      %add3A_316 = arith.constant 32 : i32
      %add3A_317 = arith.addi %mul3A_66, %add3A_316 : i32
      %get3A_318 = arith.index_cast %add3A_317 : i32 to index
      %get3A_319 = arith.constant 0 : index
      %get3A_320 = tpu.vector_load %arg6[%get3A_318, %get3A_319] {strides = array<i32>} : memref<6400x16xf32, #tpu.memory_space<vmem>>, vector<1x16xf32>,
      %get3A_321 = vector.shape_cast %get3A_320 : vector<1x16xf32> to vector<16xf32>
      %add3A_322 = arith.addf %add3A_306, %get3A_321 : vector<16xf32>
      %add3A_323 = arith.constant 32 : i32
      %add3A_324 = arith.addi %mul3A_66, %add3A_323 : i32
      %add3A_325 = arith.constant 1 : i32
      %add3A_326 = arith.addi %add3A_324, %add3A_325 : i32
      %get3A_327 = arith.index_cast %add3A_326 : i32 to index
      %get3A_328 = arith.constant 0 : index
      %get3A_329 = tpu.vector_load %arg6[%get3A_327, %get3A_328] {strides = array<i32>} : memref<6400x16xf32, #tpu.memory_space<vmem>>, vector<1x16xf32>,
      %get3A_330 = vector.shape_cast %get3A_329 : vector<1x16xf32> to vector<16xf32>
      %add3A_331 = arith.addf %add3A_315, %get3A_330 : vector<16xf32>
      %add3A_332 = arith.constant 34 : i32
      %add3A_333 = arith.addi %mul3A_66, %add3A_332 : i32
      %get3A_334 = arith.index_cast %add3A_333 : i32 to index
      %get3A_335 = arith.constant 0 : index
      %get3A_336 = tpu.vector_load %arg6[%get3A_334, %get3A_335] {strides = array<i32>} : memref<6400x16xf32, #tpu.memory_space<vmem>>, vector<1x16xf32>,
      %get3A_337 = vector.shape_cast %get3A_336 : vector<1x16xf32> to vector<16xf32>
      %add3A_338 = arith.addf %add3A_322, %get3A_337 : vector<16xf32>
      %add3A_339 = arith.constant 34 : i32
      %add3A_340 = arith.addi %mul3A_66, %add3A_339 : i32
      %add3A_341 = arith.constant 1 : i32
      %add3A_342 = arith.addi %add3A_340, %add3A_341 : i32
      %get3A_343 = arith.index_cast %add3A_342 : i32 to index
      %get3A_344 = arith.constant 0 : index
      %get3A_345 = tpu.vector_load %arg6[%get3A_343, %get3A_344] {strides = array<i32>} : memref<6400x16xf32, #tpu.memory_space<vmem>>, vector<1x16xf32>,
      %get3A_346 = vector.shape_cast %get3A_345 : vector<1x16xf32> to vector<16xf32>
      %add3A_347 = arith.addf %add3A_331, %get3A_346 : vector<16xf32>
      %add3A_348 = arith.constant 36 : i32
      %add3A_349 = arith.addi %mul3A_66, %add3A_348 : i32
      %get3A_350 = arith.index_cast %add3A_349 : i32 to index
      %get3A_351 = arith.constant 0 : index
      %get3A_352 = tpu.vector_load %arg6[%get3A_350, %get3A_351] {strides = array<i32>} : memref<6400x16xf32, #tpu.memory_space<vmem>>, vector<1x16xf32>,
      %get3A_353 = vector.shape_cast %get3A_352 : vector<1x16xf32> to vector<16xf32>
      %add3A_354 = arith.addf %add3A_338, %get3A_353 : vector<16xf32>
      %add3A_355 = arith.constant 36 : i32
      %add3A_356 = arith.addi %mul3A_66, %add3A_355 : i32
      %add3A_357 = arith.constant 1 : i32
      %add3A_358 = arith.addi %add3A_356, %add3A_357 : i32
      %get3A_359 = arith.index_cast %add3A_358 : i32 to index
      %get3A_360 = arith.constant 0 : index
      %get3A_361 = tpu.vector_load %arg6[%get3A_359, %get3A_360] {strides = array<i32>} : memref<6400x16xf32, #tpu.memory_space<vmem>>, vector<1x16xf32>,
      %get3A_362 = vector.shape_cast %get3A_361 : vector<1x16xf32> to vector<16xf32>
      %add3A_363 = arith.addf %add3A_347, %get3A_362 : vector<16xf32>
      %add3A_364 = arith.constant 38 : i32
      %add3A_365 = arith.addi %mul3A_66, %add3A_364 : i32
      %get3A_366 = arith.index_cast %add3A_365 : i32 to index
      %get3A_367 = arith.constant 0 : index
      %get3A_368 = tpu.vector_load %arg6[%get3A_366, %get3A_367] {strides = array<i32>} : memref<6400x16xf32, #tpu.memory_space<vmem>>, vector<1x16xf32>,
      %get3A_369 = vector.shape_cast %get3A_368 : vector<1x16xf32> to vector<16xf32>
      %add3A_370 = arith.addf %add3A_354, %get3A_369 : vector<16xf32>
      %add3A_371 = arith.constant 38 : i32
      %add3A_372 = arith.addi %mul3A_66, %add3A_371 : i32
      %add3A_373 = arith.constant 1 : i32
      %add3A_374 = arith.addi %add3A_372, %add3A_373 : i32
      %get3A_375 = arith.index_cast %add3A_374 : i32 to index
      %get3A_376 = arith.constant 0 : index
      %get3A_377 = tpu.vector_load %arg6[%get3A_375, %get3A_376] {strides = array<i32>} : memref<6400x16xf32, #tpu.memory_space<vmem>>, vector<1x16xf32>,
      %get3A_378 = vector.shape_cast %get3A_377 : vector<1x16xf32> to vector<16xf32>
      %add3A_379 = arith.addf %add3A_363, %get3A_378 : vector<16xf32>
      %add3A_380 = arith.constant 40 : i32
      %add3A_381 = arith.addi %mul3A_66, %add3A_380 : i32
      %get3A_382 = arith.index_cast %add3A_381 : i32 to index
      %get3A_383 = arith.constant 0 : index
      %get3A_384 = tpu.vector_load %arg6[%get3A_382, %get3A_383] {strides = array<i32>} : memref<6400x16xf32, #tpu.memory_space<vmem>>, vector<1x16xf32>,
      %get3A_385 = vector.shape_cast %get3A_384 : vector<1x16xf32> to vector<16xf32>
      %add3A_386 = arith.addf %add3A_370, %get3A_385 : vector<16xf32>
      %add3A_387 = arith.constant 40 : i32
      %add3A_388 = arith.addi %mul3A_66, %add3A_387 : i32
      %add3A_389 = arith.constant 1 : i32
      %add3A_390 = arith.addi %add3A_388, %add3A_389 : i32
      %get3A_391 = arith.index_cast %add3A_390 : i32 to index
      %get3A_392 = arith.constant 0 : index
      %get3A_393 = tpu.vector_load %arg6[%get3A_391, %get3A_392] {strides = array<i32>} : memref<6400x16xf32, #tpu.memory_space<vmem>>, vector<1x16xf32>,
      %get3A_394 = vector.shape_cast %get3A_393 : vector<1x16xf32> to vector<16xf32>
      %add3A_395 = arith.addf %add3A_379, %get3A_394 : vector<16xf32>
      %add3A_396 = arith.constant 42 : i32
      %add3A_397 = arith.addi %mul3A_66, %add3A_396 : i32
      %get3A_398 = arith.index_cast %add3A_397 : i32 to index
      %get3A_399 = arith.constant 0 : index
      %get3A_400 = tpu.vector_load %arg6[%get3A_398, %get3A_399] {strides = array<i32>} : memref<6400x16xf32, #tpu.memory_space<vmem>>, vector<1x16xf32>,
      %get3A_401 = vector.shape_cast %get3A_400 : vector<1x16xf32> to vector<16xf32>
      %add3A_402 = arith.addf %add3A_386, %get3A_401 : vector<16xf32>
      %add3A_403 = arith.constant 42 : i32
      %add3A_404 = arith.addi %mul3A_66, %add3A_403 : i32
      %add3A_405 = arith.constant 1 : i32
      %add3A_406 = arith.addi %add3A_404, %add3A_405 : i32
      %get3A_407 = arith.index_cast %add3A_406 : i32 to index
      %get3A_408 = arith.constant 0 : index
      %get3A_409 = tpu.vector_load %arg6[%get3A_407, %get3A_408] {strides = array<i32>} : memref<6400x16xf32, #tpu.memory_space<vmem>>, vector<1x16xf32>,
      %get3A_410 = vector.shape_cast %get3A_409 : vector<1x16xf32> to vector<16xf32>
      %add3A_411 = arith.addf %add3A_395, %get3A_410 : vector<16xf32>
      %add3A_412 = arith.constant 44 : i32
      %add3A_413 = arith.addi %mul3A_66, %add3A_412 : i32
      %get3A_414 = arith.index_cast %add3A_413 : i32 to index
      %get3A_415 = arith.constant 0 : index
      %get3A_416 = tpu.vector_load %arg6[%get3A_414, %get3A_415] {strides = array<i32>} : memref<6400x16xf32, #tpu.memory_space<vmem>>, vector<1x16xf32>,
      %get3A_417 = vector.shape_cast %get3A_416 : vector<1x16xf32> to vector<16xf32>
      %add3A_418 = arith.addf %add3A_402, %get3A_417 : vector<16xf32>
      %add3A_419 = arith.constant 44 : i32
      %add3A_420 = arith.addi %mul3A_66, %add3A_419 : i32
      %add3A_421 = arith.constant 1 : i32
      %add3A_422 = arith.addi %add3A_420, %add3A_421 : i32
      %get3A_423 = arith.index_cast %add3A_422 : i32 to index
      %get3A_424 = arith.constant 0 : index
      %get3A_425 = tpu.vector_load %arg6[%get3A_423, %get3A_424] {strides = array<i32>} : memref<6400x16xf32, #tpu.memory_space<vmem>>, vector<1x16xf32>,
      %get3A_426 = vector.shape_cast %get3A_425 : vector<1x16xf32> to vector<16xf32>
      %add3A_427 = arith.addf %add3A_411, %get3A_426 : vector<16xf32>
      %add3A_428 = arith.constant 46 : i32
      %add3A_429 = arith.addi %mul3A_66, %add3A_428 : i32
      %get3A_430 = arith.index_cast %add3A_429 : i32 to index
      %get3A_431 = arith.constant 0 : index
      %get3A_432 = tpu.vector_load %arg6[%get3A_430, %get3A_431] {strides = array<i32>} : memref<6400x16xf32, #tpu.memory_space<vmem>>, vector<1x16xf32>,
      %get3A_433 = vector.shape_cast %get3A_432 : vector<1x16xf32> to vector<16xf32>
      %add3A_434 = arith.addf %add3A_418, %get3A_433 : vector<16xf32>
      %add3A_435 = arith.constant 46 : i32
      %add3A_436 = arith.addi %mul3A_66, %add3A_435 : i32
      %add3A_437 = arith.constant 1 : i32
      %add3A_438 = arith.addi %add3A_436, %add3A_437 : i32
      %get3A_439 = arith.index_cast %add3A_438 : i32 to index
      %get3A_440 = arith.constant 0 : index
      %get3A_441 = tpu.vector_load %arg6[%get3A_439, %get3A_440] {strides = array<i32>} : memref<6400x16xf32, #tpu.memory_space<vmem>>, vector<1x16xf32>,
      %get3A_442 = vector.shape_cast %get3A_441 : vector<1x16xf32> to vector<16xf32>
      %add3A_443 = arith.addf %add3A_427, %get3A_442 : vector<16xf32>
      %add3A_444 = arith.constant 48 : i32
      %add3A_445 = arith.addi %mul3A_66, %add3A_444 : i32
      %get3A_446 = arith.index_cast %add3A_445 : i32 to index
      %get3A_447 = arith.constant 0 : index
      %get3A_448 = tpu.vector_load %arg6[%get3A_446, %get3A_447] {strides = array<i32>} : memref<6400x16xf32, #tpu.memory_space<vmem>>, vector<1x16xf32>,
      %get3A_449 = vector.shape_cast %get3A_448 : vector<1x16xf32> to vector<16xf32>
      %add3A_450 = arith.addf %add3A_434, %get3A_449 : vector<16xf32>
      %add3A_451 = arith.constant 48 : i32
      %add3A_452 = arith.addi %mul3A_66, %add3A_451 : i32
      %add3A_453 = arith.constant 1 : i32
      %add3A_454 = arith.addi %add3A_452, %add3A_453 : i32
      %get3A_455 = arith.index_cast %add3A_454 : i32 to index
      %get3A_456 = arith.constant 0 : index
      %get3A_457 = tpu.vector_load %arg6[%get3A_455, %get3A_456] {strides = array<i32>} : memref<6400x16xf32, #tpu.memory_space<vmem>>, vector<1x16xf32>,
      %get3A_458 = vector.shape_cast %get3A_457 : vector<1x16xf32> to vector<16xf32>
      %add3A_459 = arith.addf %add3A_443, %get3A_458 : vector<16xf32>
      %add3A_460 = arith.addf %add3A_450, %add3A_459 : vector<16xf32>
      %swap3A = arith.index_cast %add3A_64 : i32 to index
      %swap3A_461 = arith.constant 0 : index
      %swap3A_462 = tpu.vector_load %arg7[%swap3A, %swap3A_461] {strides = array<i32>} : memref<128x16xf32, #tpu.memory_space<vmem>>, vector<1x16xf32>,
      %swap3A_463 = vector.shape_cast %swap3A_462 : vector<1x16xf32> to vector<16xf32>
      %swap3A_464 = vector.shape_cast %add3A_460 : vector<16xf32> to vector<1x16xf32>
      tpu.vector_store %arg7[%swap3A, %swap3A_461], %swap3A_464 {strides = array<i32>} : memref<128x16xf32, #tpu.memory_space<vmem>>, vector<1x16xf32>,
    }
    %scan3A_59 = arith.constant 32 : i32
    %mul3A_60 = arith.constant 128 : i32
    %mul3A_61 = arith.muli %add3A, %mul3A_60 : i32
    "tpu.region"() ({
      %run_scoped3A = tpu.sem_alloc : memref<!tpu.dma_semaphore, #tpu.memory_space<semaphore_mem>>
      %dma_start3A = arith.constant 0 : i32
      %dma_start3A_62 = tpu.memref_slice %arg4[%mul3A_61, %dma_start3A] : memref<4096x16xf32, #tpu.memory_space<hbm>> -> memref<128x16xf32, #tpu.memory_space<hbm>>
      %dma_start3A_63 = arith.constant 0 : i32
      %dma_start3A_64 = tpu.memref_slice %arg4[%mul3A_61, %dma_start3A_63] : memref<4096x16xf32, #tpu.memory_space<hbm>> -> memref<128x16xf32, #tpu.memory_space<hbm>>
      tpu.enqueue_dma source(%arg7 : memref<128x16xf32, #tpu.memory_space<vmem>>) target(%dma_start3A_64 : memref<128x16xf32, #tpu.memory_space<hbm>>) target_semaphore(%run_scoped3A : memref<!tpu.dma_semaphore, #tpu.memory_space<semaphore_mem>>)
      %dma_wait3A = arith.constant 0 : i32
      %dma_wait3A_65 = tpu.memref_slice %arg4[%mul3A_61, %dma_wait3A] : memref<4096x16xf32, #tpu.memory_space<hbm>> -> memref<128x16xf32, #tpu.memory_space<hbm>>
      %dma_wait3A_66 = arith.constant 0 : i32
      %dma_wait3A_67 = tpu.memref_slice %arg4[%mul3A_61, %dma_wait3A_66] : memref<4096x16xf32, #tpu.memory_space<hbm>> -> memref<128x16xf32, #tpu.memory_space<hbm>>
      tpu.wait_dma2 semaphore(%run_scoped3A : memref<!tpu.dma_semaphore, #tpu.memory_space<semaphore_mem>>) src(%arg7 : memref<128x16xf32, #tpu.memory_space<vmem>>) dst(%dma_wait3A_67 : memref<128x16xf32, #tpu.memory_space<hbm>>)
      tpu.yield
    }) : () -> ()
    return
  }
}

module attributes {stable_mosaic.version = 14 : i64} {
  func.func @_proj_body(%arg0: i32, %arg1: memref<64x8192xf32, #tpu.memory_space<vmem>>, %arg2: memref<4x64xf32, #tpu.memory_space<vmem>>, %arg3: memref<1x4xf32, #tpu.memory_space<vmem>>, %arg4: memref<1024x128xf32, #tpu.memory_space<vmem>>) attributes {dimension_semantics = [#tpu.dimension_semantics<arbitrary>], iteration_bounds = array<i64: 13>, scalar_prefetch = 0 : i64, scratch_operands = 0 : i64, tpu.core_type = #tpu.core_type<tc>, window_params = [{transform_indices = @transform_0, window_bounds = array<i64: 64, 8192>}, {pipeline_mode = #tpu.pipeline_mode<synchronous>, transform_indices = @transform_1, window_bounds = array<i64: 4, 64>}, {pipeline_mode = #tpu.pipeline_mode<synchronous>, transform_indices = @transform_2, window_bounds = array<i64: 1, 4>}, {transform_indices = @transform_3, window_bounds = array<i64: 1024, 128>}]} {
    %get3A = arith.constant 0 : index
    %get3A_0 = arith.constant 0 : index
    %get3A_1 = vector.load %arg2[%get3A, %get3A_0] : memref<4x64xf32, #tpu.memory_space<vmem>>, vector<4x64xf32>
    %transpose3A = tpu.transpose %get3A_1, [1, 0] : vector<4x64xf32> -> vector<64x4xf32>
    %mul3A = arith.constant 2.000000e-02 : f32
    %mul3A_2 = vector.broadcast %mul3A : f32 to vector<64x4xf32>
    %mul3A_3 = arith.mulf %transpose3A, %mul3A_2 : vector<64x4xf32>
    %broadcast_in_dim3A = arith.constant 0.000000e+00 : f32
    %broadcast_in_dim3A_4 = vector.broadcast %broadcast_in_dim3A : f32 to vector<64x12xf32>
    %concatenate3A = tpu.concatenate %mul3A_3, %broadcast_in_dim3A_4 in 1 : vector<64x4xf32>, vector<64x12xf32> -> vector<64x16xf32>
    %tile3A = tpu.concatenate %concatenate3A, %concatenate3A, %concatenate3A, %concatenate3A, %concatenate3A, %concatenate3A, %concatenate3A, %concatenate3A in 1 : vector<64x16xf32>, vector<64x16xf32>, vector<64x16xf32>, vector<64x16xf32>, vector<64x16xf32>, vector<64x16xf32>, vector<64x16xf32>, vector<64x16xf32> -> vector<64x128xf32>
    %get3A_5 = arith.constant 0 : index
    %get3A_6 = arith.constant 0 : index
    %get3A_7 = vector.load %arg3[%get3A_5, %get3A_6] : memref<1x4xf32, #tpu.memory_space<vmem>>, vector<1x4xf32>
    %mul3A_8 = arith.constant 2.000000e-02 : f32
    %mul3A_9 = vector.broadcast %mul3A_8 : f32 to vector<1x4xf32>
    %mul3A_10 = arith.mulf %get3A_7, %mul3A_9 : vector<1x4xf32>
    %broadcast_in_dim3A_11 = arith.constant 0.000000e+00 : f32
    %broadcast_in_dim3A_12 = vector.broadcast %broadcast_in_dim3A_11 : f32 to vector<1x12xf32>
    %concatenate3A_13 = tpu.concatenate %mul3A_10, %broadcast_in_dim3A_12 in 1 : vector<1x4xf32>, vector<1x12xf32> -> vector<1x16xf32>
    %tile3A_14 = tpu.concatenate %concatenate3A_13, %concatenate3A_13, %concatenate3A_13, %concatenate3A_13, %concatenate3A_13, %concatenate3A_13, %concatenate3A_13, %concatenate3A_13 in 1 : vector<1x16xf32>, vector<1x16xf32>, vector<1x16xf32>, vector<1x16xf32>, vector<1x16xf32>, vector<1x16xf32>, vector<1x16xf32>, vector<1x16xf32> -> vector<1x128xf32>
    %get3A_15 = arith.constant 0 : index
    %get3A_16 = arith.constant 0 : index
    %get3A_17 = vector.load %arg1[%get3A_15, %get3A_16] : memref<64x8192xf32, #tpu.memory_space<vmem>>, vector<64x8192xf32>
    %dot_general3A = arith.constant dense<0.000000e+00> : vector<8192x128xf32>
    %dot_general3A_18 = tpu.matmul %get3A_17, %tile3A, %dot_general3A {dimension_numbers = #tpu.dot_dimension_numbers<[0], [0], [1], [1], [0, 1, 1, 1], [], []>, transpose_lhs_hint = false} : vector<64x8192xf32>, vector<64x128xf32>, vector<8192x128xf32> -> vector<8192x128xf32>
    %iota3A = tpu.iota {dimensions = array<i32: 0>} : vector<8192x128xi32>
    %iota3A_19 = tpu.iota {dimensions = array<i32: 1>} : vector<8192x128xi32>
    %jit3A = arith.constant 8 : i32
    %eq3A = arith.constant 0 : i32
    %eq3A_20 = arith.cmpi eq, %jit3A, %eq3A : i32
    %jit3A_21 = arith.constant 1 : i32
    %select_n3A = arith.select %eq3A_20, %jit3A_21, %jit3A : i32
    %rem3A = vector.broadcast %select_n3A : i32 to vector<8192x128xi32>
    %rem3A_22 = arith.remsi %iota3A, %rem3A : vector<8192x128xi32>
    %ne3A = arith.constant 0 : i32
    %ne3A_23 = vector.broadcast %ne3A : i32 to vector<8192x128xi32>
    %ne3A_24 = arith.cmpi ne, %rem3A_22, %ne3A_23 : vector<8192x128xi32>
    %lt3A = arith.constant 0 : i32
    %lt3A_25 = vector.broadcast %lt3A : i32 to vector<8192x128xi32>
    %lt3A_26 = arith.cmpi slt, %rem3A_22, %lt3A_25 : vector<8192x128xi32>
    %lt3A_27 = arith.constant 0 : i32
    %lt3A_28 = arith.cmpi slt, %select_n3A, %lt3A_27 : i32
    %ne3A_29 = vector.broadcast %lt3A_28 : i1 to vector<8192x128xi1>
    %ne3A_30 = vector.broadcast %ne3A_29 : vector<8192x128xi1> to vector<8192x128xi1>
    %ne3A_31 = arith.xori %lt3A_26, %ne3A_30 : vector<8192x128xi1>
    %and3A = arith.andi %ne3A_31, %ne3A_24 : vector<8192x128xi1>
    %add3A = vector.broadcast %select_n3A : i32 to vector<8192x128xi32>
    %add3A_32 = arith.addi %rem3A_22, %add3A : vector<8192x128xi32>
    %select_n3A_33 = arith.select %and3A, %add3A_32, %rem3A_22 : vector<8192x128xi1>, vector<8192x128xi32>
    %jit3A_34 = arith.constant 16 : i32
    %div3A = vector.broadcast %jit3A_34 : i32 to vector<8192x128xi32>
    %div3A_35 = arith.divsi %iota3A_19, %div3A : vector<8192x128xi32>
    %sign3A = arith.constant 0 : i32
    %sign3A_36 = vector.broadcast %sign3A : i32 to vector<8192x128xi32>
    %sign3A_37 = arith.cmpi sgt, %iota3A_19, %sign3A_36 : vector<8192x128xi32>
    %sign3A_38 = arith.extui %sign3A_37 : vector<8192x128xi1> to vector<8192x128xi32>
    %sign3A_39 = arith.constant 0 : i32
    %sign3A_40 = vector.broadcast %sign3A_39 : i32 to vector<8192x128xi32>
    %sign3A_41 = arith.cmpi slt, %iota3A_19, %sign3A_40 : vector<8192x128xi32>
    %sign3A_42 = arith.extui %sign3A_41 : vector<8192x128xi1> to vector<8192x128xi32>
    %sign3A_43 = arith.subi %sign3A_38, %sign3A_42 : vector<8192x128xi32>
    %sign3A_44 = arith.constant 0 : i32
    %sign3A_45 = arith.cmpi sgt, %jit3A_34, %sign3A_44 : i32
    %sign3A_46 = arith.extui %sign3A_45 : i1 to i32
    %sign3A_47 = arith.constant 0 : i32
    %sign3A_48 = arith.cmpi slt, %jit3A_34, %sign3A_47 : i32
    %sign3A_49 = arith.extui %sign3A_48 : i1 to i32
    %sign3A_50 = arith.subi %sign3A_46, %sign3A_49 : i32
    %ne3A_51 = vector.broadcast %sign3A_50 : i32 to vector<8192x128xi32>
    %ne3A_52 = arith.cmpi ne, %sign3A_43, %ne3A_51 : vector<8192x128xi32>
    %rem3A_53 = vector.broadcast %jit3A_34 : i32 to vector<8192x128xi32>
    %rem3A_54 = arith.remsi %iota3A_19, %rem3A_53 : vector<8192x128xi32>
    %ne3A_55 = arith.constant 0 : i32
    %ne3A_56 = vector.broadcast %ne3A_55 : i32 to vector<8192x128xi32>
    %ne3A_57 = arith.cmpi ne, %rem3A_54, %ne3A_56 : vector<8192x128xi32>
    %and3A_58 = arith.andi %ne3A_52, %ne3A_57 : vector<8192x128xi1>
    %sub3A = arith.constant 1 : i32
    %sub3A_59 = vector.broadcast %sub3A : i32 to vector<8192x128xi32>
    %sub3A_60 = arith.subi %div3A_35, %sub3A_59 : vector<8192x128xi32>
    %select_n3A_61 = arith.select %and3A_58, %sub3A_60, %div3A_35 : vector<8192x128xi1>, vector<8192x128xi32>
    %eq3A_62 = arith.cmpi eq, %select_n3A_33, %select_n3A_61 : vector<8192x128xi32>
    %jit3A_63 = arith.constant 0.000000e+00 : f32
    %broadcast_in_dim3A_64 = vector.broadcast %jit3A_63 : f32 to vector<8192x128xf32>
    %select_n3A_65 = arith.select %eq3A_62, %dot_general3A_18, %broadcast_in_dim3A_64 : vector<8192x128xi1>, vector<8192x128xf32>
    %reshape3A = vector.shape_cast %select_n3A_65 : vector<8192x128xf32> to vector<1024x8x128xf32>
    %reduce_sum3A = arith.constant dense<0.000000e+00> : vector<1024x128xf32>
    %reduce_sum3A_66 = vector.multi_reduction <add>, %reshape3A, %reduce_sum3A [1] : vector<1024x8x128xf32> to vector<1024x128xf32>
    %add3A_67 = vector.broadcast %tile3A_14 : vector<1x128xf32> to vector<1024x128xf32>
    %add3A_68 = arith.addf %reduce_sum3A_66, %add3A_67 : vector<1024x128xf32>
    %swap3A = arith.constant 0 : index
    %swap3A_69 = arith.constant 0 : index
    %swap3A_70 = vector.load %arg4[%swap3A, %swap3A_69] : memref<1024x128xf32, #tpu.memory_space<vmem>>, vector<1024x128xf32>
    tpu.vector_store %arg4[%swap3A, %swap3A_69], %add3A_68 {strides = array<i32>} : memref<1024x128xf32, #tpu.memory_space<vmem>>, vector<1024x128xf32>,
    return
  }
  func.func @transform_0(%arg0: i32) -> (i32, i32) {
    %c0_i32 = arith.constant 0 : i32
    %c0_i32_0 = arith.constant 0 : i32
    return %c0_i32, %arg0 : i32, i32
  }
  func.func @transform_1(%arg0: i32) -> (i32, i32) {
    %c0_i32 = arith.constant 0 : i32
    %c0_i32_0 = arith.constant 0 : i32
    %c0_i32_1 = arith.constant 0 : i32
    return %c0_i32, %c0_i32_0 : i32, i32
  }
  func.func @transform_2(%arg0: i32) -> (i32, i32) {
    %c0_i32 = arith.constant 0 : i32
    %c0_i32_0 = arith.constant 0 : i32
    %c0_i32_1 = arith.constant 0 : i32
    return %c0_i32, %c0_i32_0 : i32, i32
  }
  func.func @transform_3(%arg0: i32) -> (i32, i32) {
    %c0_i32 = arith.constant 0 : i32
    %c0_i32_0 = arith.constant 0 : i32
    return %arg0, %c0_i32 : i32, i32
  }
}

</mosaic_0001>

<sc_bundles>
// kernel: kernel.4.cloned.1.call-start
scs
__scs_entry_jumppad:
0x0: {  	(pc) =	sbr.rel $0x88, $3  }
0x1: {  	(tag) =	ssettag $0x0;
	lr =	simm.s32 $0x1  }
0x2: {  	[smem:$0x3F9D] =	sst lr;
	_ =	strace $0xD0000000  }
0x3: {  	_ = 	snop  }
0x4: {  	_ = 	snop  }
0x5: {  	_ = 	snop  }
0x6: {  	_ = 	snop  }
0x7: {  	_ = 	snop  }
__scs_overlays_trampoline_lowered:
0x8: {  	[smem:$0x3FAC] =	sst s0  }
0x9: {  	[smem:$0x3FAD] =	sst s1  }
0xa: {  	[smem:$0x3FAE] =	sst s2  }
0xb: {  	[smem:$0x3FAF] =	sst s3  }
0xc: {  	[smem:$0x3FB0] =	sst s4  }
0xd: {  	[smem:$0x3FB1] =	sst s5  }
0xe: {  	[smem:$0x3FB2] =	sst s6  }
0xf: {  	[smem:$0x3FB3] =	sst s7  }
0x10: {  	[smem:$0x3FB4] =	sst s8  }
0x11: {  	[smem:$0x3FB5] =	sst s9;
	s0 =	simm.s32 @!p0 $0x0  }
0x12: {  	s1 =	sld [smem:$0x3F9B];
	s0 =	simm.s32 @p0 $0x1  }
0x13: {  	[smem:$0x3FB6] =	sst s0;
	s0 =	simm.s32 @!p1 $0x0  }
0x14: {  	s2 =	sld [smem:$0x3F9A];
	s0 =	simm.s32 @p1 $0x1  }
0x15: {  	[smem:$0x3FB7] =	sst s0;
	s0 =	simm.s32 @!p2 $0x0  }
0x16: {  	s3 =	sld [smem:$0x3FDB];
	s0 =	simm.s32 @p2 $0x1  }
0x17: {  	s4 =	simm.s32 $0x1BF5;
	[smem:$0x3FB9] =	sst s0  }
0x18: {  	s0 =	sld [smem:$0x3F9C];
	_ =	swait.ge [sflag:s4], $0x0  }
0x19: {  	s7 =	sld [smem:$0x3F9D]  }
0x1a: {  	s8 =	sadd.s32 $0xFFFFE003, lr  }
0x1b: {  	s9 =	sadd.s32 $0xFFFFFEF7, lr;
	s5 =	simm.s32 $0xFFFFFFFF;
	p2 =	slt.u32 s8, $0xFFFFF086  }
0x1c: {  	p1 =	slt.u32 s9, $0xF7A;
	s5 =	simm.s32 @!p2 $0x0  }
0x1d: {  	s5 =	simm.s32 @p1 $0x1;
	p0 =	seq.s32 s7, s2  }
0x1e: {  	s7 =	smul.u32 @!p0 $0xF7A, s2;
	p2 =	seq.s32 @!p0 s5, $0x0  }
0x1f: {  	s9 =	smul.u32 $0xF7A, s1;
	s8 =	simm.s32 @!p0 $0x1BF5;
	p2 =	por !p2, p0  }
0x20: {  	[sflag:s8] =	ssyncset.s32 @!p0 $0xFFFFF086;
	s6 =	sadd.s32 @!p0 s3, s7;
	s7 =	simm.s32 @!p0 $0x108  }
0x21: {  	s3 =	sadd.s32 s3, s9;
	s6 =	sadd.s32 @!p0 $0x88, s6;
	s7 =	simm.s32 @p2 $0x1082  }
0x22: {  	[simem:s7], [sflag:s8] =	dma.local @!p0 [hbm:s6], $0xF7A  }
0x23: {  	s9 =	sor.u32 $0xD0000000, s2;
	s6 =	simm.s32 $0x108;
	_ =	swait.ge @!p0 [sflag:s8], $0x0  }
0x24: {  	s3 =	sadd.s32 $0x88, s3;
	s6 =	simm.s32 @!p1 $0x1082;
	[sflag:s4] =	ssyncset.s32 $0xFFFFF086  }
0x25: {  	[simem:s6], [sflag:s4] =	dma.local [hbm:s3], $0xF7A  }
0x26: {  	[smem:$0x3F9D] =	sst s1;
	(tag) =	ssettag s2;
	_ =	strace s9  }
0x27: {  	s1 =	sld [smem:$0x3FAD]  }
0x28: {  	s2 =	sld [smem:$0x3FAE]  }
0x29: {  	s4 =	sld [smem:$0x3FB0]  }
0x2a: {  	p0 =	seq.s32 s5, $0x0;
	s5 =	sld [smem:$0x3FB1]  }
0x2b: {  	s6 =	sld [smem:$0x3FB2]  }
0x2c: {  	s7 =	sld [smem:$0x3FB3]  }
0x2d: {  	s3 =	simm.s32 $0x108;
	s8 =	sld [smem:$0x3FB4]  }
0x2e: {  	s3 =	simm.s32 @!p0 $0x1082;
	s9 =	sld [smem:$0x3FB5]  }
0x2f: {  	lr =	sadd.s32 s0, s3;
	s0 =	sld [smem:$0x3FAC]  }
0x30: {  	s3 =	sld [smem:$0x3FAF]  }
0x31: {  	[smem:$0x3FB8] =	sst s10  }
0x32: {  	s10 =	sld [smem:$0x3FB6];
	_ =	sdelay $0x3  }
0x33: {  	p0 =	seq.s32 s10, $0x1;
	s10 =	sld [smem:$0x3FB8];
	_ =	sdelay $0x3  }
0x34: {  	[smem:$0x3FB8] =	sst s10  }
0x35: {  	s10 =	sld [smem:$0x3FB7];
	_ =	sdelay $0x3  }
0x36: {  	p1 =	seq.s32 s10, $0x1;
	s10 =	sld [smem:$0x3FB8];
	_ =	sdelay $0x3  }
0x37: {  	[smem:$0x3FB8] =	sst s10  }
0x38: {  	s10 =	sld [smem:$0x3FB9]  }
0x39: {  	_ = 	snop;
	(pc) =	sbr.ind lr, $3  }
0x3a: {  	_ = 	snop  }
0x3b: {  	_ = 	snop  }
0x3c: {  	p2 =	seq.s32 s10, $0x1;
	s10 =	sld [smem:$0x3FB8]  }
0x3d: {  	_ =	shalt  }
0x3e: {  	_ =	shalt  }
0x3f: {  	_ =	shalt  }
0x40: {  	_ =	shalt  }
0x41: {  	_ =	shalt  }
0x42: {  	_ =	shalt  }
0x43: {  	_ =	shalt  }
0x44: {  	_ =	shalt  }
0x45: {  	_ =	shalt  }
0x46: {  	_ =	shalt  }
0x47: {  	_ =	shalt  }
0x48: {  	_ =	shalt  }
0x49: {  	_ =	shalt  }
0x4a: {  	_ =	shalt  }
0x4b: {  	_ =	shalt  }
0x4c: {  	_ =	shalt  }
0x4d: {  	_ =	shalt  }
0x4e: {  	_ =	shalt  }
0x4f: {  	_ =	shalt  }
0x50: {  	_ =	shalt  }
0x51: {  	_ =	shalt  }
0x52: {  	_ =	shalt  }
0x53: {  	_ =	shalt  }
0x54: {  	_ =	shalt  }
0x55: {  	_ =	shalt  }
0x56: {  	_ =	shalt  }
0x57: {  	_ =	shalt  }
0x58: {  	_ =	shalt  }
0x59: {  	_ =	shalt  }
0x5a: {  	_ =	shalt  }
0x5b: {  	_ =	shalt  }
0x5c: {  	_ =	shalt  }
0x5d: {  	_ =	shalt  }
0x5e: {  	_ =	shalt  }
0x5f: {  	_ =	shalt  }
0x60: {  	_ =	shalt  }
0x61: {  	_ =	shalt  }
0x62: {  	_ =	shalt  }
0x63: {  	_ =	shalt  }
0x64: {  	_ =	shalt  }
0x65: {  	_ =	shalt  }
0x66: {  	_ =	shalt  }
0x67: {  	_ =	shalt  }
0x68: {  	_ =	shalt  }
0x69: {  	_ =	shalt  }
0x6a: {  	_ =	shalt  }
0x6b: {  	_ =	shalt  }
0x6c: {  	_ =	shalt  }
0x6d: {  	_ =	shalt  }
0x6e: {  	_ =	shalt  }
0x6f: {  	_ =	shalt  }
0x70: {  	_ =	shalt  }
0x71: {  	_ =	shalt  }
0x72: {  	_ =	shalt  }
0x73: {  	_ =	shalt  }
0x74: {  	_ =	shalt  }
0x75: {  	_ =	shalt  }
0x76: {  	_ =	shalt  }
0x77: {  	_ =	shalt  }
0x78: {  	_ =	shalt  }
0x79: {  	_ =	shalt  }
0x7a: {  	_ =	shalt  }
0x7b: {  	_ =	shalt  }
0x7c: {  	_ =	shalt  }
0x7d: {  	_ =	shalt  }
0x7e: {  	_ =	shalt  }
0x7f: {  	_ =	shalt  }
0x80: {  	_ =	shalt  }
0x81: {  	_ =	shalt  }
0x82: {  	_ =	shalt  }
0x83: {  	_ =	shalt  }
0x84: {  	_ =	shalt  }
0x85: {  	_ =	shalt  }
0x86: {  	_ =	shalt  }
0x87: {  	_ =	shalt  }
.Lfunc_end0:
.L_simem_size_0:
called_computation_lowered:
.L_overlay_start_0:
0x88: {  	s2 =	sld [smem:$0x3FD9]  }
0x89: {  	s3 =	sld [smem:$0x3FFE];
	_ =	sdelay $0x1  }
0x8a: {  	s1 =	srdreg.scid  }
0x8b: {  	s0 =	sand.u32 $0x1, s1  }
0x8c: {  	s16 =	sshll.u32 s0, $0xA;
	s2 =	sadd.s32 s3, s2  }
0x8d: {  	s2 =	sadd.s32 s2, s16  }
0x8e: {  	[smem:$0x3FC4] =	sst s2  }
0x8f: {  	_ = 	snop  }
0x90: {  	(tm) =	ssettm $0x1  }
0x91: {  	s17 =	sld [smem:$0x3FFB];
	_ =	sdelay $0x3  }
0x92: {  	_ =	strace s17  }
0x93: {  	s2 =	sld [smem:$0x3FFC];
	_ =	sdelay $0x3  }
0x94: {  	_ =	strace s2  }
0x95: {  	s2 =	sld [smem:$0x3FFD];
	_ =	sdelay $0x3  }
0x96: {  	_ =	strace s2  }
0x97: {  	_ =	strace $0x8FFFFFFF  }
0x98: {  	s18 =	sld [smem:$0x3FDB];
	_ =	sdelay $0x1  }
0x99: {  	s19 =	simm.s32 $_scs_section_size  }
0x9a: {  	s4 =	simm.s32 $_size__tile_overlayer_lowered;
	s5 =	simm.s32 $_tile_overlayer_lowered  }
0x9b: {  	s22 =	simm.s32 $0x1BFF;
	s21 =	sshll.u32 s5, $0x1;
	s2 =	sadd.s32 s19, s18  }
0x9c: {  	s6 =	simm.s32 $0x0;
	s20 =	sshll.u32 s4, $0x1;
	s4 =	sadd.s32 s21, s2  }
0x9d: {  	[timem:s6], [sflag:s22] =	dma.local [hbm:s4], s20  }
0x9e: {  	_ =	swait.ge [sflag:s22], s20  }
0x9f: {  	s3 =	ssub.s32 $0x0, s20;
	[sflag:s22] =	ssyncset.done $0x0  }
0xa0: {  	[sflag:s22] =	ssyncadd.s32 s3;
	_ =	sdelay $0x1  }
0xa1: {  	s23 =	simm.s32 $0x1B8B  }
0xa2: {  	_ =	swait.ge [sflag:s23], $0x1  }
0xa3: {  	[sflag:s23] =	ssyncset.done $0x0  }
0xa4: {  	s25 =	simm.s32 $0x1B8E;
	s24 =	sld [smem:$0x3FFE];
	[sflag:s23] =	ssyncadd.s32 $0xFFFFFFFF  }
0xa5: {  	s26 =	simm.s32 $execute0_lowered;
	[smem:$0x3FD2] =	sst s25  }
0xa6: {  	s4 =	sshll.u32 s26, $0x1;
	_ =	strace $0x80000046;
	[dreg:$0x1] =	wrdreg $0xFFFFFFFF  }
0xa7: {  	s28 =	simm.s32 $_size_execute0_lowered;
	s2 =	sadd.s32 s2, s4;
	[dreg:$0x0] =	wrdreg $0x0  }
0xa8: {  	s4 =	sshll.u32 s28, $0x1;
	[dreg:$0x2] =	wrdreg s2  }
0xa9: {  	[dreg:$0x3] =	wrdreg s4  }
0xaa: {  	[dreg:$0x4] =	wrdreg $0xC0  }
0xab: {  	_ =	task [dreg:s6], $0x5FFFF  }
0xac: {  	[dreg:$0x1] =	wrdreg $0xFFFFFFFF  }
0xad: {  	[dreg:$0x0] =	wrdreg $0x60  }
0xae: {  	[dreg:$0x2] =	wrdreg s24  }
0xaf: {  	[dreg:$0x3] =	wrdreg $0x9  }
0xb0: {  	_ =	task.clear_ibuf [dreg:s6], $0x4FFFF;
	_ =	strace $0x90000046  }
0xb1: {  	s29 =	simm.s32 $0x9;
	_ =	strace $0x80000048  }
0xb2: {  	_ =	swait.ge [sflag:s29], $0x1  }
0xb3: {  	[sflag:s29] =	ssyncadd.s32 $0xFFFFFFFF  }
0xb4: {  	_ =	strace $0x90000048  }
0xb5: {  	_ =	sfence  }
0xb6: {  	s30 =	sld [smem:$0x0];
	_ =	sdelay $0x2  }
0xb7: {  	s31 =	sshll.u32 s1, $0xD;
	s1 =	sshrl.u32 s1, $0x2  }
0xb8: {  	s3 =	sand.u32 $0x4000, s31;
	s1 =	sadd.s32 s1, s30  }
0xb9: {  	s0 =	sor.u32 s3, s0;
	s1 =	sshll.u32 s1, $0x11  }
0xba: {  	s0 =	sor.u32 s1, s0  }
0xbb: {  	s0 =	sadd.s32 $0x8F2B, s0  }
0xbc: {  	[sflag:s0] =	ssyncadd.remote.s32 $0x1  }
0xbd: {  	_ =	sfence.sel $0xFFFF  }
0xbe: {  	[dreg:$0x0] =	wrdreg $0xFFFFFFFF;
	(pc) =	sbr.abs _section_cstart, $3  }
0xbf: {  	[dreg:$0x1] =	wrdreg $0xFFFFFFFF  }
0xc0: {  	_ =	task.clear_ibuf [dreg:s6], $0x2FFFF;
	_ =	strace $0x9FFFFFFF  }
0xc1: {  	(tm) =	ssettm $0x7FFFFFFF  }
tec
execute0_lowered:
.L_overlay_start_1:
0x0: {  	(tag) =	ssettag $0x1  }
0x1: {  	s0 =	srdreg.scid  }
0x2: {  	s2 =	stileid.u32;
	s1 =	rddreg [dreg:$0x0]  }
0x3: {  	s7 =	simm.s32 $0x5;
	s8 =	simm.s32 $0x64;
	s26 =	simm.s32 $0x1728  }
0x4: {  	s28 =	simm.s32 $0x17E40;
	s29 =	simm.s32 $0x1790;
	s30 =	simm.s32 $0x18480  }
0x5: {  	s31 =	simm.s32 $0x17F8;
	s9 =	simm.s32 $0x19100;
	s10 =	simm.s32 $0x18C8  }
0x6: {  	s11 =	simm.s32 $0x19740;
	s12 =	simm.s32 $0x1930;
	s13 =	simm.s32 $0x19D80  }
0x7: {  	s14 =	simm.s32 $0x1998;
	s15 =	simm.s32 $0x1A3C0;
	s16 =	simm.s32 $0x1  }
0x8: {  	s17 =	simm.s32 $0x2;
	s18 =	simm.s32 $0x3;
	s19 =	simm.s32 $0x4  }
0x9: {  	s20 =	simm.s32 $0x1AA00;
	s0 =	sand.u32 $0x1, s0;
	s3 =	sshll.u32 s2, $0x1  }
0xa: {  	s21 =	simm.s32 $0x0;
	s2 =	simm.s32 $0x0;
	s3 =	sor.u32 s0, s3  }
0xb: {  	[smem:$0x7FF] =	sst s2;
	s0 =	ssub.s32 $0x2, s0;
	s4 =	smul.u32 $0x340, s3  }
0xc: {  	_ =	strace $0x80000047;
	s5 =	sshll.u32 s3, $0x8;
	s6 =	sshrl.u32 s0, $0x1  }
0xd: {  	s3 =	sadd.s32 $0x7200, s1;
	s0 =	ssub.s32 s0, s6;
	s4 =	sadd.s32 s4, s1  }
0xe: {  	s1 =	sadd.s32 s5, s1;
	s6 =	smax.u32 s0, $0x1;
	s0 =	simm.s32 $0x1860  }
0xf: {  	s4 =	sadd.s32 $0xA00, s4;
	s5 =	sadd.s32 $0x38000, s1;
	s1 =	simm.s32 $0x18AC0  }
.LBB2_1:
0x10: {  	[tilespmem:s2], [sflag:$0x5] =	stream.linear.gather [hbm4b:s4+s2], $0x1A00, $0x38;
	[tilespmem:$0x1B200] =	vst v63  }
0x11: {  	_ =	swait.ge [sflag:s7], $0x1A00  }
0x12: {  	[sflag:s7] =	ssyncset.done $0x0  }
0x13: {  	s22 =	simm.s32 $0x1A00;
	[sflag:s7] =	ssyncadd.s32 $0xFFFFE600  }
0x14: {  	[tilespmem:s22], [sflag:$0x1] =	stream.indirect.gather [hbm4b:s3+s8], $0x10, s2, s8, $0xb8;
	[tilespmem:$0x1B200] =	vst v63  }
0x15: {  	s25 =	simm.s32 $0x68;
	s23 =	simm.s32 $0x2040  }
0x16: {  	[tilespmem:s23], [sflag:$0x1] =	stream.indirect.gather [hbm4b:s3+s8], $0x10, s25, s8, $0xb8;
	[tilespmem:$0x1B200] =	vst v63  }
0x17: {  	s24 =	simm.s32 $0xD0;
	s25 =	simm.s32 $0x2680  }
0x18: {  	[tilespmem:s25], [sflag:$0x1] =	stream.indirect.gather [hbm4b:s3+s8], $0x10, s24, s8, $0xb8;
	[tilespmem:$0x1B200] =	vst v63  }
0x19: {  	s24 =	simm.s32 $0x138;
	s25 =	simm.s32 $0x2CC0  }
0x1a: {  	[tilespmem:s25], [sflag:$0x1] =	stream.indirect.gather [hbm4b:s3+s8], $0x10, s24, s8, $0xb8;
	[tilespmem:$0x1B200] =	vst v63  }
0x1b: {  	s24 =	simm.s32 $0x1A0;
	s25 =	simm.s32 $0x3300  }
0x1c: {  	[tilespmem:s25], [sflag:$0x1] =	stream.indirect.gather [hbm4b:s3+s8], $0x10, s24, s8, $0xb8;
	[tilespmem:$0x1B200] =	vst v63  }
0x1d: {  	s24 =	simm.s32 $0x208;
	s25 =	simm.s32 $0x3940  }
0x1e: {  	[tilespmem:s25], [sflag:$0x1] =	stream.indirect.gather [hbm4b:s3+s8], $0x10, s24, s8, $0xb8;
	[tilespmem:$0x1B200] =	vst v63  }
0x1f: {  	s24 =	simm.s32 $0x270;
	s25 =	simm.s32 $0x3F80  }
0x20: {  	[tilespmem:s25], [sflag:$0x1] =	stream.indirect.gather [hbm4b:s3+s8], $0x10, s24, s8, $0xb8;
	[tilespmem:$0x1B200] =	vst v63  }
0x21: {  	s24 =	simm.s32 $0x2D8;
	s25 =	simm.s32 $0x45C0  }
0x22: {  	[tilespmem:s25], [sflag:$0x1] =	stream.indirect.gather [hbm4b:s3+s8], $0x10, s24, s8, $0xb8;
	[tilespmem:$0x1B200] =	vst v63  }
0x23: {  	s24 =	simm.s32 $0x340;
	s25 =	simm.s32 $0x4C00  }
0x24: {  	[tilespmem:s25], [sflag:$0x1] =	stream.indirect.gather [hbm4b:s3+s8], $0x10, s24, s8, $0xb8;
	[tilespmem:$0x1B200] =	vst v63  }
0x25: {  	s24 =	simm.s32 $0x3A8;
	s25 =	simm.s32 $0x5240  }
0x26: {  	[tilespmem:s25], [sflag:$0x1] =	stream.indirect.gather [hbm4b:s3+s8], $0x10, s24, s8, $0xb8;
	[tilespmem:$0x1B200] =	vst v63  }
0x27: {  	s24 =	simm.s32 $0x410;
	s25 =	simm.s32 $0x5880  }
0x28: {  	[tilespmem:s25], [sflag:$0x1] =	stream.indirect.gather [hbm4b:s3+s8], $0x10, s24, s8, $0xb8;
	[tilespmem:$0x1B200] =	vst v63  }
0x29: {  	s24 =	simm.s32 $0x478;
	s25 =	simm.s32 $0x5EC0  }
0x2a: {  	[tilespmem:s25], [sflag:$0x1] =	stream.indirect.gather [hbm4b:s3+s8], $0x10, s24, s8, $0xb8;
	[tilespmem:$0x1B200] =	vst v63  }
0x2b: {  	s24 =	simm.s32 $0x4E0;
	s25 =	simm.s32 $0x6500  }
0x2c: {  	[tilespmem:s25], [sflag:$0x1] =	stream.indirect.gather [hbm4b:s3+s8], $0x10, s24, s8, $0xb8;
	[tilespmem:$0x1B200] =	vst v63  }
0x2d: {  	s24 =	simm.s32 $0x548;
	s25 =	simm.s32 $0x6B40  }
0x2e: {  	[tilespmem:s25], [sflag:$0x1] =	stream.indirect.gather [hbm4b:s3+s8], $0x10, s24, s8, $0xb8;
	[tilespmem:$0x1B200] =	vst v63  }
0x2f: {  	s24 =	simm.s32 $0x5B0;
	s25 =	simm.s32 $0x7180  }
0x30: {  	[tilespmem:s25], [sflag:$0x1] =	stream.indirect.gather [hbm4b:s3+s8], $0x10, s24, s8, $0xb8;
	[tilespmem:$0x1B200] =	vst v63  }
0x31: {  	s24 =	simm.s32 $0x618;
	s25 =	simm.s32 $0x77C0  }
0x32: {  	[tilespmem:s25], [sflag:$0x1] =	stream.indirect.gather [hbm4b:s3+s8], $0x10, s24, s8, $0xb8;
	[tilespmem:$0x1B200] =	vst v63  }
0x33: {  	s24 =	simm.s32 $0x680;
	s25 =	simm.s32 $0x7E00  }
0x34: {  	[tilespmem:s25], [sflag:$0x2] =	stream.indirect.gather [hbm4b:s3+s8], $0x10, s24, s8, $0xb8;
	[tilespmem:$0x1B200] =	vst v63  }
0x35: {  	s24 =	simm.s32 $0x6E8;
	s25 =	simm.s32 $0x8440  }
0x36: {  	[tilespmem:s25], [sflag:$0x2] =	stream.indirect.gather [hbm4b:s3+s8], $0x10, s24, s8, $0xb8;
	[tilespmem:$0x1B200] =	vst v63  }
0x37: {  	s24 =	simm.s32 $0x750;
	s25 =	simm.s32 $0x8A80  }
0x38: {  	[tilespmem:s25], [sflag:$0x2] =	stream.indirect.gather [hbm4b:s3+s8], $0x10, s24, s8, $0xb8;
	[tilespmem:$0x1B200] =	vst v63  }
0x39: {  	s24 =	simm.s32 $0x7B8;
	s25 =	simm.s32 $0x90C0  }
0x3a: {  	[tilespmem:s25], [sflag:$0x2] =	stream.indirect.gather [hbm4b:s3+s8], $0x10, s24, s8, $0xb8;
	[tilespmem:$0x1B200] =	vst v63  }
0x3b: {  	s24 =	simm.s32 $0x820;
	s25 =	simm.s32 $0x9700  }
0x3c: {  	[tilespmem:s25], [sflag:$0x2] =	stream.indirect.gather [hbm4b:s3+s8], $0x10, s24, s8, $0xb8;
	[tilespmem:$0x1B200] =	vst v63  }
0x3d: {  	s24 =	simm.s32 $0x888;
	s25 =	simm.s32 $0x9D40  }
0x3e: {  	[tilespmem:s25], [sflag:$0x2] =	stream.indirect.gather [hbm4b:s3+s8], $0x10, s24, s8, $0xb8;
	[tilespmem:$0x1B200] =	vst v63  }
0x3f: {  	s24 =	simm.s32 $0x8F0;
	s25 =	simm.s32 $0xA380  }
0x40: {  	[tilespmem:s25], [sflag:$0x2] =	stream.indirect.gather [hbm4b:s3+s8], $0x10, s24, s8, $0xb8;
	[tilespmem:$0x1B200] =	vst v63  }
0x41: {  	s24 =	simm.s32 $0x958;
	s25 =	simm.s32 $0xA9C0  }
0x42: {  	[tilespmem:s25], [sflag:$0x2] =	stream.indirect.gather [hbm4b:s3+s8], $0x10, s24, s8, $0xb8;
	[tilespmem:$0x1B200] =	vst v63  }
0x43: {  	s24 =	simm.s32 $0x9C0;
	s25 =	simm.s32 $0xB000  }
0x44: {  	[tilespmem:s25], [sflag:$0x2] =	stream.indirect.gather [hbm4b:s3+s8], $0x10, s24, s8, $0xb8;
	[tilespmem:$0x1B200] =	vst v63  }
0x45: {  	s24 =	simm.s32 $0xA28;
	s25 =	simm.s32 $0xB640  }
0x46: {  	[tilespmem:s25], [sflag:$0x2] =	stream.indirect.gather [hbm4b:s3+s8], $0x10, s24, s8, $0xb8;
	[tilespmem:$0x1B200] =	vst v63  }
0x47: {  	s24 =	simm.s32 $0xA90;
	s25 =	simm.s32 $0xBC80  }
0x48: {  	[tilespmem:s25], [sflag:$0x2] =	stream.indirect.gather [hbm4b:s3+s8], $0x10, s24, s8, $0xb8;
	[tilespmem:$0x1B200] =	vst v63  }
0x49: {  	s24 =	simm.s32 $0xAF8;
	s25 =	simm.s32 $0xC2C0  }
0x4a: {  	[tilespmem:s25], [sflag:$0x2] =	stream.indirect.gather [hbm4b:s3+s8], $0x10, s24, s8, $0xb8;
	[tilespmem:$0x1B200] =	vst v63  }
0x4b: {  	s24 =	simm.s32 $0xB60;
	s25 =	simm.s32 $0xC900  }
0x4c: {  	[tilespmem:s25], [sflag:$0x2] =	stream.indirect.gather [hbm4b:s3+s8], $0x10, s24, s8, $0xb8;
	[tilespmem:$0x1B200] =	vst v63  }
0x4d: {  	s24 =	simm.s32 $0xBC8;
	s25 =	simm.s32 $0xCF40  }
0x4e: {  	[tilespmem:s25], [sflag:$0x2] =	stream.indirect.gather [hbm4b:s3+s8], $0x10, s24, s8, $0xb8;
	[tilespmem:$0x1B200] =	vst v63  }
0x4f: {  	s24 =	simm.s32 $0xC30;
	s25 =	simm.s32 $0xD580  }
0x50: {  	[tilespmem:s25], [sflag:$0x2] =	stream.indirect.gather [hbm4b:s3+s8], $0x10, s24, s8, $0xb8;
	[tilespmem:$0x1B200] =	vst v63  }
0x51: {  	s24 =	simm.s32 $0xC98;
	s25 =	simm.s32 $0xDBC0  }
0x52: {  	[tilespmem:s25], [sflag:$0x2] =	stream.indirect.gather [hbm4b:s3+s8], $0x10, s24, s8, $0xb8;
	[tilespmem:$0x1B200] =	vst v63  }
0x53: {  	s24 =	simm.s32 $0xD00;
	s25 =	simm.s32 $0xE200  }
0x54: {  	[tilespmem:s25], [sflag:$0x3] =	stream.indirect.gather [hbm4b:s3+s8], $0x10, s24, s8, $0xb8;
	[tilespmem:$0x1B200] =	vst v63  }
0x55: {  	s24 =	simm.s32 $0xD68;
	s25 =	simm.s32 $0xE840  }
0x56: {  	[tilespmem:s25], [sflag:$0x3] =	stream.indirect.gather [hbm4b:s3+s8], $0x10, s24, s8, $0xb8;
	[tilespmem:$0x1B200] =	vst v63  }
0x57: {  	s24 =	simm.s32 $0xDD0;
	s25 =	simm.s32 $0xEE80  }
0x58: {  	[tilespmem:s25], [sflag:$0x3] =	stream.indirect.gather [hbm4b:s3+s8], $0x10, s24, s8, $0xb8;
	[tilespmem:$0x1B200] =	vst v63  }
0x59: {  	s24 =	simm.s32 $0xE38;
	s25 =	simm.s32 $0xF4C0  }
0x5a: {  	[tilespmem:s25], [sflag:$0x3] =	stream.indirect.gather [hbm4b:s3+s8], $0x10, s24, s8, $0xb8;
	[tilespmem:$0x1B200] =	vst v63  }
0x5b: {  	s24 =	simm.s32 $0xEA0;
	s25 =	simm.s32 $0xFB00  }
0x5c: {  	[tilespmem:s25], [sflag:$0x3] =	stream.indirect.gather [hbm4b:s3+s8], $0x10, s24, s8, $0xb8;
	[tilespmem:$0x1B200] =	vst v63  }
0x5d: {  	s24 =	simm.s32 $0xF08;
	s25 =	simm.s32 $0x10140  }
0x5e: {  	[tilespmem:s25], [sflag:$0x3] =	stream.indirect.gather [hbm4b:s3+s8], $0x10, s24, s8, $0xb8;
	[tilespmem:$0x1B200] =	vst v63  }
0x5f: {  	s24 =	simm.s32 $0xF70;
	s25 =	simm.s32 $0x10780  }
0x60: {  	[tilespmem:s25], [sflag:$0x3] =	stream.indirect.gather [hbm4b:s3+s8], $0x10, s24, s8, $0xb8;
	[tilespmem:$0x1B200] =	vst v63  }
0x61: {  	s24 =	simm.s32 $0xFD8;
	s25 =	simm.s32 $0x10DC0  }
0x62: {  	[tilespmem:s25], [sflag:$0x3] =	stream.indirect.gather [hbm4b:s3+s8], $0x10, s24, s8, $0xb8;
	[tilespmem:$0x1B200] =	vst v63  }
0x63: {  	s24 =	simm.s32 $0x1040;
	s25 =	simm.s32 $0x11400  }
0x64: {  	[tilespmem:s25], [sflag:$0x3] =	stream.indirect.gather [hbm4b:s3+s8], $0x10, s24, s8, $0xb8;
	[tilespmem:$0x1B200] =	vst v63  }
0x65: {  	s24 =	simm.s32 $0x10A8;
	s25 =	simm.s32 $0x11A40  }
0x66: {  	[tilespmem:s25], [sflag:$0x3] =	stream.indirect.gather [hbm4b:s3+s8], $0x10, s24, s8, $0xb8;
	[tilespmem:$0x1B200] =	vst v63  }
0x67: {  	s24 =	simm.s32 $0x1110;
	s25 =	simm.s32 $0x12080  }
0x68: {  	[tilespmem:s25], [sflag:$0x3] =	stream.indirect.gather [hbm4b:s3+s8], $0x10, s24, s8, $0xb8;
	[tilespmem:$0x1B200] =	vst v63  }
0x69: {  	s24 =	simm.s32 $0x1178;
	s25 =	simm.s32 $0x126C0  }
0x6a: {  	[tilespmem:s25], [sflag:$0x3] =	stream.indirect.gather [hbm4b:s3+s8], $0x10, s24, s8, $0xb8;
	[tilespmem:$0x1B200] =	vst v63  }
0x6b: {  	s24 =	simm.s32 $0x11E0;
	s25 =	simm.s32 $0x12D00  }
0x6c: {  	[tilespmem:s25], [sflag:$0x3] =	stream.indirect.gather [hbm4b:s3+s8], $0x10, s24, s8, $0xb8;
	[tilespmem:$0x1B200] =	vst v63  }
0x6d: {  	s24 =	simm.s32 $0x1248;
	s25 =	simm.s32 $0x13340  }
0x6e: {  	[tilespmem:s25], [sflag:$0x3] =	stream.indirect.gather [hbm4b:s3+s8], $0x10, s24, s8, $0xb8;
	[tilespmem:$0x1B200] =	vst v63  }
0x6f: {  	s24 =	simm.s32 $0x12B0;
	s25 =	simm.s32 $0x13980  }
0x70: {  	[tilespmem:s25], [sflag:$0x3] =	stream.indirect.gather [hbm4b:s3+s8], $0x10, s24, s8, $0xb8;
	[tilespmem:$0x1B200] =	vst v63  }
0x71: {  	s24 =	simm.s32 $0x1318;
	s25 =	simm.s32 $0x13FC0  }
0x72: {  	[tilespmem:s25], [sflag:$0x3] =	stream.indirect.gather [hbm4b:s3+s8], $0x10, s24, s8, $0xb8;
	[tilespmem:$0x1B200] =	vst v63  }
0x73: {  	s24 =	simm.s32 $0x1380;
	s25 =	simm.s32 $0x14600  }
0x74: {  	[tilespmem:s25], [sflag:$0x4] =	stream.indirect.gather [hbm4b:s3+s8], $0x10, s24, s8, $0xb8;
	[tilespmem:$0x1B200] =	vst v63  }
0x75: {  	s24 =	simm.s32 $0x13E8;
	s25 =	simm.s32 $0x14C40  }
0x76: {  	[tilespmem:s25], [sflag:$0x4] =	stream.indirect.gather [hbm4b:s3+s8], $0x10, s24, s8, $0xb8;
	[tilespmem:$0x1B200] =	vst v63  }
0x77: {  	s24 =	simm.s32 $0x1450;
	s25 =	simm.s32 $0x15280  }
0x78: {  	[tilespmem:s25], [sflag:$0x4] =	stream.indirect.gather [hbm4b:s3+s8], $0x10, s24, s8, $0xb8;
	[tilespmem:$0x1B200] =	vst v63  }
0x79: {  	s24 =	simm.s32 $0x14B8;
	s25 =	simm.s32 $0x158C0  }
0x7a: {  	[tilespmem:s25], [sflag:$0x4] =	stream.indirect.gather [hbm4b:s3+s8], $0x10, s24, s8, $0xb8;
	[tilespmem:$0x1B200] =	vst v63  }
0x7b: {  	s24 =	simm.s32 $0x1520;
	s25 =	simm.s32 $0x15F00  }
0x7c: {  	[tilespmem:s25], [sflag:$0x4] =	stream.indirect.gather [hbm4b:s3+s8], $0x10, s24, s8, $0xb8;
	[tilespmem:$0x1B200] =	vst v63  }
0x7d: {  	s24 =	simm.s32 $0x1588;
	s25 =	simm.s32 $0x16540  }
0x7e: {  	[tilespmem:s25], [sflag:$0x4] =	stream.indirect.gather [hbm4b:s3+s8], $0x10, s24, s8, $0xb8;
	[tilespmem:$0x1B200] =	vst v63  }
0x7f: {  	s24 =	simm.s32 $0x15F0;
	s25 =	simm.s32 $0x16B80  }
0x80: {  	[tilespmem:s25], [sflag:$0x4] =	stream.indirect.gather [hbm4b:s3+s8], $0x10, s24, s8, $0xb8;
	[tilespmem:$0x1B200] =	vst v63  }
0x81: {  	s24 =	simm.s32 $0x1658;
	s25 =	simm.s32 $0x171C0  }
0x82: {  	[tilespmem:s25], [sflag:$0x4] =	stream.indirect.gather [hbm4b:s3+s8], $0x10, s24, s8, $0xb8;
	[tilespmem:$0x1B200] =	vst v63  }
0x83: {  	s24 =	simm.s32 $0x16C0;
	s25 =	simm.s32 $0x17800  }
0x84: {  	[tilespmem:s25], [sflag:$0x4] =	stream.indirect.gather [hbm4b:s3+s8], $0x10, s24, s8, $0xb8;
	[tilespmem:$0x1B200] =	vst v63  }
0x85: {  	_ = 	snop  }
0x86: {  	[tilespmem:s28], [sflag:$0x4] =	stream.indirect.gather [hbm4b:s3+s8], $0x10, s26, s8, $0xb8;
	[tilespmem:$0x1B200] =	vst v63  }
0x87: {  	_ = 	snop  }
0x88: {  	[tilespmem:s30], [sflag:$0x4] =	stream.indirect.gather [hbm4b:s3+s8], $0x10, s29, s8, $0xb8;
	[tilespmem:$0x1B200] =	vst v63  }
0x89: {  	_ = 	snop  }
0x8a: {  	[tilespmem:s1], [sflag:$0x4] =	stream.indirect.gather [hbm4b:s3+s8], $0x10, s31, s8, $0xb8;
	[tilespmem:$0x1B200] =	vst v63  }
0x8b: {  	_ = 	snop  }
0x8c: {  	[tilespmem:s9], [sflag:$0x4] =	stream.indirect.gather [hbm4b:s3+s8], $0x10, s0, s8, $0xb8;
	[tilespmem:$0x1B200] =	vst v63  }
0x8d: {  	_ = 	snop  }
0x8e: {  	[tilespmem:s11], [sflag:$0x4] =	stream.indirect.gather [hbm4b:s3+s8], $0x10, s10, s8, $0xb8;
	[tilespmem:$0x1B200] =	vst v63  }
0x8f: {  	_ = 	snop  }
0x90: {  	[tilespmem:s13], [sflag:$0x4] =	stream.indirect.gather [hbm4b:s3+s8], $0x10, s12, s8, $0xb8;
	[tilespmem:$0x1B200] =	vst v63  }
0x91: {  	_ = 	snop  }
0x92: {  	[tilespmem:s15], [sflag:$0x4] =	stream.indirect.gather [hbm4b:s3+s8], $0x10, s14, s8, $0xb8;
	[tilespmem:$0x1B200] =	vst v63  }
0x93: {  	_ =	swait.ge [sflag:s16], $0x640  }
0x94: {  	[sflag:s16] =	ssyncset.done $0x0  }
0x95: {  	[sflag:s16] =	ssyncadd.s32 $0xFFFFF9C0  }
0x96: {  	_ =	swait.ge [sflag:s16], $0x640  }
0x97: {  	[sflag:s16] =	ssyncset.done $0x0  }
0x98: {  	[sflag:s16] =	ssyncadd.s32 $0xFFFFF9C0  }
0x99: {  	_ =	swait.ge [sflag:s16], $0x640  }
0x9a: {  	[sflag:s16] =	ssyncset.done $0x0  }
0x9b: {  	[sflag:s16] =	ssyncadd.s32 $0xFFFFF9C0  }
0x9c: {  	_ =	swait.ge [sflag:s16], $0x640  }
0x9d: {  	[sflag:s16] =	ssyncset.done $0x0  }
0x9e: {  	[sflag:s16] =	ssyncadd.s32 $0xFFFFF9C0  }
0x9f: {  	_ =	swait.ge [sflag:s16], $0x640  }
0xa0: {  	[sflag:s16] =	ssyncset.done $0x0  }
0xa1: {  	[sflag:s16] =	ssyncadd.s32 $0xFFFFF9C0  }
0xa2: {  	_ =	swait.ge [sflag:s16], $0x640  }
0xa3: {  	[sflag:s16] =	ssyncset.done $0x0  }
0xa4: {  	[sflag:s16] =	ssyncadd.s32 $0xFFFFF9C0  }
0xa5: {  	_ =	swait.ge [sflag:s16], $0x640  }
0xa6: {  	[sflag:s16] =	ssyncset.done $0x0  }
0xa7: {  	[sflag:s16] =	ssyncadd.s32 $0xFFFFF9C0  }
0xa8: {  	_ =	swait.ge [sflag:s16], $0x640  }
0xa9: {  	[sflag:s16] =	ssyncset.done $0x0  }
0xaa: {  	[sflag:s16] =	ssyncadd.s32 $0xFFFFF9C0  }
0xab: {  	_ =	swait.ge [sflag:s16], $0x640  }
0xac: {  	[sflag:s16] =	ssyncset.done $0x0  }
0xad: {  	[sflag:s16] =	ssyncadd.s32 $0xFFFFF9C0  }
0xae: {  	_ =	swait.ge [sflag:s16], $0x640  }
0xaf: {  	[sflag:s16] =	ssyncset.done $0x0  }
0xb0: {  	[sflag:s16] =	ssyncadd.s32 $0xFFFFF9C0  }
0xb1: {  	_ =	swait.ge [sflag:s16], $0x640  }
0xb2: {  	[sflag:s16] =	ssyncset.done $0x0  }
0xb3: {  	[sflag:s16] =	ssyncadd.s32 $0xFFFFF9C0  }
0xb4: {  	_ =	swait.ge [sflag:s16], $0x640  }
0xb5: {  	[sflag:s16] =	ssyncset.done $0x0  }
0xb6: {  	[sflag:s16] =	ssyncadd.s32 $0xFFFFF9C0  }
0xb7: {  	_ =	swait.ge [sflag:s16], $0x640  }
0xb8: {  	[sflag:s16] =	ssyncset.done $0x0  }
0xb9: {  	[sflag:s16] =	ssyncadd.s32 $0xFFFFF9C0  }
0xba: {  	_ =	swait.ge [sflag:s16], $0x640  }
0xbb: {  	[sflag:s16] =	ssyncset.done $0x0  }
0xbc: {  	[sflag:s16] =	ssyncadd.s32 $0xFFFFF9C0  }
0xbd: {  	_ =	swait.ge [sflag:s16], $0x640  }
0xbe: {  	[sflag:s16] =	ssyncset.done $0x0  }
0xbf: {  	[sflag:s16] =	ssyncadd.s32 $0xFFFFF9C0  }
0xc0: {  	_ =	swait.ge [sflag:s16], $0x640  }
0xc1: {  	[sflag:s16] =	ssyncset.done $0x0  }
0xc2: {  	s23 =	simm.s32 $0x1B90;
	[sflag:s16] =	ssyncadd.s32 $0xFFFFF9C0  }
0xc3: {  	v0 =	vld [tilespmem:s23+$0xFFFFFE90]  }
0xc4: {  	v1 =	vld [tilespmem:s23+$0xFFFFFE70]  }
0xc5: {  	v2 =	vld [tilespmem:s23+$0xFFFFFE80]  }
0xc6: {  	s22 =	simm.s32 $0x0;
	s24 =	simm.s32 $0x40;
	v3 =	vld [tilespmem:s23+$0xFFFFFEA0]  }
.LBB2_2:
0xc7: {  	p0 =	sne.s32 s24, $0x7C0;
	v4 =	vld [tilespmem:s23+$0xFFFFFEB0]  }
0xc8: {  	v5 =	vld [tilespmem:s23+$0xFFFFFEC0]  }
0xc9: {  	v6 =	vld [tilespmem:s23+$0xFFFFFED0]  }
0xca: {  	v7 =	vld [tilespmem:s23+$0xFFFFFEE0]  }
0xcb: {  	v0 =	vadd.f32 v0, v1;
	v1 =	vadd.f32 v3, v2;
	v2 =	vld [tilespmem:s23+$0xFFFFFEF0]  }
0xcc: {  	v3 =	vld [tilespmem:s23+$0xFFFFFF00]  }
0xcd: {  	v0 =	vadd.f32 v4, v0;
	v1 =	vadd.f32 v5, v1;
	v4 =	vld [tilespmem:s23+$0xFFFFFF10]  }
0xce: {  	v5 =	vld [tilespmem:s23+$0xFFFFFF20]  }
0xcf: {  	v0 =	vadd.f32 v6, v0;
	v1 =	vadd.f32 v7, v1;
	v6 =	vld [tilespmem:s23+$0xFFFFFF30]  }
0xd0: {  	v7 =	vld [tilespmem:s23+$0xFFFFFF40]  }
0xd1: {  	v0 =	vadd.f32 v2, v0;
	v1 =	vadd.f32 v3, v1;
	v2 =	vld [tilespmem:s23+$0xFFFFFF50]  }
0xd2: {  	v3 =	vld [tilespmem:s23+$0xFFFFFF60]  }
0xd3: {  	v0 =	vadd.f32 v4, v0;
	v1 =	vadd.f32 v5, v1;
	v4 =	vld [tilespmem:s23+$0xFFFFFF70]  }
0xd4: {  	v5 =	vld [tilespmem:s23+$0xFFFFFF80]  }
0xd5: {  	v0 =	vadd.f32 v6, v0;
	v1 =	vadd.f32 v7, v1;
	v6 =	vld [tilespmem:s23+$0xFFFFFF90]  }
0xd6: {  	v7 =	vld [tilespmem:s23+$0xFFFFFFA0]  }
0xd7: {  	v0 =	vadd.f32 v2, v0;
	v1 =	vadd.f32 v3, v1;
	v2 =	vld [tilespmem:s23+$0xFFFFFFB0]  }
0xd8: {  	v3 =	vld [tilespmem:s23+$0xFFFFFFC0]  }
0xd9: {  	v0 =	vadd.f32 v4, v0;
	v1 =	vadd.f32 v5, v1;
	v4 =	vld [tilespmem:s23+$0xFFFFFFD0]  }
0xda: {  	v5 =	vld [tilespmem:s23+$0xFFFFFFE0]  }
0xdb: {  	v0 =	vadd.f32 v6, v0;
	v1 =	vadd.f32 v7, v1;
	v6 =	vld [tilespmem:s23+$0xFFFFFFF0]  }
0xdc: {  	v7 =	vld [tilespmem:s23+$0x0]  }
0xdd: {  	v0 =	vadd.f32 v2, v0;
	v1 =	vadd.f32 v3, v1;
	v2 =	vld [tilespmem:s23+$0x10]  }
0xde: {  	v3 =	vld [tilespmem:s23+$0x20]  }
0xdf: {  	v0 =	vadd.f32 v4, v0;
	v1 =	vadd.f32 v5, v1;
	v4 =	vld [tilespmem:s23+$0x30]  }
0xe0: {  	v5 =	vld [tilespmem:s23+$0x40]  }
0xe1: {  	v0 =	vadd.f32 v6, v0;
	v1 =	vadd.f32 v7, v1;
	v6 =	vld [tilespmem:s23+$0x50]  }
0xe2: {  	v7 =	vld [tilespmem:s23+$0x60]  }
0xe3: {  	v0 =	vadd.f32 v2, v0;
	v1 =	vadd.f32 v3, v1;
	v2 =	vld [tilespmem:s23+$0x70]  }
0xe4: {  	v3 =	vld [tilespmem:s23+$0x80]  }
0xe5: {  	v0 =	vadd.f32 v4, v0;
	v1 =	vadd.f32 v5, v1;
	v4 =	vld [tilespmem:s23+$0x90]  }
0xe6: {  	v5 =	vld [tilespmem:s23+$0xA0]  }
0xe7: {  	v0 =	vadd.f32 v6, v0;
	v1 =	vadd.f32 v7, v1;
	v6 =	vld [tilespmem:s23+$0xB0]  }
0xe8: {  	v7 =	vld [tilespmem:s23+$0xC0]  }
0xe9: {  	v0 =	vadd.f32 v2, v0;
	v1 =	vadd.f32 v3, v1;
	v2 =	vld [tilespmem:s23+$0xD0]  }
0xea: {  	v3 =	vld [tilespmem:s23+$0xE0]  }
0xeb: {  	v0 =	vadd.f32 v4, v0;
	v1 =	vadd.f32 v5, v1;
	v4 =	vld [tilespmem:s23+$0xF0]  }
0xec: {  	v5 =	vld [tilespmem:s23+$0x100]  }
0xed: {  	v0 =	vadd.f32 v6, v0;
	v1 =	vadd.f32 v7, v1;
	v6 =	vld [tilespmem:s23+$0x110]  }
0xee: {  	v7 =	vld [tilespmem:s23+$0x120]  }
0xef: {  	v0 =	vadd.f32 v2, v0;
	v1 =	vadd.f32 v3, v1;
	v2 =	vld [tilespmem:s23+$0x130]  }
0xf0: {  	v3 =	vld [tilespmem:s23+$0x140]  }
0xf1: {  	v0 =	vadd.f32 v4, v0;
	v1 =	vadd.f32 v5, v1;
	v4 =	vld [tilespmem:s23+$0x150]  }
0xf2: {  	v5 =	vld [tilespmem:s23+$0x160]  }
0xf3: {  	v0 =	vadd.f32 v6, v0;
	v1 =	vadd.f32 v7, v1;
	v6 =	vld [tilespmem:s23+$0x170]  }
0xf4: {  	v7 =	vld [tilespmem:s23+$0x180]  }
0xf5: {  	v0 =	vadd.f32 v2, v0;
	v1 =	vadd.f32 v3, v1;
	_ =	sdelay $0x1  }
0xf6: {  	v0 =	vadd.f32 v4, v0;
	v1 =	vadd.f32 v5, v1;
	_ =	sdelay $0x1  }
0xf7: {  	v0 =	vadd.f32 v6, v0;
	v1 =	vadd.f32 v7, v1;
	_ =	sdelay $0x1  }
0xf8: {  	v0 =	vadd.f32 v1, v0  }
0xf9: {  	s25 =	sshra.s32 s22, $0x2;
	s22 =	smov.u32 s24  }
.Ltmp0:
0xfa: {  	s23 =	sadd.s32 $0x320, s23;
	[tilespmem:s25+$0x1AA00] =	vst v0;
	(pc) =	sbr.rel @p0 .LBB2_2-.Ltmp0, $4  }
0xfb: {  	v0 =	vld [tilespmem:s23+$0xFFFFFE90]  }
0xfc: {  	v1 =	vld [tilespmem:s23+$0xFFFFFE70]  }
0xfd: {  	v2 =	vld [tilespmem:s23+$0xFFFFFE80]  }
0xfe: {  	s24 =	sadd.s32 $0x40, s24;
	v3 =	vld [tilespmem:s23+$0xFFFFFEA0]  }
0xff: {  	v4 =	vld [tilespmem:s23+$0xFFFFFEB0]  }
0x100: {  	v5 =	vld [tilespmem:s23+$0xFFFFFEC0]  }
0x101: {  	v6 =	vld [tilespmem:s23+$0xFFFFFED0]  }
0x102: {  	v7 =	vld [tilespmem:s23+$0xFFFFFEE0]  }
0x103: {  	v0 =	vadd.f32 v0, v1;
	v1 =	vadd.f32 v3, v2;
	v2 =	vld [tilespmem:s23+$0xFFFFFEF0]  }
0x104: {  	v3 =	vld [tilespmem:s23+$0xFFFFFF00]  }
0x105: {  	v59 =	vld [tilespmem:s23+$0xFFFFFF10];
	v0 =	vadd.f32 v4, v0;
	v1 =	vadd.f32 v5, v1  }
0x106: {  	v60 =	vld [tilespmem:s23+$0xFFFFFF20]  }
0x107: {  	v61 =	vld [tilespmem:s23+$0xFFFFFF30];
	v0 =	vadd.f32 v6, v0;
	v1 =	vadd.f32 v7, v1  }
0x108: {  	v62 =	vld [tilespmem:s23+$0xFFFFFF40]  }
0x109: {  	v0 =	vadd.f32 v2, v0;
	v2 =	vld [tilespmem:s23+$0xFFFFFF50];
	v1 =	vadd.f32 v3, v1  }
0x10a: {  	v3 =	vld [tilespmem:s23+$0xFFFFFF60]  }
0x10b: {  	v63 =	vld [tilespmem:s23+$0xFFFFFF70];
	v0 =	vadd.f32 v59, v0;
	v1 =	vadd.f32 v60, v1  }
0x10c: {  	v9 =	vld [tilespmem:s23+$0xFFFFFF80]  }
0x10d: {  	v10 =	vld [tilespmem:s23+$0xFFFFFF90];
	v0 =	vadd.f32 v61, v0;
	v1 =	vadd.f32 v62, v1  }
0x10e: {  	v11 =	vld [tilespmem:s23+$0xFFFFFFA0]  }
0x10f: {  	v0 =	vadd.f32 v2, v0;
	v2 =	vld [tilespmem:s23+$0xFFFFFFB0];
	v1 =	vadd.f32 v3, v1  }
0x110: {  	v3 =	vld [tilespmem:s23+$0xFFFFFFC0]  }
0x111: {  	v12 =	vld [tilespmem:s23+$0xFFFFFFD0];
	v0 =	vadd.f32 v63, v0;
	v1 =	vadd.f32 v9, v1  }
0x112: {  	v13 =	vld [tilespmem:s23+$0xFFFFFFE0]  }
0x113: {  	v14 =	vld [tilespmem:s23+$0xFFFFFFF0];
	v0 =	vadd.f32 v10, v0;
	v1 =	vadd.f32 v11, v1  }
0x114: {  	v15 =	vld [tilespmem:s23+$0x0]  }
0x115: {  	v0 =	vadd.f32 v2, v0;
	v2 =	vld [tilespmem:s23+$0x10];
	v1 =	vadd.f32 v3, v1  }
0x116: {  	v3 =	vld [tilespmem:s23+$0x20]  }
0x117: {  	v16 =	vld [tilespmem:s23+$0x30];
	v0 =	vadd.f32 v12, v0;
	v1 =	vadd.f32 v13, v1  }
0x118: {  	v17 =	vld [tilespmem:s23+$0x40]  }
0x119: {  	v18 =	vld [tilespmem:s23+$0x50];
	v0 =	vadd.f32 v14, v0;
	v1 =	vadd.f32 v15, v1  }
0x11a: {  	v19 =	vld [tilespmem:s23+$0x60]  }
0x11b: {  	v0 =	vadd.f32 v2, v0;
	v2 =	vld [tilespmem:s23+$0x70];
	v1 =	vadd.f32 v3, v1  }
0x11c: {  	v3 =	vld [tilespmem:s23+$0x80]  }
0x11d: {  	v20 =	vld [tilespmem:s23+$0x90];
	v0 =	vadd.f32 v16, v0;
	v1 =	vadd.f32 v17, v1  }
0x11e: {  	v21 =	vld [tilespmem:s23+$0xA0]  }
0x11f: {  	v22 =	vld [tilespmem:s23+$0xB0];
	v0 =	vadd.f32 v18, v0;
	v1 =	vadd.f32 v19, v1  }
0x120: {  	v23 =	vld [tilespmem:s23+$0xC0]  }
0x121: {  	v0 =	vadd.f32 v2, v0;
	v2 =	vld [tilespmem:s23+$0xD0];
	v1 =	vadd.f32 v3, v1  }
0x122: {  	v3 =	vld [tilespmem:s23+$0xE0]  }
0x123: {  	v24 =	vld [tilespmem:s23+$0xF0];
	v0 =	vadd.f32 v20, v0;
	v1 =	vadd.f32 v21, v1  }
0x124: {  	v25 =	vld [tilespmem:s23+$0x100]  }
0x125: {  	v26 =	vld [tilespmem:s23+$0x110];
	v0 =	vadd.f32 v22, v0;
	v1 =	vadd.f32 v23, v1  }
0x126: {  	v27 =	vld [tilespmem:s23+$0x120]  }
0x127: {  	v0 =	vadd.f32 v2, v0;
	v2 =	vld [tilespmem:s23+$0x130];
	v1 =	vadd.f32 v3, v1  }
0x128: {  	v3 =	vld [tilespmem:s23+$0x140]  }
0x129: {  	v28 =	vld [tilespmem:s23+$0x150];
	v0 =	vadd.f32 v24, v0;
	v1 =	vadd.f32 v25, v1  }
0x12a: {  	v29 =	vld [tilespmem:s23+$0x160]  }
0x12b: {  	v30 =	vld [tilespmem:s23+$0x170];
	v0 =	vadd.f32 v26, v0;
	v1 =	vadd.f32 v27, v1  }
0x12c: {  	v31 =	vld [tilespmem:s23+$0x180]  }
0x12d: {  	v0 =	vadd.f32 v2, v0;
	v1 =	vadd.f32 v3, v1;
	_ =	sdelay $0x1  }
0x12e: {  	v0 =	vadd.f32 v28, v0;
	v1 =	vadd.f32 v29, v1;
	_ =	sdelay $0x1  }
0x12f: {  	v0 =	vadd.f32 v30, v0;
	v1 =	vadd.f32 v31, v1;
	_ =	sdelay $0x1  }
0x130: {  	v0 =	vadd.f32 v1, v0  }
0x131: {  	s22 =	sshra.s32 s22, $0x2  }
0x132: {  	[tilespmem:s22+$0x1AA00] =	vst v0  }
0x133: {  	_ =	swait.ge [sflag:s17], $0x640  }
0x134: {  	[sflag:s17] =	ssyncset.done $0x0  }
0x135: {  	[sflag:s17] =	ssyncadd.s32 $0xFFFFF9C0  }
0x136: {  	_ =	swait.ge [sflag:s17], $0x640  }
0x137: {  	[sflag:s17] =	ssyncset.done $0x0  }
0x138: {  	[sflag:s17] =	ssyncadd.s32 $0xFFFFF9C0  }
0x139: {  	_ =	swait.ge [sflag:s17], $0x640  }
0x13a: {  	[sflag:s17] =	ssyncset.done $0x0  }
0x13b: {  	[sflag:s17] =	ssyncadd.s32 $0xFFFFF9C0  }
0x13c: {  	_ =	swait.ge [sflag:s17], $0x640  }
0x13d: {  	[sflag:s17] =	ssyncset.done $0x0  }
0x13e: {  	[sflag:s17] =	ssyncadd.s32 $0xFFFFF9C0  }
0x13f: {  	_ =	swait.ge [sflag:s17], $0x640  }
0x140: {  	[sflag:s17] =	ssyncset.done $0x0  }
0x141: {  	[sflag:s17] =	ssyncadd.s32 $0xFFFFF9C0  }
0x142: {  	_ =	swait.ge [sflag:s17], $0x640  }
0x143: {  	[sflag:s17] =	ssyncset.done $0x0  }
0x144: {  	[sflag:s17] =	ssyncadd.s32 $0xFFFFF9C0  }
0x145: {  	_ =	swait.ge [sflag:s17], $0x640  }
0x146: {  	[sflag:s17] =	ssyncset.done $0x0  }
0x147: {  	[sflag:s17] =	ssyncadd.s32 $0xFFFFF9C0  }
0x148: {  	_ =	swait.ge [sflag:s17], $0x640  }
0x149: {  	[sflag:s17] =	ssyncset.done $0x0  }
0x14a: {  	[sflag:s17] =	ssyncadd.s32 $0xFFFFF9C0  }
0x14b: {  	_ =	swait.ge [sflag:s17], $0x640  }
0x14c: {  	[sflag:s17] =	ssyncset.done $0x0  }
0x14d: {  	[sflag:s17] =	ssyncadd.s32 $0xFFFFF9C0  }
0x14e: {  	_ =	swait.ge [sflag:s17], $0x640  }
0x14f: {  	[sflag:s17] =	ssyncset.done $0x0  }
0x150: {  	[sflag:s17] =	ssyncadd.s32 $0xFFFFF9C0  }
0x151: {  	_ =	swait.ge [sflag:s17], $0x640  }
0x152: {  	[sflag:s17] =	ssyncset.done $0x0  }
0x153: {  	[sflag:s17] =	ssyncadd.s32 $0xFFFFF9C0  }
0x154: {  	_ =	swait.ge [sflag:s17], $0x640  }
0x155: {  	[sflag:s17] =	ssyncset.done $0x0  }
0x156: {  	[sflag:s17] =	ssyncadd.s32 $0xFFFFF9C0  }
0x157: {  	_ =	swait.ge [sflag:s17], $0x640  }
0x158: {  	[sflag:s17] =	ssyncset.done $0x0  }
0x159: {  	[sflag:s17] =	ssyncadd.s32 $0xFFFFF9C0  }
0x15a: {  	_ =	swait.ge [sflag:s17], $0x640  }
0x15b: {  	[sflag:s17] =	ssyncset.done $0x0  }
0x15c: {  	[sflag:s17] =	ssyncadd.s32 $0xFFFFF9C0  }
0x15d: {  	_ =	swait.ge [sflag:s17], $0x640  }
0x15e: {  	[sflag:s17] =	ssyncset.done $0x0  }
0x15f: {  	[sflag:s17] =	ssyncadd.s32 $0xFFFFF9C0  }
0x160: {  	_ =	swait.ge [sflag:s17], $0x640  }
0x161: {  	[sflag:s17] =	ssyncset.done $0x0  }
0x162: {  	s25 =	simm.s32 $0x0;
	[sflag:s17] =	ssyncadd.s32 $0xFFFFF9C0  }
0x163: {  	v0 =	vld [tilespmem:s25+$0x7E20]  }
0x164: {  	v1 =	vld [tilespmem:s25+$0x7E00]  }
0x165: {  	v2 =	vld [tilespmem:s25+$0x7E10]  }
0x166: {  	v3 =	vld [tilespmem:s25+$0x7E30]  }
0x167: {  	v32 =	vld [tilespmem:s25+$0x7E40]  }
0x168: {  	v33 =	vld [tilespmem:s25+$0x7E50]  }
0x169: {  	v34 =	vld [tilespmem:s25+$0x7E60]  }
0x16a: {  	v35 =	vld [tilespmem:s25+$0x7E70]  }
0x16b: {  	v0 =	vadd.f32 v0, v1;
	v1 =	vadd.f32 v3, v2;
	v2 =	vld [tilespmem:s25+$0x7E80]  }
0x16c: {  	v3 =	vld [tilespmem:s25+$0x7E90]  }
0x16d: {  	v36 =	vld [tilespmem:s25+$0x7EA0];
	v0 =	vadd.f32 v32, v0;
	v1 =	vadd.f32 v33, v1  }
0x16e: {  	v37 =	vld [tilespmem:s25+$0x7EB0]  }
0x16f: {  	v38 =	vld [tilespmem:s25+$0x7EC0];
	v0 =	vadd.f32 v34, v0;
	v1 =	vadd.f32 v35, v1  }
0x170: {  	v39 =	vld [tilespmem:s25+$0x7ED0]  }
0x171: {  	v0 =	vadd.f32 v2, v0;
	v1 =	vadd.f32 v3, v1;
	v2 =	vld [tilespmem:s25+$0x7EE0]  }
0x172: {  	v3 =	vld [tilespmem:s25+$0x7EF0]  }
0x173: {  	v40 =	vld [tilespmem:s25+$0x7F00];
	v0 =	vadd.f32 v36, v0;
	v1 =	vadd.f32 v37, v1  }
0x174: {  	v41 =	vld [tilespmem:s25+$0x7F10]  }
0x175: {  	v42 =	vld [tilespmem:s25+$0x7F20];
	v0 =	vadd.f32 v38, v0;
	v1 =	vadd.f32 v39, v1  }
0x176: {  	v43 =	vld [tilespmem:s25+$0x7F30]  }
0x177: {  	v0 =	vadd.f32 v2, v0;
	v1 =	vadd.f32 v3, v1;
	v2 =	vld [tilespmem:s25+$0x7F40]  }
0x178: {  	v3 =	vld [tilespmem:s25+$0x7F50]  }
0x179: {  	v44 =	vld [tilespmem:s25+$0x7F60];
	v0 =	vadd.f32 v40, v0;
	v1 =	vadd.f32 v41, v1  }
0x17a: {  	v45 =	vld [tilespmem:s25+$0x7F70]  }
0x17b: {  	v46 =	vld [tilespmem:s25+$0x7F80];
	v0 =	vadd.f32 v42, v0;
	v1 =	vadd.f32 v43, v1  }
0x17c: {  	v47 =	vld [tilespmem:s25+$0x7F90]  }
0x17d: {  	v0 =	vadd.f32 v2, v0;
	v1 =	vadd.f32 v3, v1;
	v2 =	vld [tilespmem:s25+$0x7FA0]  }
0x17e: {  	v3 =	vld [tilespmem:s25+$0x7FB0]  }
0x17f: {  	v48 =	vld [tilespmem:s25+$0x7FC0];
	v0 =	vadd.f32 v44, v0;
	v1 =	vadd.f32 v45, v1  }
0x180: {  	v49 =	vld [tilespmem:s25+$0x7FD0]  }
0x181: {  	v50 =	vld [tilespmem:s25+$0x7FE0];
	v0 =	vadd.f32 v46, v0;
	v1 =	vadd.f32 v47, v1  }
0x182: {  	v51 =	vld [tilespmem:s25+$0x7FF0]  }
0x183: {  	v0 =	vadd.f32 v2, v0;
	v1 =	vadd.f32 v3, v1;
	v2 =	vld [tilespmem:s25+$0x8000]  }
0x184: {  	v3 =	vld [tilespmem:s25+$0x8010]  }
0x185: {  	v52 =	vld [tilespmem:s25+$0x8020];
	v0 =	vadd.f32 v48, v0;
	v1 =	vadd.f32 v49, v1  }
0x186: {  	v53 =	vld [tilespmem:s25+$0x8030]  }
0x187: {  	v54 =	vld [tilespmem:s25+$0x8040];
	v0 =	vadd.f32 v50, v0;
	v1 =	vadd.f32 v51, v1  }
0x188: {  	v55 =	vld [tilespmem:s25+$0x8050]  }
0x189: {  	v0 =	vadd.f32 v2, v0;
	v1 =	vadd.f32 v3, v1;
	v2 =	vld [tilespmem:s25+$0x8060]  }
0x18a: {  	v3 =	vld [tilespmem:s25+$0x8070]  }
0x18b: {  	v56 =	vld [tilespmem:s25+$0x8080];
	v0 =	vadd.f32 v52, v0;
	v1 =	vadd.f32 v53, v1  }
0x18c: {  	v57 =	vld [tilespmem:s25+$0x8090]  }
0x18d: {  	v58 =	vld [tilespmem:s25+$0x80A0];
	v0 =	vadd.f32 v54, v0;
	v1 =	vadd.f32 v55, v1  }
0x18e: {  	v59 =	vld [tilespmem:s25+$0x80B0]  }
0x18f: {  	v0 =	vadd.f32 v2, v0;
	v1 =	vadd.f32 v3, v1;
	v2 =	vld [tilespmem:s25+$0x80C0]  }
0x190: {  	v3 =	vld [tilespmem:s25+$0x80D0]  }
0x191: {  	v60 =	vld [tilespmem:s25+$0x80E0];
	v0 =	vadd.f32 v56, v0;
	v1 =	vadd.f32 v57, v1  }
0x192: {  	v61 =	vld [tilespmem:s25+$0x80F0]  }
0x193: {  	v62 =	vld [tilespmem:s25+$0x8100];
	v0 =	vadd.f32 v58, v0;
	v1 =	vadd.f32 v59, v1  }
0x194: {  	v63 =	vld [tilespmem:s25+$0x8110]  }
0x195: {  	v0 =	vadd.f32 v2, v0;
	v1 =	vadd.f32 v3, v1;
	_ =	sdelay $0x1  }
0x196: {  	v0 =	vadd.f32 v60, v0;
	v1 =	vadd.f32 v61, v1;
	_ =	sdelay $0x1  }
0x197: {  	v0 =	vadd.f32 v62, v0;
	v1 =	vadd.f32 v63, v1;
	_ =	sdelay $0x1  }
0x198: {  	v0 =	vadd.f32 v1, v0  }
0x199: {  	s22 =	simm.s32 $0x1AC00  }
0x19a: {  	s23 =	simm.s32 $0x320;
	[tilespmem:s22+$0x0] =	vst v0  }
0x19b: {  	v0 =	vld [tilespmem:s23+$0x7E20]  }
0x19c: {  	v1 =	vld [tilespmem:s23+$0x7E00]  }
0x19d: {  	s24 =	simm.s32 $0x1900;
	v2 =	vld [tilespmem:s23+$0x7E10]  }
.LBB2_4:
0x19e: {  	p0 =	sne.s32 s24, $0x18380;
	v3 =	vld [tilespmem:s23+$0x7E30]  }
0x19f: {  	v4 =	vld [tilespmem:s23+$0x7E40]  }
0x1a0: {  	v5 =	vld [tilespmem:s23+$0x7E50]  }
0x1a1: {  	v6 =	vld [tilespmem:s23+$0x7E60]  }
0x1a2: {  	v7 =	vld [tilespmem:s23+$0x7E70]  }
0x1a3: {  	v0 =	vadd.f32 v0, v1;
	v1 =	vadd.f32 v3, v2;
	v2 =	vld [tilespmem:s23+$0x7E80]  }
0x1a4: {  	v3 =	vld [tilespmem:s23+$0x7E90]  }
0x1a5: {  	v0 =	vadd.f32 v4, v0;
	v1 =	vadd.f32 v5, v1;
	v4 =	vld [tilespmem:s23+$0x7EA0]  }
0x1a6: {  	v5 =	vld [tilespmem:s23+$0x7EB0]  }
0x1a7: {  	v0 =	vadd.f32 v6, v0;
	v1 =	vadd.f32 v7, v1;
	v6 =	vld [tilespmem:s23+$0x7EC0]  }
0x1a8: {  	v7 =	vld [tilespmem:s23+$0x7ED0]  }
0x1a9: {  	v0 =	vadd.f32 v2, v0;
	v1 =	vadd.f32 v3, v1;
	v2 =	vld [tilespmem:s23+$0x7EE0]  }
0x1aa: {  	v3 =	vld [tilespmem:s23+$0x7EF0]  }
0x1ab: {  	v0 =	vadd.f32 v4, v0;
	v1 =	vadd.f32 v5, v1;
	v4 =	vld [tilespmem:s23+$0x7F00]  }
0x1ac: {  	v5 =	vld [tilespmem:s23+$0x7F10]  }
0x1ad: {  	v0 =	vadd.f32 v6, v0;
	v1 =	vadd.f32 v7, v1;
	v6 =	vld [tilespmem:s23+$0x7F20]  }
0x1ae: {  	v7 =	vld [tilespmem:s23+$0x7F30]  }
0x1af: {  	v0 =	vadd.f32 v2, v0;
	v1 =	vadd.f32 v3, v1;
	v2 =	vld [tilespmem:s23+$0x7F40]  }
0x1b0: {  	v3 =	vld [tilespmem:s23+$0x7F50]  }
0x1b1: {  	v0 =	vadd.f32 v4, v0;
	v1 =	vadd.f32 v5, v1;
	v4 =	vld [tilespmem:s23+$0x7F60]  }
0x1b2: {  	v5 =	vld [tilespmem:s23+$0x7F70]  }
0x1b3: {  	v0 =	vadd.f32 v6, v0;
	v1 =	vadd.f32 v7, v1;
	v6 =	vld [tilespmem:s23+$0x7F80]  }
0x1b4: {  	v7 =	vld [tilespmem:s23+$0x7F90]  }
0x1b5: {  	v0 =	vadd.f32 v2, v0;
	v1 =	vadd.f32 v3, v1;
	v2 =	vld [tilespmem:s23+$0x7FA0]  }
0x1b6: {  	v3 =	vld [tilespmem:s23+$0x7FB0]  }
0x1b7: {  	v0 =	vadd.f32 v4, v0;
	v1 =	vadd.f32 v5, v1;
	v4 =	vld [tilespmem:s23+$0x7FC0]  }
0x1b8: {  	v5 =	vld [tilespmem:s23+$0x7FD0]  }
0x1b9: {  	v0 =	vadd.f32 v6, v0;
	v1 =	vadd.f32 v7, v1;
	v6 =	vld [tilespmem:s23+$0x7FE0]  }
0x1ba: {  	v7 =	vld [tilespmem:s23+$0x7FF0]  }
0x1bb: {  	v0 =	vadd.f32 v2, v0;
	v1 =	vadd.f32 v3, v1;
	v2 =	vld [tilespmem:s23+$0x8000]  }
0x1bc: {  	v3 =	vld [tilespmem:s23+$0x8010]  }
0x1bd: {  	v0 =	vadd.f32 v4, v0;
	v1 =	vadd.f32 v5, v1;
	v4 =	vld [tilespmem:s23+$0x8020]  }
0x1be: {  	v5 =	vld [tilespmem:s23+$0x8030]  }
0x1bf: {  	v0 =	vadd.f32 v6, v0;
	v1 =	vadd.f32 v7, v1;
	v6 =	vld [tilespmem:s23+$0x8040]  }
0x1c0: {  	v7 =	vld [tilespmem:s23+$0x8050]  }
0x1c1: {  	v0 =	vadd.f32 v2, v0;
	v1 =	vadd.f32 v3, v1;
	v2 =	vld [tilespmem:s23+$0x8060]  }
0x1c2: {  	v3 =	vld [tilespmem:s23+$0x8070]  }
0x1c3: {  	v0 =	vadd.f32 v4, v0;
	v1 =	vadd.f32 v5, v1;
	v4 =	vld [tilespmem:s23+$0x8080]  }
0x1c4: {  	v5 =	vld [tilespmem:s23+$0x8090]  }
0x1c5: {  	v0 =	vadd.f32 v6, v0;
	v1 =	vadd.f32 v7, v1;
	v6 =	vld [tilespmem:s23+$0x80A0]  }
0x1c6: {  	v7 =	vld [tilespmem:s23+$0x80B0]  }
0x1c7: {  	v0 =	vadd.f32 v2, v0;
	v1 =	vadd.f32 v3, v1;
	v2 =	vld [tilespmem:s23+$0x80C0]  }
0x1c8: {  	v3 =	vld [tilespmem:s23+$0x80D0]  }
0x1c9: {  	v0 =	vadd.f32 v4, v0;
	v1 =	vadd.f32 v5, v1;
	v4 =	vld [tilespmem:s23+$0x80E0]  }
0x1ca: {  	v5 =	vld [tilespmem:s23+$0x80F0]  }
0x1cb: {  	v0 =	vadd.f32 v6, v0;
	v1 =	vadd.f32 v7, v1;
	v6 =	vld [tilespmem:s23+$0x8100]  }
0x1cc: {  	v7 =	vld [tilespmem:s23+$0x8110]  }
0x1cd: {  	v0 =	vadd.f32 v2, v0;
	v1 =	vadd.f32 v3, v1;
	_ =	sdelay $0x1  }
0x1ce: {  	v0 =	vadd.f32 v4, v0;
	v1 =	vadd.f32 v5, v1;
	_ =	sdelay $0x1  }
0x1cf: {  	v0 =	vadd.f32 v6, v0;
	v1 =	vadd.f32 v7, v1;
	_ =	sdelay $0x1  }
0x1d0: {  	v0 =	vadd.f32 v1, v0  }
.Ltmp1:
0x1d1: {  	s22 =	sadd.s32 $0x10, s22;
	(pc) =	sbr.rel @p0 .LBB2_4-.Ltmp1, $4  }
0x1d2: {  	s23 =	sshra.s32 s24, $0x2;
	[tilespmem:s22+$0x0] =	vst v0  }
0x1d3: {  	v0 =	vld [tilespmem:s23+$0x7E20]  }
0x1d4: {  	v1 =	vld [tilespmem:s23+$0x7E00]  }
0x1d5: {  	s24 =	sadd.s32 $0xC80, s24;
	v2 =	vld [tilespmem:s23+$0x7E10]  }
0x1d6: {  	v3 =	vld [tilespmem:s23+$0x7E30]  }
0x1d7: {  	v4 =	vld [tilespmem:s23+$0x7E40]  }
0x1d8: {  	v5 =	vld [tilespmem:s23+$0x7E50]  }
0x1d9: {  	v6 =	vld [tilespmem:s23+$0x7E60]  }
0x1da: {  	v7 =	vld [tilespmem:s23+$0x7E70]  }
0x1db: {  	v0 =	vadd.f32 v0, v1;
	v1 =	vadd.f32 v3, v2;
	v2 =	vld [tilespmem:s23+$0x7E80]  }
0x1dc: {  	v3 =	vld [tilespmem:s23+$0x7E90]  }
0x1dd: {  	v59 =	vld [tilespmem:s23+$0x7EA0];
	v0 =	vadd.f32 v4, v0;
	v1 =	vadd.f32 v5, v1  }
0x1de: {  	v60 =	vld [tilespmem:s23+$0x7EB0]  }
0x1df: {  	v61 =	vld [tilespmem:s23+$0x7EC0];
	v0 =	vadd.f32 v6, v0;
	v1 =	vadd.f32 v7, v1  }
0x1e0: {  	v62 =	vld [tilespmem:s23+$0x7ED0]  }
0x1e1: {  	v0 =	vadd.f32 v2, v0;
	v2 =	vld [tilespmem:s23+$0x7EE0];
	v1 =	vadd.f32 v3, v1  }
0x1e2: {  	v3 =	vld [tilespmem:s23+$0x7EF0]  }
0x1e3: {  	v63 =	vld [tilespmem:s23+$0x7F00];
	v0 =	vadd.f32 v59, v0;
	v1 =	vadd.f32 v60, v1  }
0x1e4: {  	v9 =	vld [tilespmem:s23+$0x7F10]  }
0x1e5: {  	v10 =	vld [tilespmem:s23+$0x7F20];
	v0 =	vadd.f32 v61, v0;
	v1 =	vadd.f32 v62, v1  }
0x1e6: {  	v11 =	vld [tilespmem:s23+$0x7F30]  }
0x1e7: {  	v0 =	vadd.f32 v2, v0;
	v2 =	vld [tilespmem:s23+$0x7F40];
	v1 =	vadd.f32 v3, v1  }
0x1e8: {  	v3 =	vld [tilespmem:s23+$0x7F50]  }
0x1e9: {  	v12 =	vld [tilespmem:s23+$0x7F60];
	v0 =	vadd.f32 v63, v0;
	v1 =	vadd.f32 v9, v1  }
0x1ea: {  	v13 =	vld [tilespmem:s23+$0x7F70]  }
0x1eb: {  	v14 =	vld [tilespmem:s23+$0x7F80];
	v0 =	vadd.f32 v10, v0;
	v1 =	vadd.f32 v11, v1  }
0x1ec: {  	v15 =	vld [tilespmem:s23+$0x7F90]  }
0x1ed: {  	v0 =	vadd.f32 v2, v0;
	v2 =	vld [tilespmem:s23+$0x7FA0];
	v1 =	vadd.f32 v3, v1  }
0x1ee: {  	v3 =	vld [tilespmem:s23+$0x7FB0]  }
0x1ef: {  	v16 =	vld [tilespmem:s23+$0x7FC0];
	v0 =	vadd.f32 v12, v0;
	v1 =	vadd.f32 v13, v1  }
0x1f0: {  	v17 =	vld [tilespmem:s23+$0x7FD0]  }
0x1f1: {  	v18 =	vld [tilespmem:s23+$0x7FE0];
	v0 =	vadd.f32 v14, v0;
	v1 =	vadd.f32 v15, v1  }
0x1f2: {  	v19 =	vld [tilespmem:s23+$0x7FF0]  }
0x1f3: {  	v0 =	vadd.f32 v2, v0;
	v2 =	vld [tilespmem:s23+$0x8000];
	v1 =	vadd.f32 v3, v1  }
0x1f4: {  	v3 =	vld [tilespmem:s23+$0x8010]  }
0x1f5: {  	v20 =	vld [tilespmem:s23+$0x8020];
	v0 =	vadd.f32 v16, v0;
	v1 =	vadd.f32 v17, v1  }
0x1f6: {  	v21 =	vld [tilespmem:s23+$0x8030]  }
0x1f7: {  	v22 =	vld [tilespmem:s23+$0x8040];
	v0 =	vadd.f32 v18, v0;
	v1 =	vadd.f32 v19, v1  }
0x1f8: {  	v23 =	vld [tilespmem:s23+$0x8050]  }
0x1f9: {  	v0 =	vadd.f32 v2, v0;
	v2 =	vld [tilespmem:s23+$0x8060];
	v1 =	vadd.f32 v3, v1  }
0x1fa: {  	v3 =	vld [tilespmem:s23+$0x8070]  }
0x1fb: {  	v24 =	vld [tilespmem:s23+$0x8080];
	v0 =	vadd.f32 v20, v0;
	v1 =	vadd.f32 v21, v1  }
0x1fc: {  	v25 =	vld [tilespmem:s23+$0x8090]  }
0x1fd: {  	v26 =	vld [tilespmem:s23+$0x80A0];
	v0 =	vadd.f32 v22, v0;
	v1 =	vadd.f32 v23, v1  }
0x1fe: {  	v27 =	vld [tilespmem:s23+$0x80B0]  }
0x1ff: {  	v0 =	vadd.f32 v2, v0;
	v2 =	vld [tilespmem:s23+$0x80C0];
	v1 =	vadd.f32 v3, v1  }
0x200: {  	v3 =	vld [tilespmem:s23+$0x80D0]  }
0x201: {  	v28 =	vld [tilespmem:s23+$0x80E0];
	v0 =	vadd.f32 v24, v0;
	v1 =	vadd.f32 v25, v1  }
0x202: {  	v29 =	vld [tilespmem:s23+$0x80F0]  }
0x203: {  	v30 =	vld [tilespmem:s23+$0x8100];
	v0 =	vadd.f32 v26, v0;
	v1 =	vadd.f32 v27, v1  }
0x204: {  	v31 =	vld [tilespmem:s23+$0x8110]  }
0x205: {  	v0 =	vadd.f32 v2, v0;
	v1 =	vadd.f32 v3, v1;
	_ =	sdelay $0x1  }
0x206: {  	v0 =	vadd.f32 v28, v0;
	v1 =	vadd.f32 v29, v1;
	_ =	sdelay $0x1  }
0x207: {  	v0 =	vadd.f32 v30, v0;
	v1 =	vadd.f32 v31, v1;
	_ =	sdelay $0x1  }
0x208: {  	v0 =	vadd.f32 v1, v0  }
0x209: {  	s22 =	sadd.s32 $0x10, s22  }
0x20a: {  	[tilespmem:s22+$0x0] =	vst v0  }
0x20b: {  	_ =	swait.ge [sflag:s18], $0x640  }
0x20c: {  	[sflag:s18] =	ssyncset.done $0x0  }
0x20d: {  	[sflag:s18] =	ssyncadd.s32 $0xFFFFF9C0  }
0x20e: {  	_ =	swait.ge [sflag:s18], $0x640  }
0x20f: {  	[sflag:s18] =	ssyncset.done $0x0  }
0x210: {  	[sflag:s18] =	ssyncadd.s32 $0xFFFFF9C0  }
0x211: {  	_ =	swait.ge [sflag:s18], $0x640  }
0x212: {  	[sflag:s18] =	ssyncset.done $0x0  }
0x213: {  	[sflag:s18] =	ssyncadd.s32 $0xFFFFF9C0  }
0x214: {  	_ =	swait.ge [sflag:s18], $0x640  }
0x215: {  	[sflag:s18] =	ssyncset.done $0x0  }
0x216: {  	[sflag:s18] =	ssyncadd.s32 $0xFFFFF9C0  }
0x217: {  	_ =	swait.ge [sflag:s18], $0x640  }
0x218: {  	[sflag:s18] =	ssyncset.done $0x0  }
0x219: {  	[sflag:s18] =	ssyncadd.s32 $0xFFFFF9C0  }
0x21a: {  	_ =	swait.ge [sflag:s18], $0x640  }
0x21b: {  	[sflag:s18] =	ssyncset.done $0x0  }
0x21c: {  	[sflag:s18] =	ssyncadd.s32 $0xFFFFF9C0  }
0x21d: {  	_ =	swait.ge [sflag:s18], $0x640  }
0x21e: {  	[sflag:s18] =	ssyncset.done $0x0  }
0x21f: {  	[sflag:s18] =	ssyncadd.s32 $0xFFFFF9C0  }
0x220: {  	_ =	swait.ge [sflag:s18], $0x640  }
0x221: {  	[sflag:s18] =	ssyncset.done $0x0  }
0x222: {  	[sflag:s18] =	ssyncadd.s32 $0xFFFFF9C0  }
0x223: {  	_ =	swait.ge [sflag:s18], $0x640  }
0x224: {  	[sflag:s18] =	ssyncset.done $0x0  }
0x225: {  	[sflag:s18] =	ssyncadd.s32 $0xFFFFF9C0  }
0x226: {  	_ =	swait.ge [sflag:s18], $0x640  }
0x227: {  	[sflag:s18] =	ssyncset.done $0x0  }
0x228: {  	[sflag:s18] =	ssyncadd.s32 $0xFFFFF9C0  }
0x229: {  	_ =	swait.ge [sflag:s18], $0x640  }
0x22a: {  	[sflag:s18] =	ssyncset.done $0x0  }
0x22b: {  	[sflag:s18] =	ssyncadd.s32 $0xFFFFF9C0  }
0x22c: {  	_ =	swait.ge [sflag:s18], $0x640  }
0x22d: {  	[sflag:s18] =	ssyncset.done $0x0  }
0x22e: {  	[sflag:s18] =	ssyncadd.s32 $0xFFFFF9C0  }
0x22f: {  	_ =	swait.ge [sflag:s18], $0x640  }
0x230: {  	[sflag:s18] =	ssyncset.done $0x0  }
0x231: {  	[sflag:s18] =	ssyncadd.s32 $0xFFFFF9C0  }
0x232: {  	_ =	swait.ge [sflag:s18], $0x640  }
0x233: {  	[sflag:s18] =	ssyncset.done $0x0  }
0x234: {  	[sflag:s18] =	ssyncadd.s32 $0xFFFFF9C0  }
0x235: {  	_ =	swait.ge [sflag:s18], $0x640  }
0x236: {  	[sflag:s18] =	ssyncset.done $0x0  }
0x237: {  	[sflag:s18] =	ssyncadd.s32 $0xFFFFF9C0  }
0x238: {  	_ =	swait.ge [sflag:s18], $0x640  }
0x239: {  	[sflag:s18] =	ssyncset.done $0x0  }
0x23a: {  	s25 =	simm.s32 $0x0;
	[sflag:s18] =	ssyncadd.s32 $0xFFFFF9C0  }
0x23b: {  	v0 =	vld [tilespmem:s25+$0xE220]  }
0x23c: {  	v1 =	vld [tilespmem:s25+$0xE200]  }
0x23d: {  	v2 =	vld [tilespmem:s25+$0xE210]  }
0x23e: {  	v3 =	vld [tilespmem:s25+$0xE230]  }
0x23f: {  	v32 =	vld [tilespmem:s25+$0xE240]  }
0x240: {  	v33 =	vld [tilespmem:s25+$0xE250]  }
0x241: {  	v34 =	vld [tilespmem:s25+$0xE260]  }
0x242: {  	v35 =	vld [tilespmem:s25+$0xE270]  }
0x243: {  	v0 =	vadd.f32 v0, v1;
	v1 =	vadd.f32 v3, v2;
	v2 =	vld [tilespmem:s25+$0xE280]  }
0x244: {  	v3 =	vld [tilespmem:s25+$0xE290]  }
0x245: {  	v36 =	vld [tilespmem:s25+$0xE2A0];
	v0 =	vadd.f32 v32, v0;
	v1 =	vadd.f32 v33, v1  }
0x246: {  	v37 =	vld [tilespmem:s25+$0xE2B0]  }
0x247: {  	v38 =	vld [tilespmem:s25+$0xE2C0];
	v0 =	vadd.f32 v34, v0;
	v1 =	vadd.f32 v35, v1  }
0x248: {  	v39 =	vld [tilespmem:s25+$0xE2D0]  }
0x249: {  	v0 =	vadd.f32 v2, v0;
	v1 =	vadd.f32 v3, v1;
	v2 =	vld [tilespmem:s25+$0xE2E0]  }
0x24a: {  	v3 =	vld [tilespmem:s25+$0xE2F0]  }
0x24b: {  	v40 =	vld [tilespmem:s25+$0xE300];
	v0 =	vadd.f32 v36, v0;
	v1 =	vadd.f32 v37, v1  }
0x24c: {  	v41 =	vld [tilespmem:s25+$0xE310]  }
0x24d: {  	v42 =	vld [tilespmem:s25+$0xE320];
	v0 =	vadd.f32 v38, v0;
	v1 =	vadd.f32 v39, v1  }
0x24e: {  	v43 =	vld [tilespmem:s25+$0xE330]  }
0x24f: {  	v0 =	vadd.f32 v2, v0;
	v1 =	vadd.f32 v3, v1;
	v2 =	vld [tilespmem:s25+$0xE340]  }
0x250: {  	v3 =	vld [tilespmem:s25+$0xE350]  }
0x251: {  	v44 =	vld [tilespmem:s25+$0xE360];
	v0 =	vadd.f32 v40, v0;
	v1 =	vadd.f32 v41, v1  }
0x252: {  	v45 =	vld [tilespmem:s25+$0xE370]  }
0x253: {  	v46 =	vld [tilespmem:s25+$0xE380];
	v0 =	vadd.f32 v42, v0;
	v1 =	vadd.f32 v43, v1  }
0x254: {  	v47 =	vld [tilespmem:s25+$0xE390]  }
0x255: {  	v0 =	vadd.f32 v2, v0;
	v1 =	vadd.f32 v3, v1;
	v2 =	vld [tilespmem:s25+$0xE3A0]  }
0x256: {  	v3 =	vld [tilespmem:s25+$0xE3B0]  }
0x257: {  	v48 =	vld [tilespmem:s25+$0xE3C0];
	v0 =	vadd.f32 v44, v0;
	v1 =	vadd.f32 v45, v1  }
0x258: {  	v49 =	vld [tilespmem:s25+$0xE3D0]  }
0x259: {  	v50 =	vld [tilespmem:s25+$0xE3E0];
	v0 =	vadd.f32 v46, v0;
	v1 =	vadd.f32 v47, v1  }
0x25a: {  	v51 =	vld [tilespmem:s25+$0xE3F0]  }
0x25b: {  	v0 =	vadd.f32 v2, v0;
	v1 =	vadd.f32 v3, v1;
	v2 =	vld [tilespmem:s25+$0xE400]  }
0x25c: {  	v3 =	vld [tilespmem:s25+$0xE410]  }
0x25d: {  	v52 =	vld [tilespmem:s25+$0xE420];
	v0 =	vadd.f32 v48, v0;
	v1 =	vadd.f32 v49, v1  }
0x25e: {  	v53 =	vld [tilespmem:s25+$0xE430]  }
0x25f: {  	v54 =	vld [tilespmem:s25+$0xE440];
	v0 =	vadd.f32 v50, v0;
	v1 =	vadd.f32 v51, v1  }
0x260: {  	v55 =	vld [tilespmem:s25+$0xE450]  }
0x261: {  	v0 =	vadd.f32 v2, v0;
	v1 =	vadd.f32 v3, v1;
	v2 =	vld [tilespmem:s25+$0xE460]  }
0x262: {  	v3 =	vld [tilespmem:s25+$0xE470]  }
0x263: {  	v56 =	vld [tilespmem:s25+$0xE480];
	v0 =	vadd.f32 v52, v0;
	v1 =	vadd.f32 v53, v1  }
0x264: {  	v57 =	vld [tilespmem:s25+$0xE490]  }
0x265: {  	v58 =	vld [tilespmem:s25+$0xE4A0];
	v0 =	vadd.f32 v54, v0;
	v1 =	vadd.f32 v55, v1  }
0x266: {  	v59 =	vld [tilespmem:s25+$0xE4B0]  }
0x267: {  	v0 =	vadd.f32 v2, v0;
	v1 =	vadd.f32 v3, v1;
	v2 =	vld [tilespmem:s25+$0xE4C0]  }
0x268: {  	v3 =	vld [tilespmem:s25+$0xE4D0]  }
0x269: {  	v60 =	vld [tilespmem:s25+$0xE4E0];
	v0 =	vadd.f32 v56, v0;
	v1 =	vadd.f32 v57, v1  }
0x26a: {  	v61 =	vld [tilespmem:s25+$0xE4F0]  }
0x26b: {  	v62 =	vld [tilespmem:s25+$0xE500];
	v0 =	vadd.f32 v58, v0;
	v1 =	vadd.f32 v59, v1  }
0x26c: {  	v63 =	vld [tilespmem:s25+$0xE510]  }
0x26d: {  	v0 =	vadd.f32 v2, v0;
	v1 =	vadd.f32 v3, v1;
	_ =	sdelay $0x1  }
0x26e: {  	v0 =	vadd.f32 v60, v0;
	v1 =	vadd.f32 v61, v1;
	_ =	sdelay $0x1  }
0x26f: {  	v0 =	vadd.f32 v62, v0;
	v1 =	vadd.f32 v63, v1;
	_ =	sdelay $0x1  }
0x270: {  	v0 =	vadd.f32 v1, v0  }
0x271: {  	s22 =	simm.s32 $0x1AE00  }
0x272: {  	s23 =	simm.s32 $0x320;
	[tilespmem:s22+$0x0] =	vst v0  }
0x273: {  	v0 =	vld [tilespmem:s23+$0xE220]  }
0x274: {  	v1 =	vld [tilespmem:s23+$0xE200]  }
0x275: {  	s24 =	simm.s32 $0x1900;
	v2 =	vld [tilespmem:s23+$0xE210]  }
.LBB2_6:
0x276: {  	p0 =	sne.s32 s24, $0x18380;
	v3 =	vld [tilespmem:s23+$0xE230]  }
0x277: {  	v4 =	vld [tilespmem:s23+$0xE240]  }
0x278: {  	v5 =	vld [tilespmem:s23+$0xE250]  }
0x279: {  	v6 =	vld [tilespmem:s23+$0xE260]  }
0x27a: {  	v7 =	vld [tilespmem:s23+$0xE270]  }
0x27b: {  	v0 =	vadd.f32 v0, v1;
	v1 =	vadd.f32 v3, v2;
	v2 =	vld [tilespmem:s23+$0xE280]  }
0x27c: {  	v3 =	vld [tilespmem:s23+$0xE290]  }
0x27d: {  	v0 =	vadd.f32 v4, v0;
	v1 =	vadd.f32 v5, v1;
	v4 =	vld [tilespmem:s23+$0xE2A0]  }
0x27e: {  	v5 =	vld [tilespmem:s23+$0xE2B0]  }
0x27f: {  	v0 =	vadd.f32 v6, v0;
	v1 =	vadd.f32 v7, v1;
	v6 =	vld [tilespmem:s23+$0xE2C0]  }
0x280: {  	v7 =	vld [tilespmem:s23+$0xE2D0]  }
0x281: {  	v0 =	vadd.f32 v2, v0;
	v1 =	vadd.f32 v3, v1;
	v2 =	vld [tilespmem:s23+$0xE2E0]  }
0x282: {  	v3 =	vld [tilespmem:s23+$0xE2F0]  }
0x283: {  	v0 =	vadd.f32 v4, v0;
	v1 =	vadd.f32 v5, v1;
	v4 =	vld [tilespmem:s23+$0xE300]  }
0x284: {  	v5 =	vld [tilespmem:s23+$0xE310]  }
0x285: {  	v0 =	vadd.f32 v6, v0;
	v1 =	vadd.f32 v7, v1;
	v6 =	vld [tilespmem:s23+$0xE320]  }
0x286: {  	v7 =	vld [tilespmem:s23+$0xE330]  }
0x287: {  	v0 =	vadd.f32 v2, v0;
	v1 =	vadd.f32 v3, v1;
	v2 =	vld [tilespmem:s23+$0xE340]  }
0x288: {  	v3 =	vld [tilespmem:s23+$0xE350]  }
0x289: {  	v0 =	vadd.f32 v4, v0;
	v1 =	vadd.f32 v5, v1;
	v4 =	vld [tilespmem:s23+$0xE360]  }
0x28a: {  	v5 =	vld [tilespmem:s23+$0xE370]  }
0x28b: {  	v0 =	vadd.f32 v6, v0;
	v1 =	vadd.f32 v7, v1;
	v6 =	vld [tilespmem:s23+$0xE380]  }
0x28c: {  	v7 =	vld [tilespmem:s23+$0xE390]  }
0x28d: {  	v0 =	vadd.f32 v2, v0;
	v1 =	vadd.f32 v3, v1;
	v2 =	vld [tilespmem:s23+$0xE3A0]  }
0x28e: {  	v3 =	vld [tilespmem:s23+$0xE3B0]  }
0x28f: {  	v0 =	vadd.f32 v4, v0;
	v1 =	vadd.f32 v5, v1;
	v4 =	vld [tilespmem:s23+$0xE3C0]  }
0x290: {  	v5 =	vld [tilespmem:s23+$0xE3D0]  }
0x291: {  	v0 =	vadd.f32 v6, v0;
	v1 =	vadd.f32 v7, v1;
	v6 =	vld [tilespmem:s23+$0xE3E0]  }
0x292: {  	v7 =	vld [tilespmem:s23+$0xE3F0]  }
0x293: {  	v0 =	vadd.f32 v2, v0;
	v1 =	vadd.f32 v3, v1;
	v2 =	vld [tilespmem:s23+$0xE400]  }
0x294: {  	v3 =	vld [tilespmem:s23+$0xE410]  }
0x295: {  	v0 =	vadd.f32 v4, v0;
	v1 =	vadd.f32 v5, v1;
	v4 =	vld [tilespmem:s23+$0xE420]  }
0x296: {  	v5 =	vld [tilespmem:s23+$0xE430]  }
0x297: {  	v0 =	vadd.f32 v6, v0;
	v1 =	vadd.f32 v7, v1;
	v6 =	vld [tilespmem:s23+$0xE440]  }
0x298: {  	v7 =	vld [tilespmem:s23+$0xE450]  }
0x299: {  	v0 =	vadd.f32 v2, v0;
	v1 =	vadd.f32 v3, v1;
	v2 =	vld [tilespmem:s23+$0xE460]  }
0x29a: {  	v3 =	vld [tilespmem:s23+$0xE470]  }
0x29b: {  	v0 =	vadd.f32 v4, v0;
	v1 =	vadd.f32 v5, v1;
	v4 =	vld [tilespmem:s23+$0xE480]  }
0x29c: {  	v5 =	vld [tilespmem:s23+$0xE490]  }
0x29d: {  	v0 =	vadd.f32 v6, v0;
	v1 =	vadd.f32 v7, v1;
	v6 =	vld [tilespmem:s23+$0xE4A0]  }
0x29e: {  	v7 =	vld [tilespmem:s23+$0xE4B0]  }
0x29f: {  	v0 =	vadd.f32 v2, v0;
	v1 =	vadd.f32 v3, v1;
	v2 =	vld [tilespmem:s23+$0xE4C0]  }
0x2a0: {  	v3 =	vld [tilespmem:s23+$0xE4D0]  }
0x2a1: {  	v0 =	vadd.f32 v4, v0;
	v1 =	vadd.f32 v5, v1;
	v4 =	vld [tilespmem:s23+$0xE4E0]  }
0x2a2: {  	v5 =	vld [tilespmem:s23+$0xE4F0]  }
0x2a3: {  	v0 =	vadd.f32 v6, v0;
	v1 =	vadd.f32 v7, v1;
	v6 =	vld [tilespmem:s23+$0xE500]  }
0x2a4: {  	v7 =	vld [tilespmem:s23+$0xE510]  }
0x2a5: {  	v0 =	vadd.f32 v2, v0;
	v1 =	vadd.f32 v3, v1;
	_ =	sdelay $0x1  }
0x2a6: {  	v0 =	vadd.f32 v4, v0;
	v1 =	vadd.f32 v5, v1;
	_ =	sdelay $0x1  }
0x2a7: {  	v0 =	vadd.f32 v6, v0;
	v1 =	vadd.f32 v7, v1;
	_ =	sdelay $0x1  }
0x2a8: {  	v0 =	vadd.f32 v1, v0  }
.Ltmp2:
0x2a9: {  	s22 =	sadd.s32 $0x10, s22;
	(pc) =	sbr.rel @p0 .LBB2_6-.Ltmp2, $4  }
0x2aa: {  	s23 =	sshra.s32 s24, $0x2;
	[tilespmem:s22+$0x0] =	vst v0  }
0x2ab: {  	v0 =	vld [tilespmem:s23+$0xE220]  }
0x2ac: {  	v1 =	vld [tilespmem:s23+$0xE200]  }
0x2ad: {  	s24 =	sadd.s32 $0xC80, s24;
	v2 =	vld [tilespmem:s23+$0xE210]  }
0x2ae: {  	v3 =	vld [tilespmem:s23+$0xE230]  }
0x2af: {  	v4 =	vld [tilespmem:s23+$0xE240]  }
0x2b0: {  	v5 =	vld [tilespmem:s23+$0xE250]  }
0x2b1: {  	v6 =	vld [tilespmem:s23+$0xE260]  }
0x2b2: {  	v7 =	vld [tilespmem:s23+$0xE270]  }
0x2b3: {  	v0 =	vadd.f32 v0, v1;
	v1 =	vadd.f32 v3, v2;
	v2 =	vld [tilespmem:s23+$0xE280]  }
0x2b4: {  	v3 =	vld [tilespmem:s23+$0xE290]  }
0x2b5: {  	v59 =	vld [tilespmem:s23+$0xE2A0];
	v0 =	vadd.f32 v4, v0;
	v1 =	vadd.f32 v5, v1  }
0x2b6: {  	v60 =	vld [tilespmem:s23+$0xE2B0]  }
0x2b7: {  	v61 =	vld [tilespmem:s23+$0xE2C0];
	v0 =	vadd.f32 v6, v0;
	v1 =	vadd.f32 v7, v1  }
0x2b8: {  	v62 =	vld [tilespmem:s23+$0xE2D0]  }
0x2b9: {  	v0 =	vadd.f32 v2, v0;
	v2 =	vld [tilespmem:s23+$0xE2E0];
	v1 =	vadd.f32 v3, v1  }
0x2ba: {  	v3 =	vld [tilespmem:s23+$0xE2F0]  }
0x2bb: {  	v63 =	vld [tilespmem:s23+$0xE300];
	v0 =	vadd.f32 v59, v0;
	v1 =	vadd.f32 v60, v1  }
0x2bc: {  	v9 =	vld [tilespmem:s23+$0xE310]  }
0x2bd: {  	v10 =	vld [tilespmem:s23+$0xE320];
	v0 =	vadd.f32 v61, v0;
	v1 =	vadd.f32 v62, v1  }
0x2be: {  	v11 =	vld [tilespmem:s23+$0xE330]  }
0x2bf: {  	v0 =	vadd.f32 v2, v0;
	v2 =	vld [tilespmem:s23+$0xE340];
	v1 =	vadd.f32 v3, v1  }
0x2c0: {  	v3 =	vld [tilespmem:s23+$0xE350]  }
0x2c1: {  	v12 =	vld [tilespmem:s23+$0xE360];
	v0 =	vadd.f32 v63, v0;
	v1 =	vadd.f32 v9, v1  }
0x2c2: {  	v13 =	vld [tilespmem:s23+$0xE370]  }
0x2c3: {  	v14 =	vld [tilespmem:s23+$0xE380];
	v0 =	vadd.f32 v10, v0;
	v1 =	vadd.f32 v11, v1  }
0x2c4: {  	v15 =	vld [tilespmem:s23+$0xE390]  }
0x2c5: {  	v0 =	vadd.f32 v2, v0;
	v2 =	vld [tilespmem:s23+$0xE3A0];
	v1 =	vadd.f32 v3, v1  }
0x2c6: {  	v3 =	vld [tilespmem:s23+$0xE3B0]  }
0x2c7: {  	v16 =	vld [tilespmem:s23+$0xE3C0];
	v0 =	vadd.f32 v12, v0;
	v1 =	vadd.f32 v13, v1  }
0x2c8: {  	v17 =	vld [tilespmem:s23+$0xE3D0]  }
0x2c9: {  	v18 =	vld [tilespmem:s23+$0xE3E0];
	v0 =	vadd.f32 v14, v0;
	v1 =	vadd.f32 v15, v1  }
0x2ca: {  	v19 =	vld [tilespmem:s23+$0xE3F0]  }
0x2cb: {  	v0 =	vadd.f32 v2, v0;
	v2 =	vld [tilespmem:s23+$0xE400];
	v1 =	vadd.f32 v3, v1  }
0x2cc: {  	v3 =	vld [tilespmem:s23+$0xE410]  }
0x2cd: {  	v20 =	vld [tilespmem:s23+$0xE420];
	v0 =	vadd.f32 v16, v0;
	v1 =	vadd.f32 v17, v1  }
0x2ce: {  	v21 =	vld [tilespmem:s23+$0xE430]  }
0x2cf: {  	v22 =	vld [tilespmem:s23+$0xE440];
	v0 =	vadd.f32 v18, v0;
	v1 =	vadd.f32 v19, v1  }
0x2d0: {  	v23 =	vld [tilespmem:s23+$0xE450]  }
0x2d1: {  	v0 =	vadd.f32 v2, v0;
	v2 =	vld [tilespmem:s23+$0xE460];
	v1 =	vadd.f32 v3, v1  }
0x2d2: {  	v3 =	vld [tilespmem:s23+$0xE470]  }
0x2d3: {  	v24 =	vld [tilespmem:s23+$0xE480];
	v0 =	vadd.f32 v20, v0;
	v1 =	vadd.f32 v21, v1  }
0x2d4: {  	v25 =	vld [tilespmem:s23+$0xE490]  }
0x2d5: {  	v26 =	vld [tilespmem:s23+$0xE4A0];
	v0 =	vadd.f32 v22, v0;
	v1 =	vadd.f32 v23, v1  }
0x2d6: {  	v27 =	vld [tilespmem:s23+$0xE4B0]  }
0x2d7: {  	v0 =	vadd.f32 v2, v0;
	v2 =	vld [tilespmem:s23+$0xE4C0];
	v1 =	vadd.f32 v3, v1  }
0x2d8: {  	v3 =	vld [tilespmem:s23+$0xE4D0]  }
0x2d9: {  	v28 =	vld [tilespmem:s23+$0xE4E0];
	v0 =	vadd.f32 v24, v0;
	v1 =	vadd.f32 v25, v1  }
0x2da: {  	v29 =	vld [tilespmem:s23+$0xE4F0]  }
0x2db: {  	v30 =	vld [tilespmem:s23+$0xE500];
	v0 =	vadd.f32 v26, v0;
	v1 =	vadd.f32 v27, v1  }
0x2dc: {  	v31 =	vld [tilespmem:s23+$0xE510]  }
0x2dd: {  	v0 =	vadd.f32 v2, v0;
	v1 =	vadd.f32 v3, v1;
	_ =	sdelay $0x1  }
0x2de: {  	v0 =	vadd.f32 v28, v0;
	v1 =	vadd.f32 v29, v1;
	_ =	sdelay $0x1  }
0x2df: {  	v0 =	vadd.f32 v30, v0;
	v1 =	vadd.f32 v31, v1;
	_ =	sdelay $0x1  }
0x2e0: {  	v0 =	vadd.f32 v1, v0  }
0x2e1: {  	s22 =	sadd.s32 $0x10, s22  }
0x2e2: {  	[tilespmem:s22+$0x0] =	vst v0  }
0x2e3: {  	_ =	swait.ge [sflag:s19], $0x640  }
0x2e4: {  	[sflag:s19] =	ssyncset.done $0x0  }
0x2e5: {  	[sflag:s19] =	ssyncadd.s32 $0xFFFFF9C0  }
0x2e6: {  	_ =	swait.ge [sflag:s19], $0x640  }
0x2e7: {  	[sflag:s19] =	ssyncset.done $0x0  }
0x2e8: {  	[sflag:s19] =	ssyncadd.s32 $0xFFFFF9C0  }
0x2e9: {  	_ =	swait.ge [sflag:s19], $0x640  }
0x2ea: {  	[sflag:s19] =	ssyncset.done $0x0  }
0x2eb: {  	[sflag:s19] =	ssyncadd.s32 $0xFFFFF9C0  }
0x2ec: {  	_ =	swait.ge [sflag:s19], $0x640  }
0x2ed: {  	[sflag:s19] =	ssyncset.done $0x0  }
0x2ee: {  	[sflag:s19] =	ssyncadd.s32 $0xFFFFF9C0  }
0x2ef: {  	_ =	swait.ge [sflag:s19], $0x640  }
0x2f0: {  	[sflag:s19] =	ssyncset.done $0x0  }
0x2f1: {  	[sflag:s19] =	ssyncadd.s32 $0xFFFFF9C0  }
0x2f2: {  	_ =	swait.ge [sflag:s19], $0x640  }
0x2f3: {  	[sflag:s19] =	ssyncset.done $0x0  }
0x2f4: {  	[sflag:s19] =	ssyncadd.s32 $0xFFFFF9C0  }
0x2f5: {  	_ =	swait.ge [sflag:s19], $0x640  }
0x2f6: {  	[sflag:s19] =	ssyncset.done $0x0  }
0x2f7: {  	[sflag:s19] =	ssyncadd.s32 $0xFFFFF9C0  }
0x2f8: {  	_ =	swait.ge [sflag:s19], $0x640  }
0x2f9: {  	[sflag:s19] =	ssyncset.done $0x0  }
0x2fa: {  	[sflag:s19] =	ssyncadd.s32 $0xFFFFF9C0  }
0x2fb: {  	_ =	swait.ge [sflag:s19], $0x640  }
0x2fc: {  	[sflag:s19] =	ssyncset.done $0x0  }
0x2fd: {  	[sflag:s19] =	ssyncadd.s32 $0xFFFFF9C0  }
0x2fe: {  	_ =	swait.ge [sflag:s19], $0x640  }
0x2ff: {  	[sflag:s19] =	ssyncset.done $0x0  }
0x300: {  	[sflag:s19] =	ssyncadd.s32 $0xFFFFF9C0  }
0x301: {  	_ =	swait.ge [sflag:s19], $0x640  }
0x302: {  	[sflag:s19] =	ssyncset.done $0x0  }
0x303: {  	[sflag:s19] =	ssyncadd.s32 $0xFFFFF9C0  }
0x304: {  	_ =	swait.ge [sflag:s19], $0x640  }
0x305: {  	[sflag:s19] =	ssyncset.done $0x0  }
0x306: {  	[sflag:s19] =	ssyncadd.s32 $0xFFFFF9C0  }
0x307: {  	_ =	swait.ge [sflag:s19], $0x640  }
0x308: {  	[sflag:s19] =	ssyncset.done $0x0  }
0x309: {  	[sflag:s19] =	ssyncadd.s32 $0xFFFFF9C0  }
0x30a: {  	_ =	swait.ge [sflag:s19], $0x640  }
0x30b: {  	[sflag:s19] =	ssyncset.done $0x0  }
0x30c: {  	[sflag:s19] =	ssyncadd.s32 $0xFFFFF9C0  }
0x30d: {  	_ =	swait.ge [sflag:s19], $0x640  }
0x30e: {  	[sflag:s19] =	ssyncset.done $0x0  }
0x30f: {  	[sflag:s19] =	ssyncadd.s32 $0xFFFFF9C0  }
0x310: {  	_ =	swait.ge [sflag:s19], $0x640  }
0x311: {  	[sflag:s19] =	ssyncset.done $0x0  }
0x312: {  	s25 =	simm.s32 $0x0;
	[sflag:s19] =	ssyncadd.s32 $0xFFFFF9C0  }
0x313: {  	v0 =	vld [tilespmem:s25+$0x14620]  }
0x314: {  	v1 =	vld [tilespmem:s25+$0x14600]  }
0x315: {  	v2 =	vld [tilespmem:s25+$0x14610]  }
0x316: {  	v3 =	vld [tilespmem:s25+$0x14630]  }
0x317: {  	v32 =	vld [tilespmem:s25+$0x14640]  }
0x318: {  	v33 =	vld [tilespmem:s25+$0x14650]  }
0x319: {  	v34 =	vld [tilespmem:s25+$0x14660]  }
0x31a: {  	v35 =	vld [tilespmem:s25+$0x14670]  }
0x31b: {  	v0 =	vadd.f32 v0, v1;
	v1 =	vadd.f32 v3, v2;
	v2 =	vld [tilespmem:s25+$0x14680]  }
0x31c: {  	v3 =	vld [tilespmem:s25+$0x14690]  }
0x31d: {  	v36 =	vld [tilespmem:s25+$0x146A0];
	v0 =	vadd.f32 v32, v0;
	v1 =	vadd.f32 v33, v1  }
0x31e: {  	v37 =	vld [tilespmem:s25+$0x146B0]  }
0x31f: {  	v38 =	vld [tilespmem:s25+$0x146C0];
	v0 =	vadd.f32 v34, v0;
	v1 =	vadd.f32 v35, v1  }
0x320: {  	v39 =	vld [tilespmem:s25+$0x146D0]  }
0x321: {  	v0 =	vadd.f32 v2, v0;
	v1 =	vadd.f32 v3, v1;
	v2 =	vld [tilespmem:s25+$0x146E0]  }
0x322: {  	v3 =	vld [tilespmem:s25+$0x146F0]  }
0x323: {  	v40 =	vld [tilespmem:s25+$0x14700];
	v0 =	vadd.f32 v36, v0;
	v1 =	vadd.f32 v37, v1  }
0x324: {  	v41 =	vld [tilespmem:s25+$0x14710]  }
0x325: {  	v42 =	vld [tilespmem:s25+$0x14720];
	v0 =	vadd.f32 v38, v0;
	v1 =	vadd.f32 v39, v1  }
0x326: {  	v43 =	vld [tilespmem:s25+$0x14730]  }
0x327: {  	v0 =	vadd.f32 v2, v0;
	v1 =	vadd.f32 v3, v1;
	v2 =	vld [tilespmem:s25+$0x14740]  }
0x328: {  	v3 =	vld [tilespmem:s25+$0x14750]  }
0x329: {  	v44 =	vld [tilespmem:s25+$0x14760];
	v0 =	vadd.f32 v40, v0;
	v1 =	vadd.f32 v41, v1  }
0x32a: {  	v45 =	vld [tilespmem:s25+$0x14770]  }
0x32b: {  	v46 =	vld [tilespmem:s25+$0x14780];
	v0 =	vadd.f32 v42, v0;
	v1 =	vadd.f32 v43, v1  }
0x32c: {  	v47 =	vld [tilespmem:s25+$0x14790]  }
0x32d: {  	v0 =	vadd.f32 v2, v0;
	v1 =	vadd.f32 v3, v1;
	v2 =	vld [tilespmem:s25+$0x147A0]  }
0x32e: {  	v3 =	vld [tilespmem:s25+$0x147B0]  }
0x32f: {  	v48 =	vld [tilespmem:s25+$0x147C0];
	v0 =	vadd.f32 v44, v0;
	v1 =	vadd.f32 v45, v1  }
0x330: {  	v49 =	vld [tilespmem:s25+$0x147D0]  }
0x331: {  	v50 =	vld [tilespmem:s25+$0x147E0];
	v0 =	vadd.f32 v46, v0;
	v1 =	vadd.f32 v47, v1  }
0x332: {  	v51 =	vld [tilespmem:s25+$0x147F0]  }
0x333: {  	v0 =	vadd.f32 v2, v0;
	v1 =	vadd.f32 v3, v1;
	v2 =	vld [tilespmem:s25+$0x14800]  }
0x334: {  	v3 =	vld [tilespmem:s25+$0x14810]  }
0x335: {  	v52 =	vld [tilespmem:s25+$0x14820];
	v0 =	vadd.f32 v48, v0;
	v1 =	vadd.f32 v49, v1  }
0x336: {  	v53 =	vld [tilespmem:s25+$0x14830]  }
0x337: {  	v54 =	vld [tilespmem:s25+$0x14840];
	v0 =	vadd.f32 v50, v0;
	v1 =	vadd.f32 v51, v1  }
0x338: {  	v55 =	vld [tilespmem:s25+$0x14850]  }
0x339: {  	v0 =	vadd.f32 v2, v0;
	v1 =	vadd.f32 v3, v1;
	v2 =	vld [tilespmem:s25+$0x14860]  }
0x33a: {  	v3 =	vld [tilespmem:s25+$0x14870]  }
0x33b: {  	v56 =	vld [tilespmem:s25+$0x14880];
	v0 =	vadd.f32 v52, v0;
	v1 =	vadd.f32 v53, v1  }
0x33c: {  	v57 =	vld [tilespmem:s25+$0x14890]  }
0x33d: {  	v58 =	vld [tilespmem:s25+$0x148A0];
	v0 =	vadd.f32 v54, v0;
	v1 =	vadd.f32 v55, v1  }
0x33e: {  	v59 =	vld [tilespmem:s25+$0x148B0]  }
0x33f: {  	v0 =	vadd.f32 v2, v0;
	v1 =	vadd.f32 v3, v1;
	v2 =	vld [tilespmem:s25+$0x148C0]  }
0x340: {  	v3 =	vld [tilespmem:s25+$0x148D0]  }
0x341: {  	v60 =	vld [tilespmem:s25+$0x148E0];
	v0 =	vadd.f32 v56, v0;
	v1 =	vadd.f32 v57, v1  }
0x342: {  	v61 =	vld [tilespmem:s25+$0x148F0]  }
0x343: {  	v62 =	vld [tilespmem:s25+$0x14900];
	v0 =	vadd.f32 v58, v0;
	v1 =	vadd.f32 v59, v1  }
0x344: {  	v63 =	vld [tilespmem:s25+$0x14910]  }
0x345: {  	v0 =	vadd.f32 v2, v0;
	v1 =	vadd.f32 v3, v1;
	_ =	sdelay $0x1  }
0x346: {  	v0 =	vadd.f32 v60, v0;
	v1 =	vadd.f32 v61, v1;
	_ =	sdelay $0x1  }
0x347: {  	v0 =	vadd.f32 v62, v0;
	v1 =	vadd.f32 v63, v1;
	_ =	sdelay $0x1  }
0x348: {  	v0 =	vadd.f32 v1, v0  }
0x349: {  	s22 =	simm.s32 $0x1B000  }
0x34a: {  	s23 =	simm.s32 $0x320;
	[tilespmem:s22+$0x0] =	vst v0  }
0x34b: {  	v0 =	vld [tilespmem:s23+$0x14620]  }
0x34c: {  	v1 =	vld [tilespmem:s23+$0x14600]  }
0x34d: {  	s24 =	simm.s32 $0x1900;
	v2 =	vld [tilespmem:s23+$0x14610]  }
.LBB2_8:
0x34e: {  	p0 =	sne.s32 s24, $0x18380;
	v3 =	vld [tilespmem:s23+$0x14630]  }
0x34f: {  	v4 =	vld [tilespmem:s23+$0x14640]  }
0x350: {  	v5 =	vld [tilespmem:s23+$0x14650]  }
0x351: {  	v6 =	vld [tilespmem:s23+$0x14660]  }
0x352: {  	v7 =	vld [tilespmem:s23+$0x14670]  }
0x353: {  	v0 =	vadd.f32 v0, v1;
	v1 =	vadd.f32 v3, v2;
	v2 =	vld [tilespmem:s23+$0x14680]  }
0x354: {  	v3 =	vld [tilespmem:s23+$0x14690]  }
0x355: {  	v0 =	vadd.f32 v4, v0;
	v1 =	vadd.f32 v5, v1;
	v4 =	vld [tilespmem:s23+$0x146A0]  }
0x356: {  	v5 =	vld [tilespmem:s23+$0x146B0]  }
0x357: {  	v0 =	vadd.f32 v6, v0;
	v1 =	vadd.f32 v7, v1;
	v6 =	vld [tilespmem:s23+$0x146C0]  }
0x358: {  	v7 =	vld [tilespmem:s23+$0x146D0]  }
0x359: {  	v0 =	vadd.f32 v2, v0;
	v1 =	vadd.f32 v3, v1;
	v2 =	vld [tilespmem:s23+$0x146E0]  }
0x35a: {  	v3 =	vld [tilespmem:s23+$0x146F0]  }
0x35b: {  	v0 =	vadd.f32 v4, v0;
	v1 =	vadd.f32 v5, v1;
	v4 =	vld [tilespmem:s23+$0x14700]  }
0x35c: {  	v5 =	vld [tilespmem:s23+$0x14710]  }
0x35d: {  	v0 =	vadd.f32 v6, v0;
	v1 =	vadd.f32 v7, v1;
	v6 =	vld [tilespmem:s23+$0x14720]  }
0x35e: {  	v7 =	vld [tilespmem:s23+$0x14730]  }
0x35f: {  	v0 =	vadd.f32 v2, v0;
	v1 =	vadd.f32 v3, v1;
	v2 =	vld [tilespmem:s23+$0x14740]  }
0x360: {  	v3 =	vld [tilespmem:s23+$0x14750]  }
0x361: {  	v0 =	vadd.f32 v4, v0;
	v1 =	vadd.f32 v5, v1;
	v4 =	vld [tilespmem:s23+$0x14760]  }
0x362: {  	v5 =	vld [tilespmem:s23+$0x14770]  }
0x363: {  	v0 =	vadd.f32 v6, v0;
	v1 =	vadd.f32 v7, v1;
	v6 =	vld [tilespmem:s23+$0x14780]  }
0x364: {  	v7 =	vld [tilespmem:s23+$0x14790]  }
0x365: {  	v0 =	vadd.f32 v2, v0;
	v1 =	vadd.f32 v3, v1;
	v2 =	vld [tilespmem:s23+$0x147A0]  }
0x366: {  	v3 =	vld [tilespmem:s23+$0x147B0]  }
0x367: {  	v0 =	vadd.f32 v4, v0;
	v1 =	vadd.f32 v5, v1;
	v4 =	vld [tilespmem:s23+$0x147C0]  }
0x368: {  	v5 =	vld [tilespmem:s23+$0x147D0]  }
0x369: {  	v0 =	vadd.f32 v6, v0;
	v1 =	vadd.f32 v7, v1;
	v6 =	vld [tilespmem:s23+$0x147E0]  }
0x36a: {  	v7 =	vld [tilespmem:s23+$0x147F0]  }
0x36b: {  	v0 =	vadd.f32 v2, v0;
	v1 =	vadd.f32 v3, v1;
	v2 =	vld [tilespmem:s23+$0x14800]  }
0x36c: {  	v3 =	vld [tilespmem:s23+$0x14810]  }
0x36d: {  	v0 =	vadd.f32 v4, v0;
	v1 =	vadd.f32 v5, v1;
	v4 =	vld [tilespmem:s23+$0x14820]  }
0x36e: {  	v5 =	vld [tilespmem:s23+$0x14830]  }
0x36f: {  	v0 =	vadd.f32 v6, v0;
	v1 =	vadd.f32 v7, v1;
	v6 =	vld [tilespmem:s23+$0x14840]  }
0x370: {  	v7 =	vld [tilespmem:s23+$0x14850]  }
0x371: {  	v0 =	vadd.f32 v2, v0;
	v1 =	vadd.f32 v3, v1;
	v2 =	vld [tilespmem:s23+$0x14860]  }
0x372: {  	v3 =	vld [tilespmem:s23+$0x14870]  }
0x373: {  	v0 =	vadd.f32 v4, v0;
	v1 =	vadd.f32 v5, v1;
	v4 =	vld [tilespmem:s23+$0x14880]  }
0x374: {  	v5 =	vld [tilespmem:s23+$0x14890]  }
0x375: {  	v0 =	vadd.f32 v6, v0;
	v1 =	vadd.f32 v7, v1;
	v6 =	vld [tilespmem:s23+$0x148A0]  }
0x376: {  	v7 =	vld [tilespmem:s23+$0x148B0]  }
0x377: {  	v0 =	vadd.f32 v2, v0;
	v1 =	vadd.f32 v3, v1;
	v2 =	vld [tilespmem:s23+$0x148C0]  }
0x378: {  	v3 =	vld [tilespmem:s23+$0x148D0]  }
0x379: {  	v0 =	vadd.f32 v4, v0;
	v1 =	vadd.f32 v5, v1;
	v4 =	vld [tilespmem:s23+$0x148E0]  }
0x37a: {  	v5 =	vld [tilespmem:s23+$0x148F0]  }
0x37b: {  	v0 =	vadd.f32 v6, v0;
	v1 =	vadd.f32 v7, v1;
	v6 =	vld [tilespmem:s23+$0x14900]  }
0x37c: {  	v7 =	vld [tilespmem:s23+$0x14910]  }
0x37d: {  	v0 =	vadd.f32 v2, v0;
	v1 =	vadd.f32 v3, v1;
	_ =	sdelay $0x1  }
0x37e: {  	v0 =	vadd.f32 v4, v0;
	v1 =	vadd.f32 v5, v1;
	_ =	sdelay $0x1  }
0x37f: {  	v0 =	vadd.f32 v6, v0;
	v1 =	vadd.f32 v7, v1;
	_ =	sdelay $0x1  }
0x380: {  	v0 =	vadd.f32 v1, v0  }
.Ltmp3:
0x381: {  	s22 =	sadd.s32 $0x10, s22;
	(pc) =	sbr.rel @p0 .LBB2_8-.Ltmp3, $4  }
0x382: {  	s23 =	sshra.s32 s24, $0x2;
	[tilespmem:s22+$0x0] =	vst v0  }
0x383: {  	v0 =	vld [tilespmem:s23+$0x14620]  }
0x384: {  	v1 =	vld [tilespmem:s23+$0x14600]  }
0x385: {  	s24 =	sadd.s32 $0xC80, s24;
	v2 =	vld [tilespmem:s23+$0x14610]  }
0x386: {  	v3 =	vld [tilespmem:s23+$0x14630]  }
0x387: {  	v4 =	vld [tilespmem:s23+$0x14640]  }
0x388: {  	v5 =	vld [tilespmem:s23+$0x14650]  }
0x389: {  	v6 =	vld [tilespmem:s23+$0x14660]  }
0x38a: {  	v7 =	vld [tilespmem:s23+$0x14670]  }
0x38b: {  	v22 =	vld [tilespmem:s23+$0x14680];
	v0 =	vadd.f32 v0, v1;
	v21 =	vadd.f32 v3, v2  }
0x38c: {  	v23 =	vld [tilespmem:s23+$0x14690]  }
0x38d: {  	v24 =	vld [tilespmem:s23+$0x146A0];
	v0 =	vadd.f32 v4, v0;
	v1 =	vadd.f32 v5, v21  }
0x38e: {  	v25 =	vld [tilespmem:s23+$0x146B0]  }
0x38f: {  	v26 =	vld [tilespmem:s23+$0x146C0];
	v0 =	vadd.f32 v6, v0;
	v1 =	vadd.f32 v7, v1  }
0x390: {  	v27 =	vld [tilespmem:s23+$0x146D0]  }
0x391: {  	v28 =	vld [tilespmem:s23+$0x146E0];
	v0 =	vadd.f32 v22, v0;
	v1 =	vadd.f32 v23, v1  }
0x392: {  	v29 =	vld [tilespmem:s23+$0x146F0]  }
0x393: {  	v30 =	vld [tilespmem:s23+$0x14700];
	v0 =	vadd.f32 v24, v0;
	v1 =	vadd.f32 v25, v1  }
0x394: {  	v31 =	vld [tilespmem:s23+$0x14710]  }
0x395: {  	v32 =	vld [tilespmem:s23+$0x14720];
	v0 =	vadd.f32 v26, v0;
	v1 =	vadd.f32 v27, v1  }
0x396: {  	v33 =	vld [tilespmem:s23+$0x14730]  }
0x397: {  	v34 =	vld [tilespmem:s23+$0x14740];
	v0 =	vadd.f32 v28, v0;
	v1 =	vadd.f32 v29, v1  }
0x398: {  	v35 =	vld [tilespmem:s23+$0x14750]  }
0x399: {  	v36 =	vld [tilespmem:s23+$0x14760];
	v0 =	vadd.f32 v30, v0;
	v1 =	vadd.f32 v31, v1  }
0x39a: {  	v37 =	vld [tilespmem:s23+$0x14770]  }
0x39b: {  	v38 =	vld [tilespmem:s23+$0x14780];
	v0 =	vadd.f32 v32, v0;
	v1 =	vadd.f32 v33, v1  }
0x39c: {  	v39 =	vld [tilespmem:s23+$0x14790]  }
0x39d: {  	v40 =	vld [tilespmem:s23+$0x147A0];
	v0 =	vadd.f32 v34, v0;
	v1 =	vadd.f32 v35, v1  }
0x39e: {  	v41 =	vld [tilespmem:s23+$0x147B0]  }
0x39f: {  	v42 =	vld [tilespmem:s23+$0x147C0];
	v0 =	vadd.f32 v36, v0;
	v1 =	vadd.f32 v37, v1  }
0x3a0: {  	v43 =	vld [tilespmem:s23+$0x147D0]  }
0x3a1: {  	v44 =	vld [tilespmem:s23+$0x147E0];
	v0 =	vadd.f32 v38, v0;
	v1 =	vadd.f32 v39, v1  }
0x3a2: {  	v45 =	vld [tilespmem:s23+$0x147F0]  }
0x3a3: {  	v46 =	vld [tilespmem:s23+$0x14800];
	v0 =	vadd.f32 v40, v0;
	v1 =	vadd.f32 v41, v1  }
0x3a4: {  	v47 =	vld [tilespmem:s23+$0x14810]  }
0x3a5: {  	v48 =	vld [tilespmem:s23+$0x14820];
	v0 =	vadd.f32 v42, v0;
	v1 =	vadd.f32 v43, v1  }
0x3a6: {  	v49 =	vld [tilespmem:s23+$0x14830]  }
0x3a7: {  	v50 =	vld [tilespmem:s23+$0x14840];
	v0 =	vadd.f32 v44, v0;
	v1 =	vadd.f32 v45, v1  }
0x3a8: {  	v51 =	vld [tilespmem:s23+$0x14850]  }
0x3a9: {  	v52 =	vld [tilespmem:s23+$0x14860];
	v0 =	vadd.f32 v46, v0;
	v1 =	vadd.f32 v47, v1  }
0x3aa: {  	v53 =	vld [tilespmem:s23+$0x14870]  }
0x3ab: {  	v54 =	vld [tilespmem:s23+$0x14880];
	v0 =	vadd.f32 v48, v0;
	v1 =	vadd.f32 v49, v1  }
0x3ac: {  	v55 =	vld [tilespmem:s23+$0x14890]  }
0x3ad: {  	v56 =	vld [tilespmem:s23+$0x148A0];
	v0 =	vadd.f32 v50, v0;
	v1 =	vadd.f32 v51, v1  }
0x3ae: {  	v57 =	vld [tilespmem:s23+$0x148B0]  }
0x3af: {  	v58 =	vld [tilespmem:s23+$0x148C0];
	v0 =	vadd.f32 v52, v0;
	v1 =	vadd.f32 v53, v1  }
0x3b0: {  	v59 =	vld [tilespmem:s23+$0x148D0]  }
0x3b1: {  	v60 =	vld [tilespmem:s23+$0x148E0];
	v0 =	vadd.f32 v54, v0;
	v1 =	vadd.f32 v55, v1  }
0x3b2: {  	v61 =	vld [tilespmem:s23+$0x148F0]  }
0x3b3: {  	v62 =	vld [tilespmem:s23+$0x14900];
	v0 =	vadd.f32 v56, v0;
	v1 =	vadd.f32 v57, v1  }
0x3b4: {  	v63 =	vld [tilespmem:s23+$0x14910]  }
0x3b5: {  	v0 =	vadd.f32 v58, v0;
	v1 =	vadd.f32 v59, v1;
	_ =	sdelay $0x1  }
0x3b6: {  	v0 =	vadd.f32 v60, v0;
	v1 =	vadd.f32 v61, v1;
	_ =	sdelay $0x1  }
0x3b7: {  	v0 =	vadd.f32 v62, v0;
	v1 =	vadd.f32 v63, v1;
	_ =	sdelay $0x1  }
0x3b8: {  	s21 =	sadd.s32 $0x1, s21;
	v0 =	vadd.f32 v1, v0  }
0x3b9: {  	s22 =	sadd.s32 $0x10, s22;
	p0 =	sne.s32 s21, s6  }
.Ltmp4:
0x3ba: {  	[tilespmem:s22+$0x0] =	vst v0;
	(pc) =	sbr.rel @p0 .LBB2_1-.Ltmp4, $4  }
0x3bb: {  	[hbm4b:s5+s2] =	stream.linear.scatter [tilespmem:s20], [sflag:$0x5], $0x800, $0x38;
	[tilespmem:$0x1B200] =	vst v63  }
0x3bc: {  	_ =	swait.ge [sflag:s7], $0x800  }
0x3bd: {  	[sflag:s7] =	ssyncset.done $0x0  }
0x3be: {  	[sflag:s7] =	ssyncadd.s32 $0xFFFFF800  }
0x3bf: {  	_ =	sfence.sel $0x180000  }
0x3c0: {  	[bflag:$0x0] =	sbarrier.arrive $0xFFFF  }
0x3c1: {  	_ =	strace $0x90000047  }
0x3c2: {  	s0 =	stileid.u32;
	[bflag:$0x2] =	sbarrier.arrive $0xFFFF  }
0x3c3: {  	p0 =	sne.s32 s0, $0x0;
	s0 =	rddreg [dreg:$0x1]  }
0x3c4: {  	s0 =	sadd.s32 @!p0 $0x100000, s0  }
0x3c5: {  	[sflag:s0] =	ssyncadd.tile.s32 @!p0 $0x1;
	_ =	shalt  }
.Lfunc_end2:
_tile_overlayer_lowered:
.L_overlay_start_2:
0x3c6: {  	(tag) =	ssettag $0x2  }
0x3c7: {  	s0 =	rddreg [dreg:$0x0];
	s2 =	stileid.u32  }
0x3c8: {  	s1 =	rddreg [dreg:$0x1];
	p0 =	sne.s32 s2, $0x0  }
0x3c9: {  	s3 =	rddreg [dreg:$0x2];
	[bflag:$0x3] =	sbarrier.arrive $0xFFFF;
	s2 =	simm.s32 @!p0 $0x1C05  }
0x3ca: {  	[timem:s3], [sflag:s2] =	dma.local @!p0 [hbm:s0], s1  }
0x3cb: {  	s0 =	simm.s32 @!p0 $0x5  }
0x3cc: {  	_ =	swait.ge @!p0 [sflag:s0], s1  }
0x3cd: {  	s1 =	ssub.s32 @!p0 $0x0, s1;
	[sflag:s0] =	ssyncset.done @!p0 $0x0  }
0x3ce: {  	[sflag:s0] =	ssyncadd.s32 @!p0 s1  }
0x3cf: {  	[bflag:$0x3] =	sbarrier.arrive $0xFFFF  }
0x3d0: {  	_ =	shalt  }

</sc_bundles>
